<compile_context>
chip_gen: v7x
topology: tpu7x:2x2x1
jax: 0.10.2.dev20260603
libtpu: 0.0.44.dev20260713+nightly
codegen_flags: <defaults>
</compile_context>

<pallas_src>
import functools

import jax
import jax.numpy as jnp
from jax import lax
from jax.experimental import pallas as pl
from jax.experimental.pallas import tpu as pltpu
from jax.experimental.pallas import tpu_sc as plsc

E = 64
TOP_K = 2
H = 768
I_DIM = 768
T = 2048
ALPHA = 1.702
LIMIT = 7.0

CH = 128
P = 4864

SC_CORES = 2
SC_SUBCORES = 16
SC_LANES = 16



_RB = 128


def _router_body(x_ref, rw_ref, rb_ref, pa_ref, pb_ref, w1_ref, w2_ref,
                 st_ref, en_ref):
    x = x_ref[...]
    rw = rw_ref[...]
    logits = lax.dot_general(x, rw, (((1,), (1,)), ((), ())),
                             preferred_element_type=jnp.float32)
    logits = logits + rb_ref[...][None, :]
    cols = lax.broadcasted_iota(jnp.int32, logits.shape, 1)
    l1 = jnp.max(logits, axis=1, keepdims=True)
    i1 = jnp.min(jnp.where(logits == l1, cols, E), axis=1, keepdims=True)
    oh1 = cols == i1
    masked = jnp.where(oh1, -jnp.inf, logits)
    l2 = jnp.max(masked, axis=1, keepdims=True)
    i2 = jnp.min(jnp.where(masked == l2, cols, E), axis=1, keepdims=True)
    oh2 = cols == i2
    w1 = 1.0 / (1.0 + jnp.exp(l2 - l1))
    w1_ref[...] = w1[:, 0]
    w2_ref[...] = 1.0 - w1[:, 0]

    oh1f = oh1.astype(jnp.float32)
    oh2f = oh2.astype(jnp.float32)
    ohf = oh1f + oh2f
    counts = jnp.sum(ohf, axis=0, keepdims=True)
    pcounts = jnp.ceil(counts / 8.0) * 8.0
    ce = lax.broadcasted_iota(jnp.int32, (E, E), 0)
    re = lax.broadcasted_iota(jnp.int32, (E, E), 1)
    tri_e = jnp.where(ce < re, 1.0, 0.0)
    starts = jnp.dot(pcounts, tri_e,
                     preferred_element_type=jnp.float32)
    st_ref[...] = starts[0].astype(jnp.int32)
    en_ref[...] = (starts[0] + counts[0]).astype(jnp.int32)

    rb_i = lax.broadcasted_iota(jnp.int32, (_RB, _RB), 0)
    cb_i = lax.broadcasted_iota(jnp.int32, (_RB, _RB), 1)
    tri_b = jnp.where(cb_i < rb_i, 1.0, 0.0)
    pref = jnp.zeros((1, E), jnp.float32)
    for b in range(T // _RB):
        sl = slice(b * _RB, (b + 1) * _RB)
        seg = ohf[sl]
        rank = jnp.dot(tri_b, seg,
                       preferred_element_type=jnp.float32) + pref
        pos_a = jnp.sum((starts + rank) * oh1f[sl], axis=1)
        pos_b = jnp.sum((starts + rank) * oh2f[sl], axis=1)
        pa_ref[sl] = pos_a.astype(jnp.int32)
        pb_ref[sl] = pos_b.astype(jnp.int32)
        pref = pref + jnp.sum(seg, axis=0, keepdims=True)


def _router_tc(x, rw, rb):
    return pl.pallas_call(
        _router_body,
        out_shape=(
            jax.ShapeDtypeStruct((T,), jnp.int32),
            jax.ShapeDtypeStruct((T,), jnp.int32),
            jax.ShapeDtypeStruct((T,), jnp.float32),
            jax.ShapeDtypeStruct((T,), jnp.float32),
            jax.ShapeDtypeStruct((E,), jnp.int32),
            jax.ShapeDtypeStruct((E,), jnp.int32),
        ),
    )(x, rw, rb)



def _sc_gather(x, pos_a, pos_b):
    nc, ns = SC_CORES, SC_SUBCORES
    nw = nc * ns
    tpw = T // nw
    mesh = plsc.VectorSubcoreMesh(core_axis_name="c", subcore_axis_name="s")

    @functools.partial(
        pl.kernel, mesh=mesh,
        out_type=jax.ShapeDtypeStruct((P, H), jnp.float32),
        scratch_types=[
            pltpu.VMEM((tpw,), jnp.int32),
            pltpu.VMEM((tpw,), jnp.int32),
            pltpu.VMEM((tpw, H), jnp.float32),
            pltpu.SemaphoreType.DMA,
            pltpu.SemaphoreType.DMA,
        ],
    )
    def scatter_rows(x_hbm, pa_hbm, pb_hbm, out_hbm, ia_v, ib_v, rows,
                     sem_a, sem_b):
        wid = lax.axis_index("s") * nc + lax.axis_index("c")
        base = wid * tpw
        pltpu.sync_copy(pa_hbm.at[pl.ds(base, tpw)], ia_v)
        pltpu.sync_copy(pb_hbm.at[pl.ds(base, tpw)], ib_v)
        pltpu.sync_copy(x_hbm.at[pl.ds(base, tpw)], rows)
        wa = pltpu.async_copy(rows, out_hbm.at[ia_v], sem_a)
        wb = pltpu.async_copy(rows, out_hbm.at[ib_v], sem_b)
        wa.wait()
        wb.wait()

    return scatter_rows(x, pos_a, pos_b)



def _mlp_body(starts_ref, ends_ref, xs_ref, wg_ref, bg_ref, wu_ref, bu_ref,
              wd_ref, bd_ref, sc_ref, y_ref):
    e = pl.program_id(0)
    start = pl.multiple_of(starts_ref[e], 8)
    end = ends_ref[e]
    n = (end - start + (CH - 1)) // CH

    def chunk(j, carry):
        base = start + j * CH
        xs = xs_ref[pl.ds(base, CH), :]
        g = jnp.dot(xs, wg_ref[0], preferred_element_type=jnp.float32)
        g = g + bg_ref[0]
        u = jnp.dot(xs, wu_ref[0], preferred_element_type=jnp.float32)
        u = u + bu_ref[0]
        g = jnp.minimum(g, LIMIT)
        u = jnp.clip(u, -LIMIT, LIMIT)
        h = g * (1.0 / (1.0 + jnp.exp(-ALPHA * g))) * (u + 1.0)
        y = jnp.dot(h, wd_ref[0], preferred_element_type=jnp.float32)
        y = (y + bd_ref[0]) * sc_ref[pl.ds(base, CH), :]
        y_ref[pl.ds(base, CH), :] = y
        return carry

    lax.fori_loop(0, n, chunk, 0)


def _mlp_tc(starts, ends, xs, w_gate, b_gate, w_up, b_up, w_down, b_down,
            scale):
    grid_spec = pltpu.PrefetchScalarGridSpec(
        num_scalar_prefetch=2,
        grid=(E,),
        in_specs=[
            pl.BlockSpec((P, H), lambda e, s0, s1: (0, 0)),
            pl.BlockSpec((1, H, I_DIM), lambda e, s0, s1: (e, 0, 0)),
            pl.BlockSpec((1, 1, I_DIM), lambda e, s0, s1: (e, 0, 0)),
            pl.BlockSpec((1, H, I_DIM), lambda e, s0, s1: (e, 0, 0)),
            pl.BlockSpec((1, 1, I_DIM), lambda e, s0, s1: (e, 0, 0)),
            pl.BlockSpec((1, I_DIM, H), lambda e, s0, s1: (e, 0, 0)),
            pl.BlockSpec((1, 1, H), lambda e, s0, s1: (e, 0, 0)),
            pl.BlockSpec((P, 1), lambda e, s0, s1: (0, 0)),
        ],
        out_specs=pl.BlockSpec((P, H), lambda e, s0, s1: (0, 0)),
    )
    return pl.pallas_call(
        _mlp_body,
        grid_spec=grid_spec,
        out_shape=jax.ShapeDtypeStruct((P, H), jnp.float32),
        compiler_params=pltpu.CompilerParams(
            dimension_semantics=("arbitrary",)),
    )(starts, ends, xs, w_gate, b_gate[:, None, :], w_up, b_up[:, None, :],
      w_down, b_down[:, None, :], scale[:, None])



def _sc_combine(ys, pos_a, pos_b):
    nc, ns, lanes = SC_CORES, SC_SUBCORES, SC_LANES
    nw = nc * ns
    bpt = T // nw
    mesh = plsc.VectorSubcoreMesh(core_axis_name="c", subcore_axis_name="s")

    @functools.partial(
        pl.kernel, mesh=mesh,
        out_type=jax.ShapeDtypeStruct((T, H), jnp.float32),
        scratch_types=[
            pltpu.VMEM((bpt,), jnp.int32),
            pltpu.VMEM((bpt,), jnp.int32),
            pltpu.VMEM((bpt, H), jnp.float32),
            pltpu.VMEM((bpt, H), jnp.float32),
            pltpu.SemaphoreType.DMA,
        ],
    )
    def combine(y_hbm, pa_hbm, pb_hbm, out_hbm, pa_v, pb_v, bufa, bufb, sem):
        wid = lax.axis_index("s") * nc + lax.axis_index("c")
        base = wid * bpt
        pltpu.sync_copy(pa_hbm.at[pl.ds(base, bpt)], pa_v)
        pltpu.sync_copy(pb_hbm.at[pl.ds(base, bpt)], pb_v)
        ca = pltpu.async_copy(y_hbm.at[pa_v], bufa, sem)
        cb = pltpu.async_copy(y_hbm.at[pb_v], bufb, sem)
        ca.wait()
        cb.wait()

        @plsc.parallel_loop(0, bpt, unroll=2)
        def row(r):
            for j in range(H // lanes):
                a = bufa[r, pl.ds(j * lanes, lanes)]
                b = bufb[r, pl.ds(j * lanes, lanes)]
                bufa[r, pl.ds(j * lanes, lanes)] = a + b

        pltpu.sync_copy(bufa, out_hbm.at[pl.ds(base, bpt)])

    return combine(ys, pos_a, pos_b)



def kernel(x, router_w, router_b, w_gate, b_gate, w_up, b_up, w_down, b_down):
    pos_a, pos_b, w1, w2, starts, ends = _router_tc(x, router_w, router_b)

    dest = jnp.stack([pos_a, pos_b], axis=1).reshape(-1)
    wts = jnp.stack([w1, w2], axis=1).reshape(-1)
    scale = jnp.zeros((P,), jnp.float32).at[dest].set(wts)

    xs = _sc_gather(x, pos_a, pos_b)
    ys = _mlp_tc(starts, ends, xs, w_gate, b_gate, w_up, b_up, w_down, b_down,
                 scale)
    return _sc_combine(ys, pos_a, pos_b)

# --- scband reference (transcript-rebuilt; emitter-appended) ---
"""Pipeline reference for scband-mlpblock-24833500906097 (READ-ONLY COPY).

The authoritative reference and input builder live on the scoring server;
editing this copy changes nothing except your own understanding.
"""

import jax, jax.numpy as jnp
import numpy as np

E = 64
TOP_K = 2
H = 768
I = 768
T = 2048
ALPHA = 1.702
LIMIT = 7.0


def _swigluoai(gate, up):
    gate = jnp.minimum(gate, LIMIT)
    up = jnp.clip(up, -LIMIT, LIMIT)
    return (gate * jax.nn.sigmoid(ALPHA * gate)) * (up + 1.0)


def setup_inputs(seed: int = 0):
    key = jax.random.key(seed)
    ks = jax.random.split(key, 10)
    x = jax.random.normal(ks[0], (T, H), dtype=jnp.float32)
    router_w = jax.random.normal(ks[1], (E, H), dtype=jnp.float32) * 0.02
    router_b = jax.random.normal(ks[2], (E,), dtype=jnp.float32) * 0.02
    w_gate = jax.random.normal(ks[3], (E, H, I), dtype=jnp.float32) * 0.02
    b_gate = jax.random.normal(ks[4], (E, I), dtype=jnp.float32) * 0.02
    w_up = jax.random.normal(ks[5], (E, H, I), dtype=jnp.float32) * 0.02
    b_up = jax.random.normal(ks[6], (E, I), dtype=jnp.float32) * 0.02
    w_down = jax.random.normal(ks[7], (E, I, H), dtype=jnp.float32) * 0.02
    b_down = jax.random.normal(ks[8], (E, H), dtype=jnp.float32) * 0.02
    return {"x": x, "router_w": router_w, "router_b": router_b, "w_gate": w_gate, "b_gate": b_gate, "w_up": w_up, "b_up": b_up, "w_down": w_down, "b_down": b_down}


def reference(x, router_w, router_b, w_gate, b_gate, w_up, b_up, w_down, b_down):
    n_tok = x.shape[0]
    # router (nn.Linear with bias)
    logits = x @ router_w.T + router_b
    # fused_topk with renormalize=True: softmax over all experts, top-k, renormalize
    probs = jax.nn.softmax(logits, axis=-1)
    topk_p, topk_idx = jax.lax.top_k(probs, TOP_K)
    topk_w = topk_p / jnp.sum(topk_p, axis=-1, keepdims=True)
    n_experts = w_gate.shape[0]
    pieces = []
    for e in range(n_experts):
        g = x @ w_gate[e] + b_gate[e]
        u = x @ w_up[e] + b_up[e]
        he = _swigluoai(g, u)
        pieces.append(he @ w_down[e] + b_down[e])
    all_y = jnp.stack(pieces, axis=1)
    ys = jnp.take_along_axis(all_y, topk_idx[..., None], axis=1)
    out = jnp.sum(ys.reshape(n_tok, TOP_K, -1) * topk_w[..., None], axis=1)
    return out

if __name__ == "__main__":
    import jax
    _d = setup_inputs()
    print(jax.jit(kernel)(*tuple(_d.values())))

</pallas_src>

<mosaic_0001>
#map = affine_map<(d0, d1) -> (0, 0)>
#map1 = affine_map<(d0, d1) -> (0)>
module attributes {stable_mosaic.version = 14 : i64} {
  func.func @scatter_rows(%arg0: i32, %arg1: i32, %arg2: memref<2048x768xf32, #tpu.memory_space<hbm>>, %arg3: memref<2048xi32, #tpu.memory_space<hbm>>, %arg4: memref<2048xi32, #tpu.memory_space<hbm>>, %arg5: memref<4864x768xf32, #tpu.memory_space<hbm>>, %arg6: memref<64xi32, #tpu.memory_space<vmem>>, %arg7: memref<64xi32, #tpu.memory_space<vmem>>, %arg8: memref<64x768xf32, #tpu.memory_space<vmem>>, %arg9: memref<!tpu.dma_semaphore, #tpu.memory_space<semaphore_mem>>, %arg10: memref<!tpu.dma_semaphore, #tpu.memory_space<semaphore_mem>>) attributes {dimension_semantics = [#tpu.dimension_semantics<core_parallel>, #tpu.dimension_semantics<subcore_parallel>], iteration_bounds = array<i64: 2, 16>, scalar_prefetch = 0 : i64, scratch_operands = 5 : i64, tpu.core_type = #tpu.core_type<sc_vector_subcore>, window_params = [{transform_indices = #map}, {transform_indices = #map1}, {transform_indices = #map1}, {transform_indices = #map}]} {
    %mul3A = arith.constant 2 : i32
    %mul3A_0 = arith.muli %arg1, %mul3A : i32
    %add3A = arith.addi %mul3A_0, %arg0 : i32
    %mul3A_1 = arith.constant 64 : i32
    %mul3A_2 = arith.muli %add3A, %mul3A_1 : i32
    "tpu.region"() ({
      %run_scoped3A = tpu.sem_alloc : memref<!tpu.dma_semaphore, #tpu.memory_space<semaphore_mem>>
      %dma_start3A_13 = tpu.memref_slice %arg3[%mul3A_2] : memref<2048xi32, #tpu.memory_space<hbm>> -> memref<64xi32, #tpu.memory_space<hbm>>
      %dma_start3A_14 = tpu.memref_slice %arg3[%mul3A_2] : memref<2048xi32, #tpu.memory_space<hbm>> -> memref<64xi32, #tpu.memory_space<hbm>>
      tpu.enqueue_dma source(%dma_start3A_14 : memref<64xi32, #tpu.memory_space<hbm>>) target(%arg6 : memref<64xi32, #tpu.memory_space<vmem>>) target_semaphore(%run_scoped3A : memref<!tpu.dma_semaphore, #tpu.memory_space<semaphore_mem>>)
      %dma_wait3A_15 = tpu.memref_slice %arg3[%mul3A_2] : memref<2048xi32, #tpu.memory_space<hbm>> -> memref<64xi32, #tpu.memory_space<hbm>>
      %dma_wait3A_16 = tpu.memref_slice %arg3[%mul3A_2] : memref<2048xi32, #tpu.memory_space<hbm>> -> memref<64xi32, #tpu.memory_space<hbm>>
      tpu.wait_dma2 semaphore(%run_scoped3A : memref<!tpu.dma_semaphore, #tpu.memory_space<semaphore_mem>>) src(%dma_wait3A_16 : memref<64xi32, #tpu.memory_space<hbm>>) dst(%arg6 : memref<64xi32, #tpu.memory_space<vmem>>)
      tpu.yield
    }) : () -> ()
    "tpu.region"() ({
      %run_scoped3A = tpu.sem_alloc : memref<!tpu.dma_semaphore, #tpu.memory_space<semaphore_mem>>
      %dma_start3A_13 = tpu.memref_slice %arg4[%mul3A_2] : memref<2048xi32, #tpu.memory_space<hbm>> -> memref<64xi32, #tpu.memory_space<hbm>>
      %dma_start3A_14 = tpu.memref_slice %arg4[%mul3A_2] : memref<2048xi32, #tpu.memory_space<hbm>> -> memref<64xi32, #tpu.memory_space<hbm>>
      tpu.enqueue_dma source(%dma_start3A_14 : memref<64xi32, #tpu.memory_space<hbm>>) target(%arg7 : memref<64xi32, #tpu.memory_space<vmem>>) target_semaphore(%run_scoped3A : memref<!tpu.dma_semaphore, #tpu.memory_space<semaphore_mem>>)
      %dma_wait3A_15 = tpu.memref_slice %arg4[%mul3A_2] : memref<2048xi32, #tpu.memory_space<hbm>> -> memref<64xi32, #tpu.memory_space<hbm>>
      %dma_wait3A_16 = tpu.memref_slice %arg4[%mul3A_2] : memref<2048xi32, #tpu.memory_space<hbm>> -> memref<64xi32, #tpu.memory_space<hbm>>
      tpu.wait_dma2 semaphore(%run_scoped3A : memref<!tpu.dma_semaphore, #tpu.memory_space<semaphore_mem>>) src(%dma_wait3A_16 : memref<64xi32, #tpu.memory_space<hbm>>) dst(%arg7 : memref<64xi32, #tpu.memory_space<vmem>>)
      tpu.yield
    }) : () -> ()
    "tpu.region"() ({
      %run_scoped3A = tpu.sem_alloc : memref<!tpu.dma_semaphore, #tpu.memory_space<semaphore_mem>>
      %dma_start3A_13 = arith.constant 0 : i32
      %dma_start3A_14 = tpu.memref_slice %arg2[%mul3A_2, %dma_start3A_13] : memref<2048x768xf32, #tpu.memory_space<hbm>> -> memref<64x768xf32, #tpu.memory_space<hbm>>
      %dma_start3A_15 = arith.constant 0 : i32
      %dma_start3A_16 = tpu.memref_slice %arg2[%mul3A_2, %dma_start3A_15] : memref<2048x768xf32, #tpu.memory_space<hbm>> -> memref<64x768xf32, #tpu.memory_space<hbm>>
      tpu.enqueue_dma source(%dma_start3A_16 : memref<64x768xf32, #tpu.memory_space<hbm>>) target(%arg8 : memref<64x768xf32, #tpu.memory_space<vmem>>) target_semaphore(%run_scoped3A : memref<!tpu.dma_semaphore, #tpu.memory_space<semaphore_mem>>)
      %dma_wait3A_17 = arith.constant 0 : i32
      %dma_wait3A_18 = tpu.memref_slice %arg2[%mul3A_2, %dma_wait3A_17] : memref<2048x768xf32, #tpu.memory_space<hbm>> -> memref<64x768xf32, #tpu.memory_space<hbm>>
      %dma_wait3A_19 = arith.constant 0 : i32
      %dma_wait3A_20 = tpu.memref_slice %arg2[%mul3A_2, %dma_wait3A_19] : memref<2048x768xf32, #tpu.memory_space<hbm>> -> memref<64x768xf32, #tpu.memory_space<hbm>>
      tpu.wait_dma2 semaphore(%run_scoped3A : memref<!tpu.dma_semaphore, #tpu.memory_space<semaphore_mem>>) src(%dma_wait3A_20 : memref<64x768xf32, #tpu.memory_space<hbm>>) dst(%arg8 : memref<64x768xf32, #tpu.memory_space<vmem>>)
      tpu.yield
    }) : () -> ()
    %dma_start3A = arith.constant 0 : i32
    %dma_start3A_3 = arith.constant 0 : i32
    %dma_start3A_4 = tpu.memref_slice %arg5[%dma_start3A, %dma_start3A_3] : memref<4864x768xf32, #tpu.memory_space<hbm>> -> memref<4864x768xf32, #tpu.memory_space<hbm>>
    tpu.enqueue_indirect_dma source(%arg8 : memref<64x768xf32, #tpu.memory_space<vmem>>) target(%dma_start3A_4 : memref<4864x768xf32, #tpu.memory_space<hbm>>) offsets(%arg6 : memref<64xi32, #tpu.memory_space<vmem>>) semaphore(%arg9 : memref<!tpu.dma_semaphore, #tpu.memory_space<semaphore_mem>>)
    %dma_start3A_5 = arith.constant 0 : i32
    %dma_start3A_6 = arith.constant 0 : i32
    %dma_start3A_7 = tpu.memref_slice %arg5[%dma_start3A_5, %dma_start3A_6] : memref<4864x768xf32, #tpu.memory_space<hbm>> -> memref<4864x768xf32, #tpu.memory_space<hbm>>
    tpu.enqueue_indirect_dma source(%arg8 : memref<64x768xf32, #tpu.memory_space<vmem>>) target(%dma_start3A_7 : memref<4864x768xf32, #tpu.memory_space<hbm>>) offsets(%arg7 : memref<64xi32, #tpu.memory_space<vmem>>) semaphore(%arg10 : memref<!tpu.dma_semaphore, #tpu.memory_space<semaphore_mem>>)
    %dma_wait3A = arith.constant 0 : i32
    %dma_wait3A_8 = arith.constant 0 : i32
    %dma_wait3A_9 = tpu.memref_slice %arg5[%dma_wait3A, %dma_wait3A_8] : memref<4864x768xf32, #tpu.memory_space<hbm>> -> memref<4864x768xf32, #tpu.memory_space<hbm>>
    tpu.wait_indirect_dma semaphore(%arg9 : memref<!tpu.dma_semaphore, #tpu.memory_space<semaphore_mem>>) src(%arg8 : memref<64x768xf32, #tpu.memory_space<vmem>>) dst(%dma_wait3A_9 : memref<4864x768xf32, #tpu.memory_space<hbm>>)
    %dma_wait3A_10 = arith.constant 0 : i32
    %dma_wait3A_11 = arith.constant 0 : i32
    %dma_wait3A_12 = tpu.memref_slice %arg5[%dma_wait3A_10, %dma_wait3A_11] : memref<4864x768xf32, #tpu.memory_space<hbm>> -> memref<4864x768xf32, #tpu.memory_space<hbm>>
    tpu.wait_indirect_dma semaphore(%arg10 : memref<!tpu.dma_semaphore, #tpu.memory_space<semaphore_mem>>) src(%arg8 : memref<64x768xf32, #tpu.memory_space<vmem>>) dst(%dma_wait3A_12 : memref<4864x768xf32, #tpu.memory_space<hbm>>)
    return
  }
}

#map = affine_map<(d0, d1) -> (0, 0)>
#map1 = affine_map<(d0, d1) -> (0)>
module attributes {stable_mosaic.version = 14 : i64} {
  func.func @combine(%arg0: i32, %arg1: i32, %arg2: memref<4864x768xf32, #tpu.memory_space<hbm>>, %arg3: memref<2048xi32, #tpu.memory_space<hbm>>, %arg4: memref<2048xi32, #tpu.memory_space<hbm>>, %arg5: memref<2048x768xf32, #tpu.memory_space<hbm>>, %arg6: memref<64xi32, #tpu.memory_space<vmem>>, %arg7: memref<64xi32, #tpu.memory_space<vmem>>, %arg8: memref<64x768xf32, #tpu.memory_space<vmem>>, %arg9: memref<64x768xf32, #tpu.memory_space<vmem>>, %arg10: memref<!tpu.dma_semaphore, #tpu.memory_space<semaphore_mem>>) attributes {dimension_semantics = [#tpu.dimension_semantics<core_parallel>, #tpu.dimension_semantics<subcore_parallel>], iteration_bounds = array<i64: 2, 16>, scalar_prefetch = 0 : i64, scratch_operands = 5 : i64, tpu.core_type = #tpu.core_type<sc_vector_subcore>, window_params = [{transform_indices = #map}, {transform_indices = #map1}, {transform_indices = #map1}, {transform_indices = #map}]} {
    %mul3A = arith.constant 2 : i32
    %mul3A_0 = arith.muli %arg1, %mul3A : i32
    %add3A = arith.addi %mul3A_0, %arg0 : i32
    %mul3A_1 = arith.constant 64 : i32
    %mul3A_2 = arith.muli %add3A, %mul3A_1 : i32
    "tpu.region"() ({
      %run_scoped3A = tpu.sem_alloc : memref<!tpu.dma_semaphore, #tpu.memory_space<semaphore_mem>>
      %dma_start3A_15 = tpu.memref_slice %arg3[%mul3A_2] : memref<2048xi32, #tpu.memory_space<hbm>> -> memref<64xi32, #tpu.memory_space<hbm>>
      %dma_start3A_16 = tpu.memref_slice %arg3[%mul3A_2] : memref<2048xi32, #tpu.memory_space<hbm>> -> memref<64xi32, #tpu.memory_space<hbm>>
      tpu.enqueue_dma source(%dma_start3A_16 : memref<64xi32, #tpu.memory_space<hbm>>) target(%arg6 : memref<64xi32, #tpu.memory_space<vmem>>) target_semaphore(%run_scoped3A : memref<!tpu.dma_semaphore, #tpu.memory_space<semaphore_mem>>)
      %dma_wait3A_17 = tpu.memref_slice %arg3[%mul3A_2] : memref<2048xi32, #tpu.memory_space<hbm>> -> memref<64xi32, #tpu.memory_space<hbm>>
      %dma_wait3A_18 = tpu.memref_slice %arg3[%mul3A_2] : memref<2048xi32, #tpu.memory_space<hbm>> -> memref<64xi32, #tpu.memory_space<hbm>>
      tpu.wait_dma2 semaphore(%run_scoped3A : memref<!tpu.dma_semaphore, #tpu.memory_space<semaphore_mem>>) src(%dma_wait3A_18 : memref<64xi32, #tpu.memory_space<hbm>>) dst(%arg6 : memref<64xi32, #tpu.memory_space<vmem>>)
      tpu.yield
    }) : () -> ()
    "tpu.region"() ({
      %run_scoped3A = tpu.sem_alloc : memref<!tpu.dma_semaphore, #tpu.memory_space<semaphore_mem>>
      %dma_start3A_15 = tpu.memref_slice %arg4[%mul3A_2] : memref<2048xi32, #tpu.memory_space<hbm>> -> memref<64xi32, #tpu.memory_space<hbm>>
      %dma_start3A_16 = tpu.memref_slice %arg4[%mul3A_2] : memref<2048xi32, #tpu.memory_space<hbm>> -> memref<64xi32, #tpu.memory_space<hbm>>
      tpu.enqueue_dma source(%dma_start3A_16 : memref<64xi32, #tpu.memory_space<hbm>>) target(%arg7 : memref<64xi32, #tpu.memory_space<vmem>>) target_semaphore(%run_scoped3A : memref<!tpu.dma_semaphore, #tpu.memory_space<semaphore_mem>>)
      %dma_wait3A_17 = tpu.memref_slice %arg4[%mul3A_2] : memref<2048xi32, #tpu.memory_space<hbm>> -> memref<64xi32, #tpu.memory_space<hbm>>
      %dma_wait3A_18 = tpu.memref_slice %arg4[%mul3A_2] : memref<2048xi32, #tpu.memory_space<hbm>> -> memref<64xi32, #tpu.memory_space<hbm>>
      tpu.wait_dma2 semaphore(%run_scoped3A : memref<!tpu.dma_semaphore, #tpu.memory_space<semaphore_mem>>) src(%dma_wait3A_18 : memref<64xi32, #tpu.memory_space<hbm>>) dst(%arg7 : memref<64xi32, #tpu.memory_space<vmem>>)
      tpu.yield
    }) : () -> ()
    %dma_start3A = arith.constant 0 : i32
    %dma_start3A_3 = arith.constant 0 : i32
    %dma_start3A_4 = tpu.memref_slice %arg2[%dma_start3A, %dma_start3A_3] : memref<4864x768xf32, #tpu.memory_space<hbm>> -> memref<4864x768xf32, #tpu.memory_space<hbm>>
    tpu.enqueue_indirect_dma source(%dma_start3A_4 : memref<4864x768xf32, #tpu.memory_space<hbm>>) target(%arg8 : memref<64x768xf32, #tpu.memory_space<vmem>>) offsets(%arg6 : memref<64xi32, #tpu.memory_space<vmem>>) semaphore(%arg10 : memref<!tpu.dma_semaphore, #tpu.memory_space<semaphore_mem>>)
    %dma_start3A_5 = arith.constant 0 : i32
    %dma_start3A_6 = arith.constant 0 : i32
    %dma_start3A_7 = tpu.memref_slice %arg2[%dma_start3A_5, %dma_start3A_6] : memref<4864x768xf32, #tpu.memory_space<hbm>> -> memref<4864x768xf32, #tpu.memory_space<hbm>>
    tpu.enqueue_indirect_dma source(%dma_start3A_7 : memref<4864x768xf32, #tpu.memory_space<hbm>>) target(%arg9 : memref<64x768xf32, #tpu.memory_space<vmem>>) offsets(%arg7 : memref<64xi32, #tpu.memory_space<vmem>>) semaphore(%arg10 : memref<!tpu.dma_semaphore, #tpu.memory_space<semaphore_mem>>)
    %dma_wait3A = arith.constant 0 : i32
    %dma_wait3A_8 = arith.constant 0 : i32
    %dma_wait3A_9 = tpu.memref_slice %arg2[%dma_wait3A, %dma_wait3A_8] : memref<4864x768xf32, #tpu.memory_space<hbm>> -> memref<4864x768xf32, #tpu.memory_space<hbm>>
    tpu.wait_indirect_dma semaphore(%arg10 : memref<!tpu.dma_semaphore, #tpu.memory_space<semaphore_mem>>) src(%dma_wait3A_9 : memref<4864x768xf32, #tpu.memory_space<hbm>>) dst(%arg8 : memref<64x768xf32, #tpu.memory_space<vmem>>)
    %dma_wait3A_10 = arith.constant 0 : i32
    %dma_wait3A_11 = arith.constant 0 : i32
    %dma_wait3A_12 = tpu.memref_slice %arg2[%dma_wait3A_10, %dma_wait3A_11] : memref<4864x768xf32, #tpu.memory_space<hbm>> -> memref<4864x768xf32, #tpu.memory_space<hbm>>
    tpu.wait_indirect_dma semaphore(%arg10 : memref<!tpu.dma_semaphore, #tpu.memory_space<semaphore_mem>>) src(%dma_wait3A_12 : memref<4864x768xf32, #tpu.memory_space<hbm>>) dst(%arg9 : memref<64x768xf32, #tpu.memory_space<vmem>>)
    %parallel_loop3A = arith.constant 0 : i32
    %parallel_loop3A_13 = arith.constant 64 : i32
    %parallel_loop3A_14 = arith.constant 1 : i32
    scf.for %parallel_loop3A_15 = %parallel_loop3A to %parallel_loop3A_13 step %parallel_loop3A_14  : i32 {
      %parallel_loop3A_16 = arith.index_cast %parallel_loop3A_15 : i32 to index
      %parallel_loop3A_17 = arith.constant 0 : index
      %parallel_loop3A_18 = tpu.vector_load %arg8[%parallel_loop3A_16, %parallel_loop3A_17] {strides = array<i32>} : memref<64x768xf32, #tpu.memory_space<vmem>>, vector<1x16xf32>,
      %parallel_loop3A_19 = vector.shape_cast %parallel_loop3A_18 : vector<1x16xf32> to vector<16xf32>
      %parallel_loop3A_20 = arith.index_cast %parallel_loop3A_15 : i32 to index
      %parallel_loop3A_21 = arith.constant 0 : index
      %parallel_loop3A_22 = tpu.vector_load %arg9[%parallel_loop3A_20, %parallel_loop3A_21] {strides = array<i32>} : memref<64x768xf32, #tpu.memory_space<vmem>>, vector<1x16xf32>,
      %parallel_loop3A_23 = vector.shape_cast %parallel_loop3A_22 : vector<1x16xf32> to vector<16xf32>
      %parallel_loop3A_24 = arith.addf %parallel_loop3A_19, %parallel_loop3A_23 : vector<16xf32>
      %parallel_loop3A_25 = arith.index_cast %parallel_loop3A_15 : i32 to index
      %parallel_loop3A_26 = arith.constant 0 : index
      %parallel_loop3A_27 = tpu.vector_load %arg8[%parallel_loop3A_25, %parallel_loop3A_26] {strides = array<i32>} : memref<64x768xf32, #tpu.memory_space<vmem>>, vector<1x16xf32>,
      %parallel_loop3A_28 = vector.shape_cast %parallel_loop3A_27 : vector<1x16xf32> to vector<16xf32>
      %parallel_loop3A_29 = vector.shape_cast %parallel_loop3A_24 : vector<16xf32> to vector<1x16xf32>
      tpu.vector_store %arg8[%parallel_loop3A_25, %parallel_loop3A_26], %parallel_loop3A_29 {strides = array<i32>} : memref<64x768xf32, #tpu.memory_space<vmem>>, vector<1x16xf32>,
      %parallel_loop3A_30 = arith.index_cast %parallel_loop3A_15 : i32 to index
      %parallel_loop3A_31 = arith.constant 16 : index
      %parallel_loop3A_32 = tpu.vector_load %arg8[%parallel_loop3A_30, %parallel_loop3A_31] {strides = array<i32>} : memref<64x768xf32, #tpu.memory_space<vmem>>, vector<1x16xf32>,
      %parallel_loop3A_33 = vector.shape_cast %parallel_loop3A_32 : vector<1x16xf32> to vector<16xf32>
      %parallel_loop3A_34 = arith.index_cast %parallel_loop3A_15 : i32 to index
      %parallel_loop3A_35 = arith.constant 16 : index
      %parallel_loop3A_36 = tpu.vector_load %arg9[%parallel_loop3A_34, %parallel_loop3A_35] {strides = array<i32>} : memref<64x768xf32, #tpu.memory_space<vmem>>, vector<1x16xf32>,
      %parallel_loop3A_37 = vector.shape_cast %parallel_loop3A_36 : vector<1x16xf32> to vector<16xf32>
      %parallel_loop3A_38 = arith.addf %parallel_loop3A_33, %parallel_loop3A_37 : vector<16xf32>
      %parallel_loop3A_39 = arith.index_cast %parallel_loop3A_15 : i32 to index
      %parallel_loop3A_40 = arith.constant 16 : index
      %parallel_loop3A_41 = tpu.vector_load %arg8[%parallel_loop3A_39, %parallel_loop3A_40] {strides = array<i32>} : memref<64x768xf32, #tpu.memory_space<vmem>>, vector<1x16xf32>,
      %parallel_loop3A_42 = vector.shape_cast %parallel_loop3A_41 : vector<1x16xf32> to vector<16xf32>
      %parallel_loop3A_43 = vector.shape_cast %parallel_loop3A_38 : vector<16xf32> to vector<1x16xf32>
      tpu.vector_store %arg8[%parallel_loop3A_39, %parallel_loop3A_40], %parallel_loop3A_43 {strides = array<i32>} : memref<64x768xf32, #tpu.memory_space<vmem>>, vector<1x16xf32>,
      %parallel_loop3A_44 = arith.index_cast %parallel_loop3A_15 : i32 to index
      %parallel_loop3A_45 = arith.constant 32 : index
      %parallel_loop3A_46 = tpu.vector_load %arg8[%parallel_loop3A_44, %parallel_loop3A_45] {strides = array<i32>} : memref<64x768xf32, #tpu.memory_space<vmem>>, vector<1x16xf32>,
      %parallel_loop3A_47 = vector.shape_cast %parallel_loop3A_46 : vector<1x16xf32> to vector<16xf32>
      %parallel_loop3A_48 = arith.index_cast %parallel_loop3A_15 : i32 to index
      %parallel_loop3A_49 = arith.constant 32 : index
      %parallel_loop3A_50 = tpu.vector_load %arg9[%parallel_loop3A_48, %parallel_loop3A_49] {strides = array<i32>} : memref<64x768xf32, #tpu.memory_space<vmem>>, vector<1x16xf32>,
      %parallel_loop3A_51 = vector.shape_cast %parallel_loop3A_50 : vector<1x16xf32> to vector<16xf32>
      %parallel_loop3A_52 = arith.addf %parallel_loop3A_47, %parallel_loop3A_51 : vector<16xf32>
      %parallel_loop3A_53 = arith.index_cast %parallel_loop3A_15 : i32 to index
      %parallel_loop3A_54 = arith.constant 32 : index
      %parallel_loop3A_55 = tpu.vector_load %arg8[%parallel_loop3A_53, %parallel_loop3A_54] {strides = array<i32>} : memref<64x768xf32, #tpu.memory_space<vmem>>, vector<1x16xf32>,
      %parallel_loop3A_56 = vector.shape_cast %parallel_loop3A_55 : vector<1x16xf32> to vector<16xf32>
      %parallel_loop3A_57 = vector.shape_cast %parallel_loop3A_52 : vector<16xf32> to vector<1x16xf32>
      tpu.vector_store %arg8[%parallel_loop3A_53, %parallel_loop3A_54], %parallel_loop3A_57 {strides = array<i32>} : memref<64x768xf32, #tpu.memory_space<vmem>>, vector<1x16xf32>,
      %parallel_loop3A_58 = arith.index_cast %parallel_loop3A_15 : i32 to index
      %parallel_loop3A_59 = arith.constant 48 : index
      %parallel_loop3A_60 = tpu.vector_load %arg8[%parallel_loop3A_58, %parallel_loop3A_59] {strides = array<i32>} : memref<64x768xf32, #tpu.memory_space<vmem>>, vector<1x16xf32>,
      %parallel_loop3A_61 = vector.shape_cast %parallel_loop3A_60 : vector<1x16xf32> to vector<16xf32>
      %parallel_loop3A_62 = arith.index_cast %parallel_loop3A_15 : i32 to index
      %parallel_loop3A_63 = arith.constant 48 : index
      %parallel_loop3A_64 = tpu.vector_load %arg9[%parallel_loop3A_62, %parallel_loop3A_63] {strides = array<i32>} : memref<64x768xf32, #tpu.memory_space<vmem>>, vector<1x16xf32>,
      %parallel_loop3A_65 = vector.shape_cast %parallel_loop3A_64 : vector<1x16xf32> to vector<16xf32>
      %parallel_loop3A_66 = arith.addf %parallel_loop3A_61, %parallel_loop3A_65 : vector<16xf32>
      %parallel_loop3A_67 = arith.index_cast %parallel_loop3A_15 : i32 to index
      %parallel_loop3A_68 = arith.constant 48 : index
      %parallel_loop3A_69 = tpu.vector_load %arg8[%parallel_loop3A_67, %parallel_loop3A_68] {strides = array<i32>} : memref<64x768xf32, #tpu.memory_space<vmem>>, vector<1x16xf32>,
      %parallel_loop3A_70 = vector.shape_cast %parallel_loop3A_69 : vector<1x16xf32> to vector<16xf32>
      %parallel_loop3A_71 = vector.shape_cast %parallel_loop3A_66 : vector<16xf32> to vector<1x16xf32>
      tpu.vector_store %arg8[%parallel_loop3A_67, %parallel_loop3A_68], %parallel_loop3A_71 {strides = array<i32>} : memref<64x768xf32, #tpu.memory_space<vmem>>, vector<1x16xf32>,
      %parallel_loop3A_72 = arith.index_cast %parallel_loop3A_15 : i32 to index
      %parallel_loop3A_73 = arith.constant 64 : index
      %parallel_loop3A_74 = tpu.vector_load %arg8[%parallel_loop3A_72, %parallel_loop3A_73] {strides = array<i32>} : memref<64x768xf32, #tpu.memory_space<vmem>>, vector<1x16xf32>,
      %parallel_loop3A_75 = vector.shape_cast %parallel_loop3A_74 : vector<1x16xf32> to vector<16xf32>
      %parallel_loop3A_76 = arith.index_cast %parallel_loop3A_15 : i32 to index
      %parallel_loop3A_77 = arith.constant 64 : index
      %parallel_loop3A_78 = tpu.vector_load %arg9[%parallel_loop3A_76, %parallel_loop3A_77] {strides = array<i32>} : memref<64x768xf32, #tpu.memory_space<vmem>>, vector<1x16xf32>,
      %parallel_loop3A_79 = vector.shape_cast %parallel_loop3A_78 : vector<1x16xf32> to vector<16xf32>
      %parallel_loop3A_80 = arith.addf %parallel_loop3A_75, %parallel_loop3A_79 : vector<16xf32>
      %parallel_loop3A_81 = arith.index_cast %parallel_loop3A_15 : i32 to index
      %parallel_loop3A_82 = arith.constant 64 : index
      %parallel_loop3A_83 = tpu.vector_load %arg8[%parallel_loop3A_81, %parallel_loop3A_82] {strides = array<i32>} : memref<64x768xf32, #tpu.memory_space<vmem>>, vector<1x16xf32>,
      %parallel_loop3A_84 = vector.shape_cast %parallel_loop3A_83 : vector<1x16xf32> to vector<16xf32>
      %parallel_loop3A_85 = vector.shape_cast %parallel_loop3A_80 : vector<16xf32> to vector<1x16xf32>
      tpu.vector_store %arg8[%parallel_loop3A_81, %parallel_loop3A_82], %parallel_loop3A_85 {strides = array<i32>} : memref<64x768xf32, #tpu.memory_space<vmem>>, vector<1x16xf32>,
      %parallel_loop3A_86 = arith.index_cast %parallel_loop3A_15 : i32 to index
      %parallel_loop3A_87 = arith.constant 80 : index
      %parallel_loop3A_88 = tpu.vector_load %arg8[%parallel_loop3A_86, %parallel_loop3A_87] {strides = array<i32>} : memref<64x768xf32, #tpu.memory_space<vmem>>, vector<1x16xf32>,
      %parallel_loop3A_89 = vector.shape_cast %parallel_loop3A_88 : vector<1x16xf32> to vector<16xf32>
      %parallel_loop3A_90 = arith.index_cast %parallel_loop3A_15 : i32 to index
      %parallel_loop3A_91 = arith.constant 80 : index
      %parallel_loop3A_92 = tpu.vector_load %arg9[%parallel_loop3A_90, %parallel_loop3A_91] {strides = array<i32>} : memref<64x768xf32, #tpu.memory_space<vmem>>, vector<1x16xf32>,
      %parallel_loop3A_93 = vector.shape_cast %parallel_loop3A_92 : vector<1x16xf32> to vector<16xf32>
      %parallel_loop3A_94 = arith.addf %parallel_loop3A_89, %parallel_loop3A_93 : vector<16xf32>
      %parallel_loop3A_95 = arith.index_cast %parallel_loop3A_15 : i32 to index
      %parallel_loop3A_96 = arith.constant 80 : index
      %parallel_loop3A_97 = tpu.vector_load %arg8[%parallel_loop3A_95, %parallel_loop3A_96] {strides = array<i32>} : memref<64x768xf32, #tpu.memory_space<vmem>>, vector<1x16xf32>,
      %parallel_loop3A_98 = vector.shape_cast %parallel_loop3A_97 : vector<1x16xf32> to vector<16xf32>
      %parallel_loop3A_99 = vector.shape_cast %parallel_loop3A_94 : vector<16xf32> to vector<1x16xf32>
      tpu.vector_store %arg8[%parallel_loop3A_95, %parallel_loop3A_96], %parallel_loop3A_99 {strides = array<i32>} : memref<64x768xf32, #tpu.memory_space<vmem>>, vector<1x16xf32>,
      %parallel_loop3A_100 = arith.index_cast %parallel_loop3A_15 : i32 to index
      %parallel_loop3A_101 = arith.constant 96 : index
      %parallel_loop3A_102 = tpu.vector_load %arg8[%parallel_loop3A_100, %parallel_loop3A_101] {strides = array<i32>} : memref<64x768xf32, #tpu.memory_space<vmem>>, vector<1x16xf32>,
      %parallel_loop3A_103 = vector.shape_cast %parallel_loop3A_102 : vector<1x16xf32> to vector<16xf32>
      %parallel_loop3A_104 = arith.index_cast %parallel_loop3A_15 : i32 to index
      %parallel_loop3A_105 = arith.constant 96 : index
      %parallel_loop3A_106 = tpu.vector_load %arg9[%parallel_loop3A_104, %parallel_loop3A_105] {strides = array<i32>} : memref<64x768xf32, #tpu.memory_space<vmem>>, vector<1x16xf32>,
      %parallel_loop3A_107 = vector.shape_cast %parallel_loop3A_106 : vector<1x16xf32> to vector<16xf32>
      %parallel_loop3A_108 = arith.addf %parallel_loop3A_103, %parallel_loop3A_107 : vector<16xf32>
      %parallel_loop3A_109 = arith.index_cast %parallel_loop3A_15 : i32 to index
      %parallel_loop3A_110 = arith.constant 96 : index
      %parallel_loop3A_111 = tpu.vector_load %arg8[%parallel_loop3A_109, %parallel_loop3A_110] {strides = array<i32>} : memref<64x768xf32, #tpu.memory_space<vmem>>, vector<1x16xf32>,
      %parallel_loop3A_112 = vector.shape_cast %parallel_loop3A_111 : vector<1x16xf32> to vector<16xf32>
      %parallel_loop3A_113 = vector.shape_cast %parallel_loop3A_108 : vector<16xf32> to vector<1x16xf32>
      tpu.vector_store %arg8[%parallel_loop3A_109, %parallel_loop3A_110], %parallel_loop3A_113 {strides = array<i32>} : memref<64x768xf32, #tpu.memory_space<vmem>>, vector<1x16xf32>,
      %parallel_loop3A_114 = arith.index_cast %parallel_loop3A_15 : i32 to index
      %parallel_loop3A_115 = arith.constant 112 : index
      %parallel_loop3A_116 = tpu.vector_load %arg8[%parallel_loop3A_114, %parallel_loop3A_115] {strides = array<i32>} : memref<64x768xf32, #tpu.memory_space<vmem>>, vector<1x16xf32>,
      %parallel_loop3A_117 = vector.shape_cast %parallel_loop3A_116 : vector<1x16xf32> to vector<16xf32>
      %parallel_loop3A_118 = arith.index_cast %parallel_loop3A_15 : i32 to index
      %parallel_loop3A_119 = arith.constant 112 : index
      %parallel_loop3A_120 = tpu.vector_load %arg9[%parallel_loop3A_118, %parallel_loop3A_119] {strides = array<i32>} : memref<64x768xf32, #tpu.memory_space<vmem>>, vector<1x16xf32>,
      %parallel_loop3A_121 = vector.shape_cast %parallel_loop3A_120 : vector<1x16xf32> to vector<16xf32>
      %parallel_loop3A_122 = arith.addf %parallel_loop3A_117, %parallel_loop3A_121 : vector<16xf32>
      %parallel_loop3A_123 = arith.index_cast %parallel_loop3A_15 : i32 to index
      %parallel_loop3A_124 = arith.constant 112 : index
      %parallel_loop3A_125 = tpu.vector_load %arg8[%parallel_loop3A_123, %parallel_loop3A_124] {strides = array<i32>} : memref<64x768xf32, #tpu.memory_space<vmem>>, vector<1x16xf32>,
      %parallel_loop3A_126 = vector.shape_cast %parallel_loop3A_125 : vector<1x16xf32> to vector<16xf32>
      %parallel_loop3A_127 = vector.shape_cast %parallel_loop3A_122 : vector<16xf32> to vector<1x16xf32>
      tpu.vector_store %arg8[%parallel_loop3A_123, %parallel_loop3A_124], %parallel_loop3A_127 {strides = array<i32>} : memref<64x768xf32, #tpu.memory_space<vmem>>, vector<1x16xf32>,
      %parallel_loop3A_128 = arith.index_cast %parallel_loop3A_15 : i32 to index
      %parallel_loop3A_129 = arith.constant 128 : index
      %parallel_loop3A_130 = tpu.vector_load %arg8[%parallel_loop3A_128, %parallel_loop3A_129] {strides = array<i32>} : memref<64x768xf32, #tpu.memory_space<vmem>>, vector<1x16xf32>,
      %parallel_loop3A_131 = vector.shape_cast %parallel_loop3A_130 : vector<1x16xf32> to vector<16xf32>
      %parallel_loop3A_132 = arith.index_cast %parallel_loop3A_15 : i32 to index
      %parallel_loop3A_133 = arith.constant 128 : index
      %parallel_loop3A_134 = tpu.vector_load %arg9[%parallel_loop3A_132, %parallel_loop3A_133] {strides = array<i32>} : memref<64x768xf32, #tpu.memory_space<vmem>>, vector<1x16xf32>,
      %parallel_loop3A_135 = vector.shape_cast %parallel_loop3A_134 : vector<1x16xf32> to vector<16xf32>
      %parallel_loop3A_136 = arith.addf %parallel_loop3A_131, %parallel_loop3A_135 : vector<16xf32>
      %parallel_loop3A_137 = arith.index_cast %parallel_loop3A_15 : i32 to index
      %parallel_loop3A_138 = arith.constant 128 : index
      %parallel_loop3A_139 = tpu.vector_load %arg8[%parallel_loop3A_137, %parallel_loop3A_138] {strides = array<i32>} : memref<64x768xf32, #tpu.memory_space<vmem>>, vector<1x16xf32>,
      %parallel_loop3A_140 = vector.shape_cast %parallel_loop3A_139 : vector<1x16xf32> to vector<16xf32>
      %parallel_loop3A_141 = vector.shape_cast %parallel_loop3A_136 : vector<16xf32> to vector<1x16xf32>
      tpu.vector_store %arg8[%parallel_loop3A_137, %parallel_loop3A_138], %parallel_loop3A_141 {strides = array<i32>} : memref<64x768xf32, #tpu.memory_space<vmem>>, vector<1x16xf32>,
      %parallel_loop3A_142 = arith.index_cast %parallel_loop3A_15 : i32 to index
      %parallel_loop3A_143 = arith.constant 144 : index
      %parallel_loop3A_144 = tpu.vector_load %arg8[%parallel_loop3A_142, %parallel_loop3A_143] {strides = array<i32>} : memref<64x768xf32, #tpu.memory_space<vmem>>, vector<1x16xf32>,
      %parallel_loop3A_145 = vector.shape_cast %parallel_loop3A_144 : vector<1x16xf32> to vector<16xf32>
      %parallel_loop3A_146 = arith.index_cast %parallel_loop3A_15 : i32 to index
      %parallel_loop3A_147 = arith.constant 144 : index
      %parallel_loop3A_148 = tpu.vector_load %arg9[%parallel_loop3A_146, %parallel_loop3A_147] {strides = array<i32>} : memref<64x768xf32, #tpu.memory_space<vmem>>, vector<1x16xf32>,
      %parallel_loop3A_149 = vector.shape_cast %parallel_loop3A_148 : vector<1x16xf32> to vector<16xf32>
      %parallel_loop3A_150 = arith.addf %parallel_loop3A_145, %parallel_loop3A_149 : vector<16xf32>
      %parallel_loop3A_151 = arith.index_cast %parallel_loop3A_15 : i32 to index
      %parallel_loop3A_152 = arith.constant 144 : index
      %parallel_loop3A_153 = tpu.vector_load %arg8[%parallel_loop3A_151, %parallel_loop3A_152] {strides = array<i32>} : memref<64x768xf32, #tpu.memory_space<vmem>>, vector<1x16xf32>,
      %parallel_loop3A_154 = vector.shape_cast %parallel_loop3A_153 : vector<1x16xf32> to vector<16xf32>
      %parallel_loop3A_155 = vector.shape_cast %parallel_loop3A_150 : vector<16xf32> to vector<1x16xf32>
      tpu.vector_store %arg8[%parallel_loop3A_151, %parallel_loop3A_152], %parallel_loop3A_155 {strides = array<i32>} : memref<64x768xf32, #tpu.memory_space<vmem>>, vector<1x16xf32>,
      %parallel_loop3A_156 = arith.index_cast %parallel_loop3A_15 : i32 to index
      %parallel_loop3A_157 = arith.constant 160 : index
      %parallel_loop3A_158 = tpu.vector_load %arg8[%parallel_loop3A_156, %parallel_loop3A_157] {strides = array<i32>} : memref<64x768xf32, #tpu.memory_space<vmem>>, vector<1x16xf32>,
      %parallel_loop3A_159 = vector.shape_cast %parallel_loop3A_158 : vector<1x16xf32> to vector<16xf32>
      %parallel_loop3A_160 = arith.index_cast %parallel_loop3A_15 : i32 to index
      %parallel_loop3A_161 = arith.constant 160 : index
      %parallel_loop3A_162 = tpu.vector_load %arg9[%parallel_loop3A_160, %parallel_loop3A_161] {strides = array<i32>} : memref<64x768xf32, #tpu.memory_space<vmem>>, vector<1x16xf32>,
      %parallel_loop3A_163 = vector.shape_cast %parallel_loop3A_162 : vector<1x16xf32> to vector<16xf32>
      %parallel_loop3A_164 = arith.addf %parallel_loop3A_159, %parallel_loop3A_163 : vector<16xf32>
      %parallel_loop3A_165 = arith.index_cast %parallel_loop3A_15 : i32 to index
      %parallel_loop3A_166 = arith.constant 160 : index
      %parallel_loop3A_167 = tpu.vector_load %arg8[%parallel_loop3A_165, %parallel_loop3A_166] {strides = array<i32>} : memref<64x768xf32, #tpu.memory_space<vmem>>, vector<1x16xf32>,
      %parallel_loop3A_168 = vector.shape_cast %parallel_loop3A_167 : vector<1x16xf32> to vector<16xf32>
      %parallel_loop3A_169 = vector.shape_cast %parallel_loop3A_164 : vector<16xf32> to vector<1x16xf32>
      tpu.vector_store %arg8[%parallel_loop3A_165, %parallel_loop3A_166], %parallel_loop3A_169 {strides = array<i32>} : memref<64x768xf32, #tpu.memory_space<vmem>>, vector<1x16xf32>,
      %parallel_loop3A_170 = arith.index_cast %parallel_loop3A_15 : i32 to index
      %parallel_loop3A_171 = arith.constant 176 : index
      %parallel_loop3A_172 = tpu.vector_load %arg8[%parallel_loop3A_170, %parallel_loop3A_171] {strides = array<i32>} : memref<64x768xf32, #tpu.memory_space<vmem>>, vector<1x16xf32>,
      %parallel_loop3A_173 = vector.shape_cast %parallel_loop3A_172 : vector<1x16xf32> to vector<16xf32>
      %parallel_loop3A_174 = arith.index_cast %parallel_loop3A_15 : i32 to index
      %parallel_loop3A_175 = arith.constant 176 : index
      %parallel_loop3A_176 = tpu.vector_load %arg9[%parallel_loop3A_174, %parallel_loop3A_175] {strides = array<i32>} : memref<64x768xf32, #tpu.memory_space<vmem>>, vector<1x16xf32>,
      %parallel_loop3A_177 = vector.shape_cast %parallel_loop3A_176 : vector<1x16xf32> to vector<16xf32>
      %parallel_loop3A_178 = arith.addf %parallel_loop3A_173, %parallel_loop3A_177 : vector<16xf32>
      %parallel_loop3A_179 = arith.index_cast %parallel_loop3A_15 : i32 to index
      %parallel_loop3A_180 = arith.constant 176 : index
      %parallel_loop3A_181 = tpu.vector_load %arg8[%parallel_loop3A_179, %parallel_loop3A_180] {strides = array<i32>} : memref<64x768xf32, #tpu.memory_space<vmem>>, vector<1x16xf32>,
      %parallel_loop3A_182 = vector.shape_cast %parallel_loop3A_181 : vector<1x16xf32> to vector<16xf32>
      %parallel_loop3A_183 = vector.shape_cast %parallel_loop3A_178 : vector<16xf32> to vector<1x16xf32>
      tpu.vector_store %arg8[%parallel_loop3A_179, %parallel_loop3A_180], %parallel_loop3A_183 {strides = array<i32>} : memref<64x768xf32, #tpu.memory_space<vmem>>, vector<1x16xf32>,
      %parallel_loop3A_184 = arith.index_cast %parallel_loop3A_15 : i32 to index
      %parallel_loop3A_185 = arith.constant 192 : index
      %parallel_loop3A_186 = tpu.vector_load %arg8[%parallel_loop3A_184, %parallel_loop3A_185] {strides = array<i32>} : memref<64x768xf32, #tpu.memory_space<vmem>>, vector<1x16xf32>,
      %parallel_loop3A_187 = vector.shape_cast %parallel_loop3A_186 : vector<1x16xf32> to vector<16xf32>
      %parallel_loop3A_188 = arith.index_cast %parallel_loop3A_15 : i32 to index
      %parallel_loop3A_189 = arith.constant 192 : index
      %parallel_loop3A_190 = tpu.vector_load %arg9[%parallel_loop3A_188, %parallel_loop3A_189] {strides = array<i32>} : memref<64x768xf32, #tpu.memory_space<vmem>>, vector<1x16xf32>,
      %parallel_loop3A_191 = vector.shape_cast %parallel_loop3A_190 : vector<1x16xf32> to vector<16xf32>
      %parallel_loop3A_192 = arith.addf %parallel_loop3A_187, %parallel_loop3A_191 : vector<16xf32>
      %parallel_loop3A_193 = arith.index_cast %parallel_loop3A_15 : i32 to index
      %parallel_loop3A_194 = arith.constant 192 : index
      %parallel_loop3A_195 = tpu.vector_load %arg8[%parallel_loop3A_193, %parallel_loop3A_194] {strides = array<i32>} : memref<64x768xf32, #tpu.memory_space<vmem>>, vector<1x16xf32>,
      %parallel_loop3A_196 = vector.shape_cast %parallel_loop3A_195 : vector<1x16xf32> to vector<16xf32>
      %parallel_loop3A_197 = vector.shape_cast %parallel_loop3A_192 : vector<16xf32> to vector<1x16xf32>
      tpu.vector_store %arg8[%parallel_loop3A_193, %parallel_loop3A_194], %parallel_loop3A_197 {strides = array<i32>} : memref<64x768xf32, #tpu.memory_space<vmem>>, vector<1x16xf32>,
      %parallel_loop3A_198 = arith.index_cast %parallel_loop3A_15 : i32 to index
      %parallel_loop3A_199 = arith.constant 208 : index
      %parallel_loop3A_200 = tpu.vector_load %arg8[%parallel_loop3A_198, %parallel_loop3A_199] {strides = array<i32>} : memref<64x768xf32, #tpu.memory_space<vmem>>, vector<1x16xf32>,
      %parallel_loop3A_201 = vector.shape_cast %parallel_loop3A_200 : vector<1x16xf32> to vector<16xf32>
      %parallel_loop3A_202 = arith.index_cast %parallel_loop3A_15 : i32 to index
      %parallel_loop3A_203 = arith.constant 208 : index
      %parallel_loop3A_204 = tpu.vector_load %arg9[%parallel_loop3A_202, %parallel_loop3A_203] {strides = array<i32>} : memref<64x768xf32, #tpu.memory_space<vmem>>, vector<1x16xf32>,
      %parallel_loop3A_205 = vector.shape_cast %parallel_loop3A_204 : vector<1x16xf32> to vector<16xf32>
      %parallel_loop3A_206 = arith.addf %parallel_loop3A_201, %parallel_loop3A_205 : vector<16xf32>
      %parallel_loop3A_207 = arith.index_cast %parallel_loop3A_15 : i32 to index
      %parallel_loop3A_208 = arith.constant 208 : index
      %parallel_loop3A_209 = tpu.vector_load %arg8[%parallel_loop3A_207, %parallel_loop3A_208] {strides = array<i32>} : memref<64x768xf32, #tpu.memory_space<vmem>>, vector<1x16xf32>,
      %parallel_loop3A_210 = vector.shape_cast %parallel_loop3A_209 : vector<1x16xf32> to vector<16xf32>
      %parallel_loop3A_211 = vector.shape_cast %parallel_loop3A_206 : vector<16xf32> to vector<1x16xf32>
      tpu.vector_store %arg8[%parallel_loop3A_207, %parallel_loop3A_208], %parallel_loop3A_211 {strides = array<i32>} : memref<64x768xf32, #tpu.memory_space<vmem>>, vector<1x16xf32>,
      %parallel_loop3A_212 = arith.index_cast %parallel_loop3A_15 : i32 to index
      %parallel_loop3A_213 = arith.constant 224 : index
      %parallel_loop3A_214 = tpu.vector_load %arg8[%parallel_loop3A_212, %parallel_loop3A_213] {strides = array<i32>} : memref<64x768xf32, #tpu.memory_space<vmem>>, vector<1x16xf32>,
      %parallel_loop3A_215 = vector.shape_cast %parallel_loop3A_214 : vector<1x16xf32> to vector<16xf32>
      %parallel_loop3A_216 = arith.index_cast %parallel_loop3A_15 : i32 to index
      %parallel_loop3A_217 = arith.constant 224 : index
      %parallel_loop3A_218 = tpu.vector_load %arg9[%parallel_loop3A_216, %parallel_loop3A_217] {strides = array<i32>} : memref<64x768xf32, #tpu.memory_space<vmem>>, vector<1x16xf32>,
      %parallel_loop3A_219 = vector.shape_cast %parallel_loop3A_218 : vector<1x16xf32> to vector<16xf32>
      %parallel_loop3A_220 = arith.addf %parallel_loop3A_215, %parallel_loop3A_219 : vector<16xf32>
      %parallel_loop3A_221 = arith.index_cast %parallel_loop3A_15 : i32 to index
      %parallel_loop3A_222 = arith.constant 224 : index
      %parallel_loop3A_223 = tpu.vector_load %arg8[%parallel_loop3A_221, %parallel_loop3A_222] {strides = array<i32>} : memref<64x768xf32, #tpu.memory_space<vmem>>, vector<1x16xf32>,
      %parallel_loop3A_224 = vector.shape_cast %parallel_loop3A_223 : vector<1x16xf32> to vector<16xf32>
      %parallel_loop3A_225 = vector.shape_cast %parallel_loop3A_220 : vector<16xf32> to vector<1x16xf32>
      tpu.vector_store %arg8[%parallel_loop3A_221, %parallel_loop3A_222], %parallel_loop3A_225 {strides = array<i32>} : memref<64x768xf32, #tpu.memory_space<vmem>>, vector<1x16xf32>,
      %parallel_loop3A_226 = arith.index_cast %parallel_loop3A_15 : i32 to index
      %parallel_loop3A_227 = arith.constant 240 : index
      %parallel_loop3A_228 = tpu.vector_load %arg8[%parallel_loop3A_226, %parallel_loop3A_227] {strides = array<i32>} : memref<64x768xf32, #tpu.memory_space<vmem>>, vector<1x16xf32>,
      %parallel_loop3A_229 = vector.shape_cast %parallel_loop3A_228 : vector<1x16xf32> to vector<16xf32>
      %parallel_loop3A_230 = arith.index_cast %parallel_loop3A_15 : i32 to index
      %parallel_loop3A_231 = arith.constant 240 : index
      %parallel_loop3A_232 = tpu.vector_load %arg9[%parallel_loop3A_230, %parallel_loop3A_231] {strides = array<i32>} : memref<64x768xf32, #tpu.memory_space<vmem>>, vector<1x16xf32>,
      %parallel_loop3A_233 = vector.shape_cast %parallel_loop3A_232 : vector<1x16xf32> to vector<16xf32>
      %parallel_loop3A_234 = arith.addf %parallel_loop3A_229, %parallel_loop3A_233 : vector<16xf32>
      %parallel_loop3A_235 = arith.index_cast %parallel_loop3A_15 : i32 to index
      %parallel_loop3A_236 = arith.constant 240 : index
      %parallel_loop3A_237 = tpu.vector_load %arg8[%parallel_loop3A_235, %parallel_loop3A_236] {strides = array<i32>} : memref<64x768xf32, #tpu.memory_space<vmem>>, vector<1x16xf32>,
      %parallel_loop3A_238 = vector.shape_cast %parallel_loop3A_237 : vector<1x16xf32> to vector<16xf32>
      %parallel_loop3A_239 = vector.shape_cast %parallel_loop3A_234 : vector<16xf32> to vector<1x16xf32>
      tpu.vector_store %arg8[%parallel_loop3A_235, %parallel_loop3A_236], %parallel_loop3A_239 {strides = array<i32>} : memref<64x768xf32, #tpu.memory_space<vmem>>, vector<1x16xf32>,
      %parallel_loop3A_240 = arith.index_cast %parallel_loop3A_15 : i32 to index
      %parallel_loop3A_241 = arith.constant 256 : index
      %parallel_loop3A_242 = tpu.vector_load %arg8[%parallel_loop3A_240, %parallel_loop3A_241] {strides = array<i32>} : memref<64x768xf32, #tpu.memory_space<vmem>>, vector<1x16xf32>,
      %parallel_loop3A_243 = vector.shape_cast %parallel_loop3A_242 : vector<1x16xf32> to vector<16xf32>
      %parallel_loop3A_244 = arith.index_cast %parallel_loop3A_15 : i32 to index
      %parallel_loop3A_245 = arith.constant 256 : index
      %parallel_loop3A_246 = tpu.vector_load %arg9[%parallel_loop3A_244, %parallel_loop3A_245] {strides = array<i32>} : memref<64x768xf32, #tpu.memory_space<vmem>>, vector<1x16xf32>,
      %parallel_loop3A_247 = vector.shape_cast %parallel_loop3A_246 : vector<1x16xf32> to vector<16xf32>
      %parallel_loop3A_248 = arith.addf %parallel_loop3A_243, %parallel_loop3A_247 : vector<16xf32>
      %parallel_loop3A_249 = arith.index_cast %parallel_loop3A_15 : i32 to index
      %parallel_loop3A_250 = arith.constant 256 : index
      %parallel_loop3A_251 = tpu.vector_load %arg8[%parallel_loop3A_249, %parallel_loop3A_250] {strides = array<i32>} : memref<64x768xf32, #tpu.memory_space<vmem>>, vector<1x16xf32>,
      %parallel_loop3A_252 = vector.shape_cast %parallel_loop3A_251 : vector<1x16xf32> to vector<16xf32>
      %parallel_loop3A_253 = vector.shape_cast %parallel_loop3A_248 : vector<16xf32> to vector<1x16xf32>
      tpu.vector_store %arg8[%parallel_loop3A_249, %parallel_loop3A_250], %parallel_loop3A_253 {strides = array<i32>} : memref<64x768xf32, #tpu.memory_space<vmem>>, vector<1x16xf32>,
      %parallel_loop3A_254 = arith.index_cast %parallel_loop3A_15 : i32 to index
      %parallel_loop3A_255 = arith.constant 272 : index
      %parallel_loop3A_256 = tpu.vector_load %arg8[%parallel_loop3A_254, %parallel_loop3A_255] {strides = array<i32>} : memref<64x768xf32, #tpu.memory_space<vmem>>, vector<1x16xf32>,
      %parallel_loop3A_257 = vector.shape_cast %parallel_loop3A_256 : vector<1x16xf32> to vector<16xf32>
      %parallel_loop3A_258 = arith.index_cast %parallel_loop3A_15 : i32 to index
      %parallel_loop3A_259 = arith.constant 272 : index
      %parallel_loop3A_260 = tpu.vector_load %arg9[%parallel_loop3A_258, %parallel_loop3A_259] {strides = array<i32>} : memref<64x768xf32, #tpu.memory_space<vmem>>, vector<1x16xf32>,
      %parallel_loop3A_261 = vector.shape_cast %parallel_loop3A_260 : vector<1x16xf32> to vector<16xf32>
      %parallel_loop3A_262 = arith.addf %parallel_loop3A_257, %parallel_loop3A_261 : vector<16xf32>
      %parallel_loop3A_263 = arith.index_cast %parallel_loop3A_15 : i32 to index
      %parallel_loop3A_264 = arith.constant 272 : index
      %parallel_loop3A_265 = tpu.vector_load %arg8[%parallel_loop3A_263, %parallel_loop3A_264] {strides = array<i32>} : memref<64x768xf32, #tpu.memory_space<vmem>>, vector<1x16xf32>,
      %parallel_loop3A_266 = vector.shape_cast %parallel_loop3A_265 : vector<1x16xf32> to vector<16xf32>
      %parallel_loop3A_267 = vector.shape_cast %parallel_loop3A_262 : vector<16xf32> to vector<1x16xf32>
      tpu.vector_store %arg8[%parallel_loop3A_263, %parallel_loop3A_264], %parallel_loop3A_267 {strides = array<i32>} : memref<64x768xf32, #tpu.memory_space<vmem>>, vector<1x16xf32>,
      %parallel_loop3A_268 = arith.index_cast %parallel_loop3A_15 : i32 to index
      %parallel_loop3A_269 = arith.constant 288 : index
      %parallel_loop3A_270 = tpu.vector_load %arg8[%parallel_loop3A_268, %parallel_loop3A_269] {strides = array<i32>} : memref<64x768xf32, #tpu.memory_space<vmem>>, vector<1x16xf32>,
      %parallel_loop3A_271 = vector.shape_cast %parallel_loop3A_270 : vector<1x16xf32> to vector<16xf32>
      %parallel_loop3A_272 = arith.index_cast %parallel_loop3A_15 : i32 to index
      %parallel_loop3A_273 = arith.constant 288 : index
      %parallel_loop3A_274 = tpu.vector_load %arg9[%parallel_loop3A_272, %parallel_loop3A_273] {strides = array<i32>} : memref<64x768xf32, #tpu.memory_space<vmem>>, vector<1x16xf32>,
      %parallel_loop3A_275 = vector.shape_cast %parallel_loop3A_274 : vector<1x16xf32> to vector<16xf32>
      %parallel_loop3A_276 = arith.addf %parallel_loop3A_271, %parallel_loop3A_275 : vector<16xf32>
      %parallel_loop3A_277 = arith.index_cast %parallel_loop3A_15 : i32 to index
      %parallel_loop3A_278 = arith.constant 288 : index
      %parallel_loop3A_279 = tpu.vector_load %arg8[%parallel_loop3A_277, %parallel_loop3A_278] {strides = array<i32>} : memref<64x768xf32, #tpu.memory_space<vmem>>, vector<1x16xf32>,
      %parallel_loop3A_280 = vector.shape_cast %parallel_loop3A_279 : vector<1x16xf32> to vector<16xf32>
      %parallel_loop3A_281 = vector.shape_cast %parallel_loop3A_276 : vector<16xf32> to vector<1x16xf32>
      tpu.vector_store %arg8[%parallel_loop3A_277, %parallel_loop3A_278], %parallel_loop3A_281 {strides = array<i32>} : memref<64x768xf32, #tpu.memory_space<vmem>>, vector<1x16xf32>,
      %parallel_loop3A_282 = arith.index_cast %parallel_loop3A_15 : i32 to index
      %parallel_loop3A_283 = arith.constant 304 : index
      %parallel_loop3A_284 = tpu.vector_load %arg8[%parallel_loop3A_282, %parallel_loop3A_283] {strides = array<i32>} : memref<64x768xf32, #tpu.memory_space<vmem>>, vector<1x16xf32>,
      %parallel_loop3A_285 = vector.shape_cast %parallel_loop3A_284 : vector<1x16xf32> to vector<16xf32>
      %parallel_loop3A_286 = arith.index_cast %parallel_loop3A_15 : i32 to index
      %parallel_loop3A_287 = arith.constant 304 : index
      %parallel_loop3A_288 = tpu.vector_load %arg9[%parallel_loop3A_286, %parallel_loop3A_287] {strides = array<i32>} : memref<64x768xf32, #tpu.memory_space<vmem>>, vector<1x16xf32>,
      %parallel_loop3A_289 = vector.shape_cast %parallel_loop3A_288 : vector<1x16xf32> to vector<16xf32>
      %parallel_loop3A_290 = arith.addf %parallel_loop3A_285, %parallel_loop3A_289 : vector<16xf32>
      %parallel_loop3A_291 = arith.index_cast %parallel_loop3A_15 : i32 to index
      %parallel_loop3A_292 = arith.constant 304 : index
      %parallel_loop3A_293 = tpu.vector_load %arg8[%parallel_loop3A_291, %parallel_loop3A_292] {strides = array<i32>} : memref<64x768xf32, #tpu.memory_space<vmem>>, vector<1x16xf32>,
      %parallel_loop3A_294 = vector.shape_cast %parallel_loop3A_293 : vector<1x16xf32> to vector<16xf32>
      %parallel_loop3A_295 = vector.shape_cast %parallel_loop3A_290 : vector<16xf32> to vector<1x16xf32>
      tpu.vector_store %arg8[%parallel_loop3A_291, %parallel_loop3A_292], %parallel_loop3A_295 {strides = array<i32>} : memref<64x768xf32, #tpu.memory_space<vmem>>, vector<1x16xf32>,
      %parallel_loop3A_296 = arith.index_cast %parallel_loop3A_15 : i32 to index
      %parallel_loop3A_297 = arith.constant 320 : index
      %parallel_loop3A_298 = tpu.vector_load %arg8[%parallel_loop3A_296, %parallel_loop3A_297] {strides = array<i32>} : memref<64x768xf32, #tpu.memory_space<vmem>>, vector<1x16xf32>,
      %parallel_loop3A_299 = vector.shape_cast %parallel_loop3A_298 : vector<1x16xf32> to vector<16xf32>
      %parallel_loop3A_300 = arith.index_cast %parallel_loop3A_15 : i32 to index
      %parallel_loop3A_301 = arith.constant 320 : index
      %parallel_loop3A_302 = tpu.vector_load %arg9[%parallel_loop3A_300, %parallel_loop3A_301] {strides = array<i32>} : memref<64x768xf32, #tpu.memory_space<vmem>>, vector<1x16xf32>,
      %parallel_loop3A_303 = vector.shape_cast %parallel_loop3A_302 : vector<1x16xf32> to vector<16xf32>
      %parallel_loop3A_304 = arith.addf %parallel_loop3A_299, %parallel_loop3A_303 : vector<16xf32>
      %parallel_loop3A_305 = arith.index_cast %parallel_loop3A_15 : i32 to index
      %parallel_loop3A_306 = arith.constant 320 : index
      %parallel_loop3A_307 = tpu.vector_load %arg8[%parallel_loop3A_305, %parallel_loop3A_306] {strides = array<i32>} : memref<64x768xf32, #tpu.memory_space<vmem>>, vector<1x16xf32>,
      %parallel_loop3A_308 = vector.shape_cast %parallel_loop3A_307 : vector<1x16xf32> to vector<16xf32>
      %parallel_loop3A_309 = vector.shape_cast %parallel_loop3A_304 : vector<16xf32> to vector<1x16xf32>
      tpu.vector_store %arg8[%parallel_loop3A_305, %parallel_loop3A_306], %parallel_loop3A_309 {strides = array<i32>} : memref<64x768xf32, #tpu.memory_space<vmem>>, vector<1x16xf32>,
      %parallel_loop3A_310 = arith.index_cast %parallel_loop3A_15 : i32 to index
      %parallel_loop3A_311 = arith.constant 336 : index
      %parallel_loop3A_312 = tpu.vector_load %arg8[%parallel_loop3A_310, %parallel_loop3A_311] {strides = array<i32>} : memref<64x768xf32, #tpu.memory_space<vmem>>, vector<1x16xf32>,
      %parallel_loop3A_313 = vector.shape_cast %parallel_loop3A_312 : vector<1x16xf32> to vector<16xf32>
      %parallel_loop3A_314 = arith.index_cast %parallel_loop3A_15 : i32 to index
      %parallel_loop3A_315 = arith.constant 336 : index
      %parallel_loop3A_316 = tpu.vector_load %arg9[%parallel_loop3A_314, %parallel_loop3A_315] {strides = array<i32>} : memref<64x768xf32, #tpu.memory_space<vmem>>, vector<1x16xf32>,
      %parallel_loop3A_317 = vector.shape_cast %parallel_loop3A_316 : vector<1x16xf32> to vector<16xf32>
      %parallel_loop3A_318 = arith.addf %parallel_loop3A_313, %parallel_loop3A_317 : vector<16xf32>
      %parallel_loop3A_319 = arith.index_cast %parallel_loop3A_15 : i32 to index
      %parallel_loop3A_320 = arith.constant 336 : index
      %parallel_loop3A_321 = tpu.vector_load %arg8[%parallel_loop3A_319, %parallel_loop3A_320] {strides = array<i32>} : memref<64x768xf32, #tpu.memory_space<vmem>>, vector<1x16xf32>,
      %parallel_loop3A_322 = vector.shape_cast %parallel_loop3A_321 : vector<1x16xf32> to vector<16xf32>
      %parallel_loop3A_323 = vector.shape_cast %parallel_loop3A_318 : vector<16xf32> to vector<1x16xf32>
      tpu.vector_store %arg8[%parallel_loop3A_319, %parallel_loop3A_320], %parallel_loop3A_323 {strides = array<i32>} : memref<64x768xf32, #tpu.memory_space<vmem>>, vector<1x16xf32>,
      %parallel_loop3A_324 = arith.index_cast %parallel_loop3A_15 : i32 to index
      %parallel_loop3A_325 = arith.constant 352 : index
      %parallel_loop3A_326 = tpu.vector_load %arg8[%parallel_loop3A_324, %parallel_loop3A_325] {strides = array<i32>} : memref<64x768xf32, #tpu.memory_space<vmem>>, vector<1x16xf32>,
      %parallel_loop3A_327 = vector.shape_cast %parallel_loop3A_326 : vector<1x16xf32> to vector<16xf32>
      %parallel_loop3A_328 = arith.index_cast %parallel_loop3A_15 : i32 to index
      %parallel_loop3A_329 = arith.constant 352 : index
      %parallel_loop3A_330 = tpu.vector_load %arg9[%parallel_loop3A_328, %parallel_loop3A_329] {strides = array<i32>} : memref<64x768xf32, #tpu.memory_space<vmem>>, vector<1x16xf32>,
      %parallel_loop3A_331 = vector.shape_cast %parallel_loop3A_330 : vector<1x16xf32> to vector<16xf32>
      %parallel_loop3A_332 = arith.addf %parallel_loop3A_327, %parallel_loop3A_331 : vector<16xf32>
      %parallel_loop3A_333 = arith.index_cast %parallel_loop3A_15 : i32 to index
      %parallel_loop3A_334 = arith.constant 352 : index
      %parallel_loop3A_335 = tpu.vector_load %arg8[%parallel_loop3A_333, %parallel_loop3A_334] {strides = array<i32>} : memref<64x768xf32, #tpu.memory_space<vmem>>, vector<1x16xf32>,
      %parallel_loop3A_336 = vector.shape_cast %parallel_loop3A_335 : vector<1x16xf32> to vector<16xf32>
      %parallel_loop3A_337 = vector.shape_cast %parallel_loop3A_332 : vector<16xf32> to vector<1x16xf32>
      tpu.vector_store %arg8[%parallel_loop3A_333, %parallel_loop3A_334], %parallel_loop3A_337 {strides = array<i32>} : memref<64x768xf32, #tpu.memory_space<vmem>>, vector<1x16xf32>,
      %parallel_loop3A_338 = arith.index_cast %parallel_loop3A_15 : i32 to index
      %parallel_loop3A_339 = arith.constant 368 : index
      %parallel_loop3A_340 = tpu.vector_load %arg8[%parallel_loop3A_338, %parallel_loop3A_339] {strides = array<i32>} : memref<64x768xf32, #tpu.memory_space<vmem>>, vector<1x16xf32>,
      %parallel_loop3A_341 = vector.shape_cast %parallel_loop3A_340 : vector<1x16xf32> to vector<16xf32>
      %parallel_loop3A_342 = arith.index_cast %parallel_loop3A_15 : i32 to index
      %parallel_loop3A_343 = arith.constant 368 : index
      %parallel_loop3A_344 = tpu.vector_load %arg9[%parallel_loop3A_342, %parallel_loop3A_343] {strides = array<i32>} : memref<64x768xf32, #tpu.memory_space<vmem>>, vector<1x16xf32>,
      %parallel_loop3A_345 = vector.shape_cast %parallel_loop3A_344 : vector<1x16xf32> to vector<16xf32>
      %parallel_loop3A_346 = arith.addf %parallel_loop3A_341, %parallel_loop3A_345 : vector<16xf32>
      %parallel_loop3A_347 = arith.index_cast %parallel_loop3A_15 : i32 to index
      %parallel_loop3A_348 = arith.constant 368 : index
      %parallel_loop3A_349 = tpu.vector_load %arg8[%parallel_loop3A_347, %parallel_loop3A_348] {strides = array<i32>} : memref<64x768xf32, #tpu.memory_space<vmem>>, vector<1x16xf32>,
      %parallel_loop3A_350 = vector.shape_cast %parallel_loop3A_349 : vector<1x16xf32> to vector<16xf32>
      %parallel_loop3A_351 = vector.shape_cast %parallel_loop3A_346 : vector<16xf32> to vector<1x16xf32>
      tpu.vector_store %arg8[%parallel_loop3A_347, %parallel_loop3A_348], %parallel_loop3A_351 {strides = array<i32>} : memref<64x768xf32, #tpu.memory_space<vmem>>, vector<1x16xf32>,
      %parallel_loop3A_352 = arith.index_cast %parallel_loop3A_15 : i32 to index
      %parallel_loop3A_353 = arith.constant 384 : index
      %parallel_loop3A_354 = tpu.vector_load %arg8[%parallel_loop3A_352, %parallel_loop3A_353] {strides = array<i32>} : memref<64x768xf32, #tpu.memory_space<vmem>>, vector<1x16xf32>,
      %parallel_loop3A_355 = vector.shape_cast %parallel_loop3A_354 : vector<1x16xf32> to vector<16xf32>
      %parallel_loop3A_356 = arith.index_cast %parallel_loop3A_15 : i32 to index
      %parallel_loop3A_357 = arith.constant 384 : index
      %parallel_loop3A_358 = tpu.vector_load %arg9[%parallel_loop3A_356, %parallel_loop3A_357] {strides = array<i32>} : memref<64x768xf32, #tpu.memory_space<vmem>>, vector<1x16xf32>,
      %parallel_loop3A_359 = vector.shape_cast %parallel_loop3A_358 : vector<1x16xf32> to vector<16xf32>
      %parallel_loop3A_360 = arith.addf %parallel_loop3A_355, %parallel_loop3A_359 : vector<16xf32>
      %parallel_loop3A_361 = arith.index_cast %parallel_loop3A_15 : i32 to index
      %parallel_loop3A_362 = arith.constant 384 : index
      %parallel_loop3A_363 = tpu.vector_load %arg8[%parallel_loop3A_361, %parallel_loop3A_362] {strides = array<i32>} : memref<64x768xf32, #tpu.memory_space<vmem>>, vector<1x16xf32>,
      %parallel_loop3A_364 = vector.shape_cast %parallel_loop3A_363 : vector<1x16xf32> to vector<16xf32>
      %parallel_loop3A_365 = vector.shape_cast %parallel_loop3A_360 : vector<16xf32> to vector<1x16xf32>
      tpu.vector_store %arg8[%parallel_loop3A_361, %parallel_loop3A_362], %parallel_loop3A_365 {strides = array<i32>} : memref<64x768xf32, #tpu.memory_space<vmem>>, vector<1x16xf32>,
      %parallel_loop3A_366 = arith.index_cast %parallel_loop3A_15 : i32 to index
      %parallel_loop3A_367 = arith.constant 400 : index
      %parallel_loop3A_368 = tpu.vector_load %arg8[%parallel_loop3A_366, %parallel_loop3A_367] {strides = array<i32>} : memref<64x768xf32, #tpu.memory_space<vmem>>, vector<1x16xf32>,
      %parallel_loop3A_369 = vector.shape_cast %parallel_loop3A_368 : vector<1x16xf32> to vector<16xf32>
      %parallel_loop3A_370 = arith.index_cast %parallel_loop3A_15 : i32 to index
      %parallel_loop3A_371 = arith.constant 400 : index
      %parallel_loop3A_372 = tpu.vector_load %arg9[%parallel_loop3A_370, %parallel_loop3A_371] {strides = array<i32>} : memref<64x768xf32, #tpu.memory_space<vmem>>, vector<1x16xf32>,
      %parallel_loop3A_373 = vector.shape_cast %parallel_loop3A_372 : vector<1x16xf32> to vector<16xf32>
      %parallel_loop3A_374 = arith.addf %parallel_loop3A_369, %parallel_loop3A_373 : vector<16xf32>
      %parallel_loop3A_375 = arith.index_cast %parallel_loop3A_15 : i32 to index
      %parallel_loop3A_376 = arith.constant 400 : index
      %parallel_loop3A_377 = tpu.vector_load %arg8[%parallel_loop3A_375, %parallel_loop3A_376] {strides = array<i32>} : memref<64x768xf32, #tpu.memory_space<vmem>>, vector<1x16xf32>,
      %parallel_loop3A_378 = vector.shape_cast %parallel_loop3A_377 : vector<1x16xf32> to vector<16xf32>
      %parallel_loop3A_379 = vector.shape_cast %parallel_loop3A_374 : vector<16xf32> to vector<1x16xf32>
      tpu.vector_store %arg8[%parallel_loop3A_375, %parallel_loop3A_376], %parallel_loop3A_379 {strides = array<i32>} : memref<64x768xf32, #tpu.memory_space<vmem>>, vector<1x16xf32>,
      %parallel_loop3A_380 = arith.index_cast %parallel_loop3A_15 : i32 to index
      %parallel_loop3A_381 = arith.constant 416 : index
      %parallel_loop3A_382 = tpu.vector_load %arg8[%parallel_loop3A_380, %parallel_loop3A_381] {strides = array<i32>} : memref<64x768xf32, #tpu.memory_space<vmem>>, vector<1x16xf32>,
      %parallel_loop3A_383 = vector.shape_cast %parallel_loop3A_382 : vector<1x16xf32> to vector<16xf32>
      %parallel_loop3A_384 = arith.index_cast %parallel_loop3A_15 : i32 to index
      %parallel_loop3A_385 = arith.constant 416 : index
      %parallel_loop3A_386 = tpu.vector_load %arg9[%parallel_loop3A_384, %parallel_loop3A_385] {strides = array<i32>} : memref<64x768xf32, #tpu.memory_space<vmem>>, vector<1x16xf32>,
      %parallel_loop3A_387 = vector.shape_cast %parallel_loop3A_386 : vector<1x16xf32> to vector<16xf32>
      %parallel_loop3A_388 = arith.addf %parallel_loop3A_383, %parallel_loop3A_387 : vector<16xf32>
      %parallel_loop3A_389 = arith.index_cast %parallel_loop3A_15 : i32 to index
      %parallel_loop3A_390 = arith.constant 416 : index
      %parallel_loop3A_391 = tpu.vector_load %arg8[%parallel_loop3A_389, %parallel_loop3A_390] {strides = array<i32>} : memref<64x768xf32, #tpu.memory_space<vmem>>, vector<1x16xf32>,
      %parallel_loop3A_392 = vector.shape_cast %parallel_loop3A_391 : vector<1x16xf32> to vector<16xf32>
      %parallel_loop3A_393 = vector.shape_cast %parallel_loop3A_388 : vector<16xf32> to vector<1x16xf32>
      tpu.vector_store %arg8[%parallel_loop3A_389, %parallel_loop3A_390], %parallel_loop3A_393 {strides = array<i32>} : memref<64x768xf32, #tpu.memory_space<vmem>>, vector<1x16xf32>,
      %parallel_loop3A_394 = arith.index_cast %parallel_loop3A_15 : i32 to index
      %parallel_loop3A_395 = arith.constant 432 : index
      %parallel_loop3A_396 = tpu.vector_load %arg8[%parallel_loop3A_394, %parallel_loop3A_395] {strides = array<i32>} : memref<64x768xf32, #tpu.memory_space<vmem>>, vector<1x16xf32>,
      %parallel_loop3A_397 = vector.shape_cast %parallel_loop3A_396 : vector<1x16xf32> to vector<16xf32>
      %parallel_loop3A_398 = arith.index_cast %parallel_loop3A_15 : i32 to index
      %parallel_loop3A_399 = arith.constant 432 : index
      %parallel_loop3A_400 = tpu.vector_load %arg9[%parallel_loop3A_398, %parallel_loop3A_399] {strides = array<i32>} : memref<64x768xf32, #tpu.memory_space<vmem>>, vector<1x16xf32>,
      %parallel_loop3A_401 = vector.shape_cast %parallel_loop3A_400 : vector<1x16xf32> to vector<16xf32>
      %parallel_loop3A_402 = arith.addf %parallel_loop3A_397, %parallel_loop3A_401 : vector<16xf32>
      %parallel_loop3A_403 = arith.index_cast %parallel_loop3A_15 : i32 to index
      %parallel_loop3A_404 = arith.constant 432 : index
      %parallel_loop3A_405 = tpu.vector_load %arg8[%parallel_loop3A_403, %parallel_loop3A_404] {strides = array<i32>} : memref<64x768xf32, #tpu.memory_space<vmem>>, vector<1x16xf32>,
      %parallel_loop3A_406 = vector.shape_cast %parallel_loop3A_405 : vector<1x16xf32> to vector<16xf32>
      %parallel_loop3A_407 = vector.shape_cast %parallel_loop3A_402 : vector<16xf32> to vector<1x16xf32>
      tpu.vector_store %arg8[%parallel_loop3A_403, %parallel_loop3A_404], %parallel_loop3A_407 {strides = array<i32>} : memref<64x768xf32, #tpu.memory_space<vmem>>, vector<1x16xf32>,
      %parallel_loop3A_408 = arith.index_cast %parallel_loop3A_15 : i32 to index
      %parallel_loop3A_409 = arith.constant 448 : index
      %parallel_loop3A_410 = tpu.vector_load %arg8[%parallel_loop3A_408, %parallel_loop3A_409] {strides = array<i32>} : memref<64x768xf32, #tpu.memory_space<vmem>>, vector<1x16xf32>,
      %parallel_loop3A_411 = vector.shape_cast %parallel_loop3A_410 : vector<1x16xf32> to vector<16xf32>
      %parallel_loop3A_412 = arith.index_cast %parallel_loop3A_15 : i32 to index
      %parallel_loop3A_413 = arith.constant 448 : index
      %parallel_loop3A_414 = tpu.vector_load %arg9[%parallel_loop3A_412, %parallel_loop3A_413] {strides = array<i32>} : memref<64x768xf32, #tpu.memory_space<vmem>>, vector<1x16xf32>,
      %parallel_loop3A_415 = vector.shape_cast %parallel_loop3A_414 : vector<1x16xf32> to vector<16xf32>
      %parallel_loop3A_416 = arith.addf %parallel_loop3A_411, %parallel_loop3A_415 : vector<16xf32>
      %parallel_loop3A_417 = arith.index_cast %parallel_loop3A_15 : i32 to index
      %parallel_loop3A_418 = arith.constant 448 : index
      %parallel_loop3A_419 = tpu.vector_load %arg8[%parallel_loop3A_417, %parallel_loop3A_418] {strides = array<i32>} : memref<64x768xf32, #tpu.memory_space<vmem>>, vector<1x16xf32>,
      %parallel_loop3A_420 = vector.shape_cast %parallel_loop3A_419 : vector<1x16xf32> to vector<16xf32>
      %parallel_loop3A_421 = vector.shape_cast %parallel_loop3A_416 : vector<16xf32> to vector<1x16xf32>
      tpu.vector_store %arg8[%parallel_loop3A_417, %parallel_loop3A_418], %parallel_loop3A_421 {strides = array<i32>} : memref<64x768xf32, #tpu.memory_space<vmem>>, vector<1x16xf32>,
      %parallel_loop3A_422 = arith.index_cast %parallel_loop3A_15 : i32 to index
      %parallel_loop3A_423 = arith.constant 464 : index
      %parallel_loop3A_424 = tpu.vector_load %arg8[%parallel_loop3A_422, %parallel_loop3A_423] {strides = array<i32>} : memref<64x768xf32, #tpu.memory_space<vmem>>, vector<1x16xf32>,
      %parallel_loop3A_425 = vector.shape_cast %parallel_loop3A_424 : vector<1x16xf32> to vector<16xf32>
      %parallel_loop3A_426 = arith.index_cast %parallel_loop3A_15 : i32 to index
      %parallel_loop3A_427 = arith.constant 464 : index
      %parallel_loop3A_428 = tpu.vector_load %arg9[%parallel_loop3A_426, %parallel_loop3A_427] {strides = array<i32>} : memref<64x768xf32, #tpu.memory_space<vmem>>, vector<1x16xf32>,
      %parallel_loop3A_429 = vector.shape_cast %parallel_loop3A_428 : vector<1x16xf32> to vector<16xf32>
      %parallel_loop3A_430 = arith.addf %parallel_loop3A_425, %parallel_loop3A_429 : vector<16xf32>
      %parallel_loop3A_431 = arith.index_cast %parallel_loop3A_15 : i32 to index
      %parallel_loop3A_432 = arith.constant 464 : index
      %parallel_loop3A_433 = tpu.vector_load %arg8[%parallel_loop3A_431, %parallel_loop3A_432] {strides = array<i32>} : memref<64x768xf32, #tpu.memory_space<vmem>>, vector<1x16xf32>,
      %parallel_loop3A_434 = vector.shape_cast %parallel_loop3A_433 : vector<1x16xf32> to vector<16xf32>
      %parallel_loop3A_435 = vector.shape_cast %parallel_loop3A_430 : vector<16xf32> to vector<1x16xf32>
      tpu.vector_store %arg8[%parallel_loop3A_431, %parallel_loop3A_432], %parallel_loop3A_435 {strides = array<i32>} : memref<64x768xf32, #tpu.memory_space<vmem>>, vector<1x16xf32>,
      %parallel_loop3A_436 = arith.index_cast %parallel_loop3A_15 : i32 to index
      %parallel_loop3A_437 = arith.constant 480 : index
      %parallel_loop3A_438 = tpu.vector_load %arg8[%parallel_loop3A_436, %parallel_loop3A_437] {strides = array<i32>} : memref<64x768xf32, #tpu.memory_space<vmem>>, vector<1x16xf32>,
      %parallel_loop3A_439 = vector.shape_cast %parallel_loop3A_438 : vector<1x16xf32> to vector<16xf32>
      %parallel_loop3A_440 = arith.index_cast %parallel_loop3A_15 : i32 to index
      %parallel_loop3A_441 = arith.constant 480 : index
      %parallel_loop3A_442 = tpu.vector_load %arg9[%parallel_loop3A_440, %parallel_loop3A_441] {strides = array<i32>} : memref<64x768xf32, #tpu.memory_space<vmem>>, vector<1x16xf32>,
      %parallel_loop3A_443 = vector.shape_cast %parallel_loop3A_442 : vector<1x16xf32> to vector<16xf32>
      %parallel_loop3A_444 = arith.addf %parallel_loop3A_439, %parallel_loop3A_443 : vector<16xf32>
      %parallel_loop3A_445 = arith.index_cast %parallel_loop3A_15 : i32 to index
      %parallel_loop3A_446 = arith.constant 480 : index
      %parallel_loop3A_447 = tpu.vector_load %arg8[%parallel_loop3A_445, %parallel_loop3A_446] {strides = array<i32>} : memref<64x768xf32, #tpu.memory_space<vmem>>, vector<1x16xf32>,
      %parallel_loop3A_448 = vector.shape_cast %parallel_loop3A_447 : vector<1x16xf32> to vector<16xf32>
      %parallel_loop3A_449 = vector.shape_cast %parallel_loop3A_444 : vector<16xf32> to vector<1x16xf32>
      tpu.vector_store %arg8[%parallel_loop3A_445, %parallel_loop3A_446], %parallel_loop3A_449 {strides = array<i32>} : memref<64x768xf32, #tpu.memory_space<vmem>>, vector<1x16xf32>,
      %parallel_loop3A_450 = arith.index_cast %parallel_loop3A_15 : i32 to index
      %parallel_loop3A_451 = arith.constant 496 : index
      %parallel_loop3A_452 = tpu.vector_load %arg8[%parallel_loop3A_450, %parallel_loop3A_451] {strides = array<i32>} : memref<64x768xf32, #tpu.memory_space<vmem>>, vector<1x16xf32>,
      %parallel_loop3A_453 = vector.shape_cast %parallel_loop3A_452 : vector<1x16xf32> to vector<16xf32>
      %parallel_loop3A_454 = arith.index_cast %parallel_loop3A_15 : i32 to index
      %parallel_loop3A_455 = arith.constant 496 : index
      %parallel_loop3A_456 = tpu.vector_load %arg9[%parallel_loop3A_454, %parallel_loop3A_455] {strides = array<i32>} : memref<64x768xf32, #tpu.memory_space<vmem>>, vector<1x16xf32>,
      %parallel_loop3A_457 = vector.shape_cast %parallel_loop3A_456 : vector<1x16xf32> to vector<16xf32>
      %parallel_loop3A_458 = arith.addf %parallel_loop3A_453, %parallel_loop3A_457 : vector<16xf32>
      %parallel_loop3A_459 = arith.index_cast %parallel_loop3A_15 : i32 to index
      %parallel_loop3A_460 = arith.constant 496 : index
      %parallel_loop3A_461 = tpu.vector_load %arg8[%parallel_loop3A_459, %parallel_loop3A_460] {strides = array<i32>} : memref<64x768xf32, #tpu.memory_space<vmem>>, vector<1x16xf32>,
      %parallel_loop3A_462 = vector.shape_cast %parallel_loop3A_461 : vector<1x16xf32> to vector<16xf32>
      %parallel_loop3A_463 = vector.shape_cast %parallel_loop3A_458 : vector<16xf32> to vector<1x16xf32>
      tpu.vector_store %arg8[%parallel_loop3A_459, %parallel_loop3A_460], %parallel_loop3A_463 {strides = array<i32>} : memref<64x768xf32, #tpu.memory_space<vmem>>, vector<1x16xf32>,
      %parallel_loop3A_464 = arith.index_cast %parallel_loop3A_15 : i32 to index
      %parallel_loop3A_465 = arith.constant 512 : index
      %parallel_loop3A_466 = tpu.vector_load %arg8[%parallel_loop3A_464, %parallel_loop3A_465] {strides = array<i32>} : memref<64x768xf32, #tpu.memory_space<vmem>>, vector<1x16xf32>,
      %parallel_loop3A_467 = vector.shape_cast %parallel_loop3A_466 : vector<1x16xf32> to vector<16xf32>
      %parallel_loop3A_468 = arith.index_cast %parallel_loop3A_15 : i32 to index
      %parallel_loop3A_469 = arith.constant 512 : index
      %parallel_loop3A_470 = tpu.vector_load %arg9[%parallel_loop3A_468, %parallel_loop3A_469] {strides = array<i32>} : memref<64x768xf32, #tpu.memory_space<vmem>>, vector<1x16xf32>,
      %parallel_loop3A_471 = vector.shape_cast %parallel_loop3A_470 : vector<1x16xf32> to vector<16xf32>
      %parallel_loop3A_472 = arith.addf %parallel_loop3A_467, %parallel_loop3A_471 : vector<16xf32>
      %parallel_loop3A_473 = arith.index_cast %parallel_loop3A_15 : i32 to index
      %parallel_loop3A_474 = arith.constant 512 : index
      %parallel_loop3A_475 = tpu.vector_load %arg8[%parallel_loop3A_473, %parallel_loop3A_474] {strides = array<i32>} : memref<64x768xf32, #tpu.memory_space<vmem>>, vector<1x16xf32>,
      %parallel_loop3A_476 = vector.shape_cast %parallel_loop3A_475 : vector<1x16xf32> to vector<16xf32>
      %parallel_loop3A_477 = vector.shape_cast %parallel_loop3A_472 : vector<16xf32> to vector<1x16xf32>
      tpu.vector_store %arg8[%parallel_loop3A_473, %parallel_loop3A_474], %parallel_loop3A_477 {strides = array<i32>} : memref<64x768xf32, #tpu.memory_space<vmem>>, vector<1x16xf32>,
      %parallel_loop3A_478 = arith.index_cast %parallel_loop3A_15 : i32 to index
      %parallel_loop3A_479 = arith.constant 528 : index
      %parallel_loop3A_480 = tpu.vector_load %arg8[%parallel_loop3A_478, %parallel_loop3A_479] {strides = array<i32>} : memref<64x768xf32, #tpu.memory_space<vmem>>, vector<1x16xf32>,
      %parallel_loop3A_481 = vector.shape_cast %parallel_loop3A_480 : vector<1x16xf32> to vector<16xf32>
      %parallel_loop3A_482 = arith.index_cast %parallel_loop3A_15 : i32 to index
      %parallel_loop3A_483 = arith.constant 528 : index
      %parallel_loop3A_484 = tpu.vector_load %arg9[%parallel_loop3A_482, %parallel_loop3A_483] {strides = array<i32>} : memref<64x768xf32, #tpu.memory_space<vmem>>, vector<1x16xf32>,
      %parallel_loop3A_485 = vector.shape_cast %parallel_loop3A_484 : vector<1x16xf32> to vector<16xf32>
      %parallel_loop3A_486 = arith.addf %parallel_loop3A_481, %parallel_loop3A_485 : vector<16xf32>
      %parallel_loop3A_487 = arith.index_cast %parallel_loop3A_15 : i32 to index
      %parallel_loop3A_488 = arith.constant 528 : index
      %parallel_loop3A_489 = tpu.vector_load %arg8[%parallel_loop3A_487, %parallel_loop3A_488] {strides = array<i32>} : memref<64x768xf32, #tpu.memory_space<vmem>>, vector<1x16xf32>,
      %parallel_loop3A_490 = vector.shape_cast %parallel_loop3A_489 : vector<1x16xf32> to vector<16xf32>
      %parallel_loop3A_491 = vector.shape_cast %parallel_loop3A_486 : vector<16xf32> to vector<1x16xf32>
      tpu.vector_store %arg8[%parallel_loop3A_487, %parallel_loop3A_488], %parallel_loop3A_491 {strides = array<i32>} : memref<64x768xf32, #tpu.memory_space<vmem>>, vector<1x16xf32>,
      %parallel_loop3A_492 = arith.index_cast %parallel_loop3A_15 : i32 to index
      %parallel_loop3A_493 = arith.constant 544 : index
      %parallel_loop3A_494 = tpu.vector_load %arg8[%parallel_loop3A_492, %parallel_loop3A_493] {strides = array<i32>} : memref<64x768xf32, #tpu.memory_space<vmem>>, vector<1x16xf32>,
      %parallel_loop3A_495 = vector.shape_cast %parallel_loop3A_494 : vector<1x16xf32> to vector<16xf32>
      %parallel_loop3A_496 = arith.index_cast %parallel_loop3A_15 : i32 to index
      %parallel_loop3A_497 = arith.constant 544 : index
      %parallel_loop3A_498 = tpu.vector_load %arg9[%parallel_loop3A_496, %parallel_loop3A_497] {strides = array<i32>} : memref<64x768xf32, #tpu.memory_space<vmem>>, vector<1x16xf32>,
      %parallel_loop3A_499 = vector.shape_cast %parallel_loop3A_498 : vector<1x16xf32> to vector<16xf32>
      %parallel_loop3A_500 = arith.addf %parallel_loop3A_495, %parallel_loop3A_499 : vector<16xf32>
      %parallel_loop3A_501 = arith.index_cast %parallel_loop3A_15 : i32 to index
      %parallel_loop3A_502 = arith.constant 544 : index
      %parallel_loop3A_503 = tpu.vector_load %arg8[%parallel_loop3A_501, %parallel_loop3A_502] {strides = array<i32>} : memref<64x768xf32, #tpu.memory_space<vmem>>, vector<1x16xf32>,
      %parallel_loop3A_504 = vector.shape_cast %parallel_loop3A_503 : vector<1x16xf32> to vector<16xf32>
      %parallel_loop3A_505 = vector.shape_cast %parallel_loop3A_500 : vector<16xf32> to vector<1x16xf32>
      tpu.vector_store %arg8[%parallel_loop3A_501, %parallel_loop3A_502], %parallel_loop3A_505 {strides = array<i32>} : memref<64x768xf32, #tpu.memory_space<vmem>>, vector<1x16xf32>,
      %parallel_loop3A_506 = arith.index_cast %parallel_loop3A_15 : i32 to index
      %parallel_loop3A_507 = arith.constant 560 : index
      %parallel_loop3A_508 = tpu.vector_load %arg8[%parallel_loop3A_506, %parallel_loop3A_507] {strides = array<i32>} : memref<64x768xf32, #tpu.memory_space<vmem>>, vector<1x16xf32>,
      %parallel_loop3A_509 = vector.shape_cast %parallel_loop3A_508 : vector<1x16xf32> to vector<16xf32>
      %parallel_loop3A_510 = arith.index_cast %parallel_loop3A_15 : i32 to index
      %parallel_loop3A_511 = arith.constant 560 : index
      %parallel_loop3A_512 = tpu.vector_load %arg9[%parallel_loop3A_510, %parallel_loop3A_511] {strides = array<i32>} : memref<64x768xf32, #tpu.memory_space<vmem>>, vector<1x16xf32>,
      %parallel_loop3A_513 = vector.shape_cast %parallel_loop3A_512 : vector<1x16xf32> to vector<16xf32>
      %parallel_loop3A_514 = arith.addf %parallel_loop3A_509, %parallel_loop3A_513 : vector<16xf32>
      %parallel_loop3A_515 = arith.index_cast %parallel_loop3A_15 : i32 to index
      %parallel_loop3A_516 = arith.constant 560 : index
      %parallel_loop3A_517 = tpu.vector_load %arg8[%parallel_loop3A_515, %parallel_loop3A_516] {strides = array<i32>} : memref<64x768xf32, #tpu.memory_space<vmem>>, vector<1x16xf32>,
      %parallel_loop3A_518 = vector.shape_cast %parallel_loop3A_517 : vector<1x16xf32> to vector<16xf32>
      %parallel_loop3A_519 = vector.shape_cast %parallel_loop3A_514 : vector<16xf32> to vector<1x16xf32>
      tpu.vector_store %arg8[%parallel_loop3A_515, %parallel_loop3A_516], %parallel_loop3A_519 {strides = array<i32>} : memref<64x768xf32, #tpu.memory_space<vmem>>, vector<1x16xf32>,
      %parallel_loop3A_520 = arith.index_cast %parallel_loop3A_15 : i32 to index
      %parallel_loop3A_521 = arith.constant 576 : index
      %parallel_loop3A_522 = tpu.vector_load %arg8[%parallel_loop3A_520, %parallel_loop3A_521] {strides = array<i32>} : memref<64x768xf32, #tpu.memory_space<vmem>>, vector<1x16xf32>,
      %parallel_loop3A_523 = vector.shape_cast %parallel_loop3A_522 : vector<1x16xf32> to vector<16xf32>
      %parallel_loop3A_524 = arith.index_cast %parallel_loop3A_15 : i32 to index
      %parallel_loop3A_525 = arith.constant 576 : index
      %parallel_loop3A_526 = tpu.vector_load %arg9[%parallel_loop3A_524, %parallel_loop3A_525] {strides = array<i32>} : memref<64x768xf32, #tpu.memory_space<vmem>>, vector<1x16xf32>,
      %parallel_loop3A_527 = vector.shape_cast %parallel_loop3A_526 : vector<1x16xf32> to vector<16xf32>
      %parallel_loop3A_528 = arith.addf %parallel_loop3A_523, %parallel_loop3A_527 : vector<16xf32>
      %parallel_loop3A_529 = arith.index_cast %parallel_loop3A_15 : i32 to index
      %parallel_loop3A_530 = arith.constant 576 : index
      %parallel_loop3A_531 = tpu.vector_load %arg8[%parallel_loop3A_529, %parallel_loop3A_530] {strides = array<i32>} : memref<64x768xf32, #tpu.memory_space<vmem>>, vector<1x16xf32>,
      %parallel_loop3A_532 = vector.shape_cast %parallel_loop3A_531 : vector<1x16xf32> to vector<16xf32>
      %parallel_loop3A_533 = vector.shape_cast %parallel_loop3A_528 : vector<16xf32> to vector<1x16xf32>
      tpu.vector_store %arg8[%parallel_loop3A_529, %parallel_loop3A_530], %parallel_loop3A_533 {strides = array<i32>} : memref<64x768xf32, #tpu.memory_space<vmem>>, vector<1x16xf32>,
      %parallel_loop3A_534 = arith.index_cast %parallel_loop3A_15 : i32 to index
      %parallel_loop3A_535 = arith.constant 592 : index
      %parallel_loop3A_536 = tpu.vector_load %arg8[%parallel_loop3A_534, %parallel_loop3A_535] {strides = array<i32>} : memref<64x768xf32, #tpu.memory_space<vmem>>, vector<1x16xf32>,
      %parallel_loop3A_537 = vector.shape_cast %parallel_loop3A_536 : vector<1x16xf32> to vector<16xf32>
      %parallel_loop3A_538 = arith.index_cast %parallel_loop3A_15 : i32 to index
      %parallel_loop3A_539 = arith.constant 592 : index
      %parallel_loop3A_540 = tpu.vector_load %arg9[%parallel_loop3A_538, %parallel_loop3A_539] {strides = array<i32>} : memref<64x768xf32, #tpu.memory_space<vmem>>, vector<1x16xf32>,
      %parallel_loop3A_541 = vector.shape_cast %parallel_loop3A_540 : vector<1x16xf32> to vector<16xf32>
      %parallel_loop3A_542 = arith.addf %parallel_loop3A_537, %parallel_loop3A_541 : vector<16xf32>
      %parallel_loop3A_543 = arith.index_cast %parallel_loop3A_15 : i32 to index
      %parallel_loop3A_544 = arith.constant 592 : index
      %parallel_loop3A_545 = tpu.vector_load %arg8[%parallel_loop3A_543, %parallel_loop3A_544] {strides = array<i32>} : memref<64x768xf32, #tpu.memory_space<vmem>>, vector<1x16xf32>,
      %parallel_loop3A_546 = vector.shape_cast %parallel_loop3A_545 : vector<1x16xf32> to vector<16xf32>
      %parallel_loop3A_547 = vector.shape_cast %parallel_loop3A_542 : vector<16xf32> to vector<1x16xf32>
      tpu.vector_store %arg8[%parallel_loop3A_543, %parallel_loop3A_544], %parallel_loop3A_547 {strides = array<i32>} : memref<64x768xf32, #tpu.memory_space<vmem>>, vector<1x16xf32>,
      %parallel_loop3A_548 = arith.index_cast %parallel_loop3A_15 : i32 to index
      %parallel_loop3A_549 = arith.constant 608 : index
      %parallel_loop3A_550 = tpu.vector_load %arg8[%parallel_loop3A_548, %parallel_loop3A_549] {strides = array<i32>} : memref<64x768xf32, #tpu.memory_space<vmem>>, vector<1x16xf32>,
      %parallel_loop3A_551 = vector.shape_cast %parallel_loop3A_550 : vector<1x16xf32> to vector<16xf32>
      %parallel_loop3A_552 = arith.index_cast %parallel_loop3A_15 : i32 to index
      %parallel_loop3A_553 = arith.constant 608 : index
      %parallel_loop3A_554 = tpu.vector_load %arg9[%parallel_loop3A_552, %parallel_loop3A_553] {strides = array<i32>} : memref<64x768xf32, #tpu.memory_space<vmem>>, vector<1x16xf32>,
      %parallel_loop3A_555 = vector.shape_cast %parallel_loop3A_554 : vector<1x16xf32> to vector<16xf32>
      %parallel_loop3A_556 = arith.addf %parallel_loop3A_551, %parallel_loop3A_555 : vector<16xf32>
      %parallel_loop3A_557 = arith.index_cast %parallel_loop3A_15 : i32 to index
      %parallel_loop3A_558 = arith.constant 608 : index
      %parallel_loop3A_559 = tpu.vector_load %arg8[%parallel_loop3A_557, %parallel_loop3A_558] {strides = array<i32>} : memref<64x768xf32, #tpu.memory_space<vmem>>, vector<1x16xf32>,
      %parallel_loop3A_560 = vector.shape_cast %parallel_loop3A_559 : vector<1x16xf32> to vector<16xf32>
      %parallel_loop3A_561 = vector.shape_cast %parallel_loop3A_556 : vector<16xf32> to vector<1x16xf32>
      tpu.vector_store %arg8[%parallel_loop3A_557, %parallel_loop3A_558], %parallel_loop3A_561 {strides = array<i32>} : memref<64x768xf32, #tpu.memory_space<vmem>>, vector<1x16xf32>,
      %parallel_loop3A_562 = arith.index_cast %parallel_loop3A_15 : i32 to index
      %parallel_loop3A_563 = arith.constant 624 : index
      %parallel_loop3A_564 = tpu.vector_load %arg8[%parallel_loop3A_562, %parallel_loop3A_563] {strides = array<i32>} : memref<64x768xf32, #tpu.memory_space<vmem>>, vector<1x16xf32>,
      %parallel_loop3A_565 = vector.shape_cast %parallel_loop3A_564 : vector<1x16xf32> to vector<16xf32>
      %parallel_loop3A_566 = arith.index_cast %parallel_loop3A_15 : i32 to index
      %parallel_loop3A_567 = arith.constant 624 : index
      %parallel_loop3A_568 = tpu.vector_load %arg9[%parallel_loop3A_566, %parallel_loop3A_567] {strides = array<i32>} : memref<64x768xf32, #tpu.memory_space<vmem>>, vector<1x16xf32>,
      %parallel_loop3A_569 = vector.shape_cast %parallel_loop3A_568 : vector<1x16xf32> to vector<16xf32>
      %parallel_loop3A_570 = arith.addf %parallel_loop3A_565, %parallel_loop3A_569 : vector<16xf32>
      %parallel_loop3A_571 = arith.index_cast %parallel_loop3A_15 : i32 to index
      %parallel_loop3A_572 = arith.constant 624 : index
      %parallel_loop3A_573 = tpu.vector_load %arg8[%parallel_loop3A_571, %parallel_loop3A_572] {strides = array<i32>} : memref<64x768xf32, #tpu.memory_space<vmem>>, vector<1x16xf32>,
      %parallel_loop3A_574 = vector.shape_cast %parallel_loop3A_573 : vector<1x16xf32> to vector<16xf32>
      %parallel_loop3A_575 = vector.shape_cast %parallel_loop3A_570 : vector<16xf32> to vector<1x16xf32>
      tpu.vector_store %arg8[%parallel_loop3A_571, %parallel_loop3A_572], %parallel_loop3A_575 {strides = array<i32>} : memref<64x768xf32, #tpu.memory_space<vmem>>, vector<1x16xf32>,
      %parallel_loop3A_576 = arith.index_cast %parallel_loop3A_15 : i32 to index
      %parallel_loop3A_577 = arith.constant 640 : index
      %parallel_loop3A_578 = tpu.vector_load %arg8[%parallel_loop3A_576, %parallel_loop3A_577] {strides = array<i32>} : memref<64x768xf32, #tpu.memory_space<vmem>>, vector<1x16xf32>,
      %parallel_loop3A_579 = vector.shape_cast %parallel_loop3A_578 : vector<1x16xf32> to vector<16xf32>
      %parallel_loop3A_580 = arith.index_cast %parallel_loop3A_15 : i32 to index
      %parallel_loop3A_581 = arith.constant 640 : index
      %parallel_loop3A_582 = tpu.vector_load %arg9[%parallel_loop3A_580, %parallel_loop3A_581] {strides = array<i32>} : memref<64x768xf32, #tpu.memory_space<vmem>>, vector<1x16xf32>,
      %parallel_loop3A_583 = vector.shape_cast %parallel_loop3A_582 : vector<1x16xf32> to vector<16xf32>
      %parallel_loop3A_584 = arith.addf %parallel_loop3A_579, %parallel_loop3A_583 : vector<16xf32>
      %parallel_loop3A_585 = arith.index_cast %parallel_loop3A_15 : i32 to index
      %parallel_loop3A_586 = arith.constant 640 : index
      %parallel_loop3A_587 = tpu.vector_load %arg8[%parallel_loop3A_585, %parallel_loop3A_586] {strides = array<i32>} : memref<64x768xf32, #tpu.memory_space<vmem>>, vector<1x16xf32>,
      %parallel_loop3A_588 = vector.shape_cast %parallel_loop3A_587 : vector<1x16xf32> to vector<16xf32>
      %parallel_loop3A_589 = vector.shape_cast %parallel_loop3A_584 : vector<16xf32> to vector<1x16xf32>
      tpu.vector_store %arg8[%parallel_loop3A_585, %parallel_loop3A_586], %parallel_loop3A_589 {strides = array<i32>} : memref<64x768xf32, #tpu.memory_space<vmem>>, vector<1x16xf32>,
      %parallel_loop3A_590 = arith.index_cast %parallel_loop3A_15 : i32 to index
      %parallel_loop3A_591 = arith.constant 656 : index
      %parallel_loop3A_592 = tpu.vector_load %arg8[%parallel_loop3A_590, %parallel_loop3A_591] {strides = array<i32>} : memref<64x768xf32, #tpu.memory_space<vmem>>, vector<1x16xf32>,
      %parallel_loop3A_593 = vector.shape_cast %parallel_loop3A_592 : vector<1x16xf32> to vector<16xf32>
      %parallel_loop3A_594 = arith.index_cast %parallel_loop3A_15 : i32 to index
      %parallel_loop3A_595 = arith.constant 656 : index
      %parallel_loop3A_596 = tpu.vector_load %arg9[%parallel_loop3A_594, %parallel_loop3A_595] {strides = array<i32>} : memref<64x768xf32, #tpu.memory_space<vmem>>, vector<1x16xf32>,
      %parallel_loop3A_597 = vector.shape_cast %parallel_loop3A_596 : vector<1x16xf32> to vector<16xf32>
      %parallel_loop3A_598 = arith.addf %parallel_loop3A_593, %parallel_loop3A_597 : vector<16xf32>
      %parallel_loop3A_599 = arith.index_cast %parallel_loop3A_15 : i32 to index
      %parallel_loop3A_600 = arith.constant 656 : index
      %parallel_loop3A_601 = tpu.vector_load %arg8[%parallel_loop3A_599, %parallel_loop3A_600] {strides = array<i32>} : memref<64x768xf32, #tpu.memory_space<vmem>>, vector<1x16xf32>,
      %parallel_loop3A_602 = vector.shape_cast %parallel_loop3A_601 : vector<1x16xf32> to vector<16xf32>
      %parallel_loop3A_603 = vector.shape_cast %parallel_loop3A_598 : vector<16xf32> to vector<1x16xf32>
      tpu.vector_store %arg8[%parallel_loop3A_599, %parallel_loop3A_600], %parallel_loop3A_603 {strides = array<i32>} : memref<64x768xf32, #tpu.memory_space<vmem>>, vector<1x16xf32>,
      %parallel_loop3A_604 = arith.index_cast %parallel_loop3A_15 : i32 to index
      %parallel_loop3A_605 = arith.constant 672 : index
      %parallel_loop3A_606 = tpu.vector_load %arg8[%parallel_loop3A_604, %parallel_loop3A_605] {strides = array<i32>} : memref<64x768xf32, #tpu.memory_space<vmem>>, vector<1x16xf32>,
      %parallel_loop3A_607 = vector.shape_cast %parallel_loop3A_606 : vector<1x16xf32> to vector<16xf32>
      %parallel_loop3A_608 = arith.index_cast %parallel_loop3A_15 : i32 to index
      %parallel_loop3A_609 = arith.constant 672 : index
      %parallel_loop3A_610 = tpu.vector_load %arg9[%parallel_loop3A_608, %parallel_loop3A_609] {strides = array<i32>} : memref<64x768xf32, #tpu.memory_space<vmem>>, vector<1x16xf32>,
      %parallel_loop3A_611 = vector.shape_cast %parallel_loop3A_610 : vector<1x16xf32> to vector<16xf32>
      %parallel_loop3A_612 = arith.addf %parallel_loop3A_607, %parallel_loop3A_611 : vector<16xf32>
      %parallel_loop3A_613 = arith.index_cast %parallel_loop3A_15 : i32 to index
      %parallel_loop3A_614 = arith.constant 672 : index
      %parallel_loop3A_615 = tpu.vector_load %arg8[%parallel_loop3A_613, %parallel_loop3A_614] {strides = array<i32>} : memref<64x768xf32, #tpu.memory_space<vmem>>, vector<1x16xf32>,
      %parallel_loop3A_616 = vector.shape_cast %parallel_loop3A_615 : vector<1x16xf32> to vector<16xf32>
      %parallel_loop3A_617 = vector.shape_cast %parallel_loop3A_612 : vector<16xf32> to vector<1x16xf32>
      tpu.vector_store %arg8[%parallel_loop3A_613, %parallel_loop3A_614], %parallel_loop3A_617 {strides = array<i32>} : memref<64x768xf32, #tpu.memory_space<vmem>>, vector<1x16xf32>,
      %parallel_loop3A_618 = arith.index_cast %parallel_loop3A_15 : i32 to index
      %parallel_loop3A_619 = arith.constant 688 : index
      %parallel_loop3A_620 = tpu.vector_load %arg8[%parallel_loop3A_618, %parallel_loop3A_619] {strides = array<i32>} : memref<64x768xf32, #tpu.memory_space<vmem>>, vector<1x16xf32>,
      %parallel_loop3A_621 = vector.shape_cast %parallel_loop3A_620 : vector<1x16xf32> to vector<16xf32>
      %parallel_loop3A_622 = arith.index_cast %parallel_loop3A_15 : i32 to index
      %parallel_loop3A_623 = arith.constant 688 : index
      %parallel_loop3A_624 = tpu.vector_load %arg9[%parallel_loop3A_622, %parallel_loop3A_623] {strides = array<i32>} : memref<64x768xf32, #tpu.memory_space<vmem>>, vector<1x16xf32>,
      %parallel_loop3A_625 = vector.shape_cast %parallel_loop3A_624 : vector<1x16xf32> to vector<16xf32>
      %parallel_loop3A_626 = arith.addf %parallel_loop3A_621, %parallel_loop3A_625 : vector<16xf32>
      %parallel_loop3A_627 = arith.index_cast %parallel_loop3A_15 : i32 to index
      %parallel_loop3A_628 = arith.constant 688 : index
      %parallel_loop3A_629 = tpu.vector_load %arg8[%parallel_loop3A_627, %parallel_loop3A_628] {strides = array<i32>} : memref<64x768xf32, #tpu.memory_space<vmem>>, vector<1x16xf32>,
      %parallel_loop3A_630 = vector.shape_cast %parallel_loop3A_629 : vector<1x16xf32> to vector<16xf32>
      %parallel_loop3A_631 = vector.shape_cast %parallel_loop3A_626 : vector<16xf32> to vector<1x16xf32>
      tpu.vector_store %arg8[%parallel_loop3A_627, %parallel_loop3A_628], %parallel_loop3A_631 {strides = array<i32>} : memref<64x768xf32, #tpu.memory_space<vmem>>, vector<1x16xf32>,
      %parallel_loop3A_632 = arith.index_cast %parallel_loop3A_15 : i32 to index
      %parallel_loop3A_633 = arith.constant 704 : index
      %parallel_loop3A_634 = tpu.vector_load %arg8[%parallel_loop3A_632, %parallel_loop3A_633] {strides = array<i32>} : memref<64x768xf32, #tpu.memory_space<vmem>>, vector<1x16xf32>,
      %parallel_loop3A_635 = vector.shape_cast %parallel_loop3A_634 : vector<1x16xf32> to vector<16xf32>
      %parallel_loop3A_636 = arith.index_cast %parallel_loop3A_15 : i32 to index
      %parallel_loop3A_637 = arith.constant 704 : index
      %parallel_loop3A_638 = tpu.vector_load %arg9[%parallel_loop3A_636, %parallel_loop3A_637] {strides = array<i32>} : memref<64x768xf32, #tpu.memory_space<vmem>>, vector<1x16xf32>,
      %parallel_loop3A_639 = vector.shape_cast %parallel_loop3A_638 : vector<1x16xf32> to vector<16xf32>
      %parallel_loop3A_640 = arith.addf %parallel_loop3A_635, %parallel_loop3A_639 : vector<16xf32>
      %parallel_loop3A_641 = arith.index_cast %parallel_loop3A_15 : i32 to index
      %parallel_loop3A_642 = arith.constant 704 : index
      %parallel_loop3A_643 = tpu.vector_load %arg8[%parallel_loop3A_641, %parallel_loop3A_642] {strides = array<i32>} : memref<64x768xf32, #tpu.memory_space<vmem>>, vector<1x16xf32>,
      %parallel_loop3A_644 = vector.shape_cast %parallel_loop3A_643 : vector<1x16xf32> to vector<16xf32>
      %parallel_loop3A_645 = vector.shape_cast %parallel_loop3A_640 : vector<16xf32> to vector<1x16xf32>
      tpu.vector_store %arg8[%parallel_loop3A_641, %parallel_loop3A_642], %parallel_loop3A_645 {strides = array<i32>} : memref<64x768xf32, #tpu.memory_space<vmem>>, vector<1x16xf32>,
      %parallel_loop3A_646 = arith.index_cast %parallel_loop3A_15 : i32 to index
      %parallel_loop3A_647 = arith.constant 720 : index
      %parallel_loop3A_648 = tpu.vector_load %arg8[%parallel_loop3A_646, %parallel_loop3A_647] {strides = array<i32>} : memref<64x768xf32, #tpu.memory_space<vmem>>, vector<1x16xf32>,
      %parallel_loop3A_649 = vector.shape_cast %parallel_loop3A_648 : vector<1x16xf32> to vector<16xf32>
      %parallel_loop3A_650 = arith.index_cast %parallel_loop3A_15 : i32 to index
      %parallel_loop3A_651 = arith.constant 720 : index
      %parallel_loop3A_652 = tpu.vector_load %arg9[%parallel_loop3A_650, %parallel_loop3A_651] {strides = array<i32>} : memref<64x768xf32, #tpu.memory_space<vmem>>, vector<1x16xf32>,
      %parallel_loop3A_653 = vector.shape_cast %parallel_loop3A_652 : vector<1x16xf32> to vector<16xf32>
      %parallel_loop3A_654 = arith.addf %parallel_loop3A_649, %parallel_loop3A_653 : vector<16xf32>
      %parallel_loop3A_655 = arith.index_cast %parallel_loop3A_15 : i32 to index
      %parallel_loop3A_656 = arith.constant 720 : index
      %parallel_loop3A_657 = tpu.vector_load %arg8[%parallel_loop3A_655, %parallel_loop3A_656] {strides = array<i32>} : memref<64x768xf32, #tpu.memory_space<vmem>>, vector<1x16xf32>,
      %parallel_loop3A_658 = vector.shape_cast %parallel_loop3A_657 : vector<1x16xf32> to vector<16xf32>
      %parallel_loop3A_659 = vector.shape_cast %parallel_loop3A_654 : vector<16xf32> to vector<1x16xf32>
      tpu.vector_store %arg8[%parallel_loop3A_655, %parallel_loop3A_656], %parallel_loop3A_659 {strides = array<i32>} : memref<64x768xf32, #tpu.memory_space<vmem>>, vector<1x16xf32>,
      %parallel_loop3A_660 = arith.index_cast %parallel_loop3A_15 : i32 to index
      %parallel_loop3A_661 = arith.constant 736 : index
      %parallel_loop3A_662 = tpu.vector_load %arg8[%parallel_loop3A_660, %parallel_loop3A_661] {strides = array<i32>} : memref<64x768xf32, #tpu.memory_space<vmem>>, vector<1x16xf32>,
      %parallel_loop3A_663 = vector.shape_cast %parallel_loop3A_662 : vector<1x16xf32> to vector<16xf32>
      %parallel_loop3A_664 = arith.index_cast %parallel_loop3A_15 : i32 to index
      %parallel_loop3A_665 = arith.constant 736 : index
      %parallel_loop3A_666 = tpu.vector_load %arg9[%parallel_loop3A_664, %parallel_loop3A_665] {strides = array<i32>} : memref<64x768xf32, #tpu.memory_space<vmem>>, vector<1x16xf32>,
      %parallel_loop3A_667 = vector.shape_cast %parallel_loop3A_666 : vector<1x16xf32> to vector<16xf32>
      %parallel_loop3A_668 = arith.addf %parallel_loop3A_663, %parallel_loop3A_667 : vector<16xf32>
      %parallel_loop3A_669 = arith.index_cast %parallel_loop3A_15 : i32 to index
      %parallel_loop3A_670 = arith.constant 736 : index
      %parallel_loop3A_671 = tpu.vector_load %arg8[%parallel_loop3A_669, %parallel_loop3A_670] {strides = array<i32>} : memref<64x768xf32, #tpu.memory_space<vmem>>, vector<1x16xf32>,
      %parallel_loop3A_672 = vector.shape_cast %parallel_loop3A_671 : vector<1x16xf32> to vector<16xf32>
      %parallel_loop3A_673 = vector.shape_cast %parallel_loop3A_668 : vector<16xf32> to vector<1x16xf32>
      tpu.vector_store %arg8[%parallel_loop3A_669, %parallel_loop3A_670], %parallel_loop3A_673 {strides = array<i32>} : memref<64x768xf32, #tpu.memory_space<vmem>>, vector<1x16xf32>,
      %parallel_loop3A_674 = arith.index_cast %parallel_loop3A_15 : i32 to index
      %parallel_loop3A_675 = arith.constant 752 : index
      %parallel_loop3A_676 = tpu.vector_load %arg8[%parallel_loop3A_674, %parallel_loop3A_675] {strides = array<i32>} : memref<64x768xf32, #tpu.memory_space<vmem>>, vector<1x16xf32>,
      %parallel_loop3A_677 = vector.shape_cast %parallel_loop3A_676 : vector<1x16xf32> to vector<16xf32>
      %parallel_loop3A_678 = arith.index_cast %parallel_loop3A_15 : i32 to index
      %parallel_loop3A_679 = arith.constant 752 : index
      %parallel_loop3A_680 = tpu.vector_load %arg9[%parallel_loop3A_678, %parallel_loop3A_679] {strides = array<i32>} : memref<64x768xf32, #tpu.memory_space<vmem>>, vector<1x16xf32>,
      %parallel_loop3A_681 = vector.shape_cast %parallel_loop3A_680 : vector<1x16xf32> to vector<16xf32>
      %parallel_loop3A_682 = arith.addf %parallel_loop3A_677, %parallel_loop3A_681 : vector<16xf32>
      %parallel_loop3A_683 = arith.index_cast %parallel_loop3A_15 : i32 to index
      %parallel_loop3A_684 = arith.constant 752 : index
      %parallel_loop3A_685 = tpu.vector_load %arg8[%parallel_loop3A_683, %parallel_loop3A_684] {strides = array<i32>} : memref<64x768xf32, #tpu.memory_space<vmem>>, vector<1x16xf32>,
      %parallel_loop3A_686 = vector.shape_cast %parallel_loop3A_685 : vector<1x16xf32> to vector<16xf32>
      %parallel_loop3A_687 = vector.shape_cast %parallel_loop3A_682 : vector<16xf32> to vector<1x16xf32>
      tpu.vector_store %arg8[%parallel_loop3A_683, %parallel_loop3A_684], %parallel_loop3A_687 {strides = array<i32>} : memref<64x768xf32, #tpu.memory_space<vmem>>, vector<1x16xf32>,
    } {sc.loop_unroll_factor = 2 : i64, sc.parallel_access}
    "tpu.region"() ({
      %run_scoped3A = tpu.sem_alloc : memref<!tpu.dma_semaphore, #tpu.memory_space<semaphore_mem>>
      %dma_start3A_15 = arith.constant 0 : i32
      %dma_start3A_16 = tpu.memref_slice %arg5[%mul3A_2, %dma_start3A_15] : memref<2048x768xf32, #tpu.memory_space<hbm>> -> memref<64x768xf32, #tpu.memory_space<hbm>>
      %dma_start3A_17 = arith.constant 0 : i32
      %dma_start3A_18 = tpu.memref_slice %arg5[%mul3A_2, %dma_start3A_17] : memref<2048x768xf32, #tpu.memory_space<hbm>> -> memref<64x768xf32, #tpu.memory_space<hbm>>
      tpu.enqueue_dma source(%arg8 : memref<64x768xf32, #tpu.memory_space<vmem>>) target(%dma_start3A_18 : memref<64x768xf32, #tpu.memory_space<hbm>>) target_semaphore(%run_scoped3A : memref<!tpu.dma_semaphore, #tpu.memory_space<semaphore_mem>>)
      %dma_wait3A_19 = arith.constant 0 : i32
      %dma_wait3A_20 = tpu.memref_slice %arg5[%mul3A_2, %dma_wait3A_19] : memref<2048x768xf32, #tpu.memory_space<hbm>> -> memref<64x768xf32, #tpu.memory_space<hbm>>
      %dma_wait3A_21 = arith.constant 0 : i32
      %dma_wait3A_22 = tpu.memref_slice %arg5[%mul3A_2, %dma_wait3A_21] : memref<2048x768xf32, #tpu.memory_space<hbm>> -> memref<64x768xf32, #tpu.memory_space<hbm>>
      tpu.wait_dma2 semaphore(%run_scoped3A : memref<!tpu.dma_semaphore, #tpu.memory_space<semaphore_mem>>) src(%arg8 : memref<64x768xf32, #tpu.memory_space<vmem>>) dst(%dma_wait3A_22 : memref<64x768xf32, #tpu.memory_space<hbm>>)
      tpu.yield
    }) : () -> ()
    return
  }
}

module attributes {stable_mosaic.version = 14 : i64} {
  func.func @_router_body(%arg0: memref<2048x768xf32, #tpu.memory_space<vmem>>, %arg1: memref<64x768xf32, #tpu.memory_space<vmem>>, %arg2: memref<64xf32, #tpu.memory_space<vmem>>, %arg3: memref<2048xi32, #tpu.memory_space<vmem>>, %arg4: memref<2048xi32, #tpu.memory_space<vmem>>, %arg5: memref<2048xf32, #tpu.memory_space<vmem>>, %arg6: memref<2048xf32, #tpu.memory_space<vmem>>, %arg7: memref<64xi32, #tpu.memory_space<vmem>>, %arg8: memref<64xi32, #tpu.memory_space<vmem>>) attributes {dimension_semantics = [], scalar_prefetch = 0 : i64, scratch_operands = 0 : i64, tpu.core_type = #tpu.core_type<tc>} {
    %get3A = arith.constant 0 : index
    %get3A_0 = arith.constant 0 : index
    %get3A_1 = vector.load %arg0[%get3A, %get3A_0] : memref<2048x768xf32, #tpu.memory_space<vmem>>, vector<2048x768xf32>
    %get3A_2 = arith.constant 0 : index
    %get3A_3 = arith.constant 0 : index
    %get3A_4 = vector.load %arg1[%get3A_2, %get3A_3] : memref<64x768xf32, #tpu.memory_space<vmem>>, vector<64x768xf32>
    %dot_general3A = arith.constant dense<0.000000e+00> : vector<2048x64xf32>
    %dot_general3A_5 = tpu.matmul %get3A_1, %get3A_4, %dot_general3A {dimension_numbers = #tpu.dot_dimension_numbers<[1], [1], [0], [0], [0, 0, 1, 0], [], []>, transpose_lhs_hint = false} : vector<2048x768xf32>, vector<64x768xf32>, vector<2048x64xf32> -> vector<2048x64xf32>
    %get3A_6 = arith.constant 0 : index
    %get3A_7 = vector.load %arg2[%get3A_6] : memref<64xf32, #tpu.memory_space<vmem>>, vector<64xf32>
    %broadcast_in_dim3A = vector.shape_cast %get3A_7 : vector<64xf32> to vector<1x64xf32>
    %add3A = vector.broadcast %broadcast_in_dim3A : vector<1x64xf32> to vector<2048x64xf32>
    %add3A_8 = arith.addf %dot_general3A_5, %add3A : vector<2048x64xf32>
    %iota3A = tpu.iota {dimensions = array<i32: 1>} : vector<2048x64xi32>
    %reduce_max3A = arith.constant dense<0xFF800000> : vector<2048xf32>
    %reduce_max3A_9 = vector.multi_reduction <maximumf>, %add3A_8, %reduce_max3A [1] : vector<2048x64xf32> to vector<2048xf32>
    %broadcast_in_dim3A_10 = vector.shape_cast %reduce_max3A_9 : vector<2048xf32> to vector<2048x1xf32>
    %eq3A = vector.broadcast %broadcast_in_dim3A_10 : vector<2048x1xf32> to vector<2048x64xf32>
    %eq3A_11 = arith.cmpf oeq, %add3A_8, %eq3A : vector<2048x64xf32>
    %jit3A = arith.constant 64 : i32
    %broadcast_in_dim3A_12 = vector.broadcast %jit3A : i32 to vector<2048x64xi32>
    %select_n3A = arith.select %eq3A_11, %iota3A, %broadcast_in_dim3A_12 : vector<2048x64xi1>, vector<2048x64xi32>
    %reduce_min3A = arith.constant dense<2147483647> : vector<2048xi32>
    %reduce_min3A_13 = vector.multi_reduction <minsi>, %select_n3A, %reduce_min3A [1] : vector<2048x64xi32> to vector<2048xi32>
    %broadcast_in_dim3A_14 = vector.shape_cast %reduce_min3A_13 : vector<2048xi32> to vector<2048x1xi32>
    %eq3A_15 = vector.broadcast %broadcast_in_dim3A_14 : vector<2048x1xi32> to vector<2048x64xi32>
    %eq3A_16 = arith.cmpi eq, %iota3A, %eq3A_15 : vector<2048x64xi32>
    %jit3A_17 = arith.constant 0xFF800000 : f32
    %broadcast_in_dim3A_18 = vector.broadcast %jit3A_17 : f32 to vector<2048x64xf32>
    %select_n3A_19 = arith.select %eq3A_16, %broadcast_in_dim3A_18, %add3A_8 : vector<2048x64xi1>, vector<2048x64xf32>
    %reduce_max3A_20 = arith.constant dense<0xFF800000> : vector<2048xf32>
    %reduce_max3A_21 = vector.multi_reduction <maximumf>, %select_n3A_19, %reduce_max3A_20 [1] : vector<2048x64xf32> to vector<2048xf32>
    %broadcast_in_dim3A_22 = vector.shape_cast %reduce_max3A_21 : vector<2048xf32> to vector<2048x1xf32>
    %eq3A_23 = vector.broadcast %broadcast_in_dim3A_22 : vector<2048x1xf32> to vector<2048x64xf32>
    %eq3A_24 = arith.cmpf oeq, %select_n3A_19, %eq3A_23 : vector<2048x64xf32>
    %jit3A_25 = arith.constant 64 : i32
    %broadcast_in_dim3A_26 = vector.broadcast %jit3A_25 : i32 to vector<2048x64xi32>
    %select_n3A_27 = arith.select %eq3A_24, %iota3A, %broadcast_in_dim3A_26 : vector<2048x64xi1>, vector<2048x64xi32>
    %reduce_min3A_28 = arith.constant dense<2147483647> : vector<2048xi32>
    %reduce_min3A_29 = vector.multi_reduction <minsi>, %select_n3A_27, %reduce_min3A_28 [1] : vector<2048x64xi32> to vector<2048xi32>
    %broadcast_in_dim3A_30 = vector.shape_cast %reduce_min3A_29 : vector<2048xi32> to vector<2048x1xi32>
    %eq3A_31 = vector.broadcast %broadcast_in_dim3A_30 : vector<2048x1xi32> to vector<2048x64xi32>
    %eq3A_32 = arith.cmpi eq, %iota3A, %eq3A_31 : vector<2048x64xi32>
    %sub3A = arith.subf %broadcast_in_dim3A_22, %broadcast_in_dim3A_10 : vector<2048x1xf32>
    %exp3A = math.exp %sub3A : vector<2048x1xf32>
    %add3A_33 = arith.constant 1.000000e+00 : f32
    %add3A_34 = vector.broadcast %add3A_33 : f32 to vector<2048x1xf32>
    %add3A_35 = arith.addf %add3A_34, %exp3A : vector<2048x1xf32>
    %div3A = arith.constant 1.000000e+00 : f32
    %div3A_36 = vector.broadcast %div3A : f32 to vector<2048x1xf32>
    %div3A_37 = arith.divf %div3A_36, %add3A_35 : vector<2048x1xf32>
    %squeeze3A = vector.shape_cast %div3A_37 : vector<2048x1xf32> to vector<2048xf32>
    %swap3A = arith.constant 0 : index
    %swap3A_38 = vector.load %arg5[%swap3A] : memref<2048xf32, #tpu.memory_space<vmem>>, vector<2048xf32>
    tpu.vector_store %arg5[%swap3A], %squeeze3A {strides = array<i32>} : memref<2048xf32, #tpu.memory_space<vmem>>, vector<2048xf32>,
    %squeeze3A_39 = vector.shape_cast %div3A_37 : vector<2048x1xf32> to vector<2048xf32>
    %sub3A_40 = arith.constant 1.000000e+00 : f32
    %sub3A_41 = vector.broadcast %sub3A_40 : f32 to vector<2048xf32>
    %sub3A_42 = arith.subf %sub3A_41, %squeeze3A_39 : vector<2048xf32>
    %swap3A_43 = arith.constant 0 : index
    %swap3A_44 = vector.load %arg6[%swap3A_43] : memref<2048xf32, #tpu.memory_space<vmem>>, vector<2048xf32>
    tpu.vector_store %arg6[%swap3A_43], %sub3A_42 {strides = array<i32>} : memref<2048xf32, #tpu.memory_space<vmem>>, vector<2048xf32>,
    %convert_element_type3A = arith.extui %eq3A_16 : vector<2048x64xi1> to vector<2048x64xi32>
    %convert_element_type3A_45 = arith.sitofp %convert_element_type3A : vector<2048x64xi32> to vector<2048x64xf32>
    %convert_element_type3A_46 = arith.extui %eq3A_32 : vector<2048x64xi1> to vector<2048x64xi32>
    %convert_element_type3A_47 = arith.sitofp %convert_element_type3A_46 : vector<2048x64xi32> to vector<2048x64xf32>
    %add3A_48 = arith.addf %convert_element_type3A_45, %convert_element_type3A_47 : vector<2048x64xf32>
    %reduce_sum3A = arith.constant dense<0.000000e+00> : vector<64xf32>
    %reduce_sum3A_49 = vector.multi_reduction <add>, %add3A_48, %reduce_sum3A [0] : vector<2048x64xf32> to vector<64xf32>
    %broadcast_in_dim3A_50 = vector.shape_cast %reduce_sum3A_49 : vector<64xf32> to vector<1x64xf32>
    %div3A_51 = arith.constant 8.000000e+00 : f32
    %div3A_52 = vector.broadcast %div3A_51 : f32 to vector<1x64xf32>
    %div3A_53 = arith.divf %broadcast_in_dim3A_50, %div3A_52 : vector<1x64xf32>
    %ceil3A = math.ceil %div3A_53 : vector<1x64xf32>
    %mul3A = arith.constant 8.000000e+00 : f32
    %mul3A_54 = vector.broadcast %mul3A : f32 to vector<1x64xf32>
    %mul3A_55 = arith.mulf %ceil3A, %mul3A_54 : vector<1x64xf32>
    %iota3A_56 = tpu.iota {dimensions = array<i32: 0>} : vector<64x64xi32>
    %iota3A_57 = tpu.iota {dimensions = array<i32: 1>} : vector<64x64xi32>
    %lt3A = arith.cmpi slt, %iota3A_56, %iota3A_57 : vector<64x64xi32>
    %jit3A_58 = arith.constant 1.000000e+00 : f32
    %jit3A_59 = arith.constant 0.000000e+00 : f32
    %broadcast_in_dim3A_60 = vector.broadcast %jit3A_58 : f32 to vector<64x64xf32>
    %broadcast_in_dim3A_61 = vector.broadcast %jit3A_59 : f32 to vector<64x64xf32>
    %select_n3A_62 = arith.select %lt3A, %broadcast_in_dim3A_60, %broadcast_in_dim3A_61 : vector<64x64xi1>, vector<64x64xf32>
    %dot_general3A_63 = arith.constant dense<0.000000e+00> : vector<1x64xf32>
    %dot_general3A_64 = tpu.matmul %mul3A_55, %select_n3A_62, %dot_general3A_63 {dimension_numbers = #tpu.dot_dimension_numbers<[1], [0], [0], [1], [0, 0, 1, 1], [], []>, transpose_lhs_hint = false} : vector<1x64xf32>, vector<64x64xf32>, vector<1x64xf32> -> vector<1x64xf32>
    %squeeze3A_65 = vector.shape_cast %dot_general3A_64 : vector<1x64xf32> to vector<64xf32>
    %convert_element_type3A_66 = arith.fptosi %squeeze3A_65 : vector<64xf32> to vector<64xi32>
    %swap3A_67 = arith.constant 0 : index
    %swap3A_68 = vector.load %arg7[%swap3A_67] : memref<64xi32, #tpu.memory_space<vmem>>, vector<64xi32>
    tpu.vector_store %arg7[%swap3A_67], %convert_element_type3A_66 {strides = array<i32>} : memref<64xi32, #tpu.memory_space<vmem>>, vector<64xi32>,
    %squeeze3A_69 = vector.shape_cast %dot_general3A_64 : vector<1x64xf32> to vector<64xf32>
    %squeeze3A_70 = vector.shape_cast %broadcast_in_dim3A_50 : vector<1x64xf32> to vector<64xf32>
    %add3A_71 = arith.addf %squeeze3A_69, %squeeze3A_70 : vector<64xf32>
    %convert_element_type3A_72 = arith.fptosi %add3A_71 : vector<64xf32> to vector<64xi32>
    %swap3A_73 = arith.constant 0 : index
    %swap3A_74 = vector.load %arg8[%swap3A_73] : memref<64xi32, #tpu.memory_space<vmem>>, vector<64xi32>
    tpu.vector_store %arg8[%swap3A_73], %convert_element_type3A_72 {strides = array<i32>} : memref<64xi32, #tpu.memory_space<vmem>>, vector<64xi32>,
    %iota3A_75 = tpu.iota {dimensions = array<i32: 0>} : vector<128x128xi32>
    %iota3A_76 = tpu.iota {dimensions = array<i32: 1>} : vector<128x128xi32>
    %lt3A_77 = arith.cmpi slt, %iota3A_76, %iota3A_75 : vector<128x128xi32>
    %jit3A_78 = arith.constant 1.000000e+00 : f32
    %jit3A_79 = arith.constant 0.000000e+00 : f32
    %broadcast_in_dim3A_80 = vector.broadcast %jit3A_78 : f32 to vector<128x128xf32>
    %broadcast_in_dim3A_81 = vector.broadcast %jit3A_79 : f32 to vector<128x128xf32>
    %select_n3A_82 = arith.select %lt3A_77, %broadcast_in_dim3A_80, %broadcast_in_dim3A_81 : vector<128x128xi1>, vector<128x128xf32>
    %broadcast_in_dim3A_83 = arith.constant 0.000000e+00 : f32
    %broadcast_in_dim3A_84 = vector.broadcast %broadcast_in_dim3A_83 : f32 to vector<1x64xf32>
    %slice3A = vector.extract_strided_slice %add3A_48 {offsets = [0, 0], sizes = [128, 64], strides = [1, 1]} : vector<2048x64xf32> to vector<128x64xf32>
    %dot_general3A_85 = arith.constant dense<0.000000e+00> : vector<128x64xf32>
    %dot_general3A_86 = tpu.matmul %select_n3A_82, %slice3A, %dot_general3A_85 {dimension_numbers = #tpu.dot_dimension_numbers<[1], [0], [0], [1], [0, 0, 1, 1], [], []>, transpose_lhs_hint = false} : vector<128x128xf32>, vector<128x64xf32>, vector<128x64xf32> -> vector<128x64xf32>
    %add3A_87 = vector.broadcast %broadcast_in_dim3A_84 : vector<1x64xf32> to vector<128x64xf32>
    %add3A_88 = arith.addf %dot_general3A_86, %add3A_87 : vector<128x64xf32>
    %add3A_89 = vector.broadcast %dot_general3A_64 : vector<1x64xf32> to vector<128x64xf32>
    %add3A_90 = arith.addf %add3A_89, %add3A_88 : vector<128x64xf32>
    %slice3A_91 = vector.extract_strided_slice %convert_element_type3A_45 {offsets = [0, 0], sizes = [128, 64], strides = [1, 1]} : vector<2048x64xf32> to vector<128x64xf32>
    %mul3A_92 = arith.mulf %add3A_90, %slice3A_91 : vector<128x64xf32>
    %reduce_sum3A_93 = arith.constant dense<0.000000e+00> : vector<128xf32>
    %reduce_sum3A_94 = vector.multi_reduction <add>, %mul3A_92, %reduce_sum3A_93 [1] : vector<128x64xf32> to vector<128xf32>
    %add3A_95 = vector.broadcast %dot_general3A_64 : vector<1x64xf32> to vector<128x64xf32>
    %add3A_96 = arith.addf %add3A_95, %add3A_88 : vector<128x64xf32>
    %slice3A_97 = vector.extract_strided_slice %convert_element_type3A_47 {offsets = [0, 0], sizes = [128, 64], strides = [1, 1]} : vector<2048x64xf32> to vector<128x64xf32>
    %mul3A_98 = arith.mulf %add3A_96, %slice3A_97 : vector<128x64xf32>
    %reduce_sum3A_99 = arith.constant dense<0.000000e+00> : vector<128xf32>
    %reduce_sum3A_100 = vector.multi_reduction <add>, %mul3A_98, %reduce_sum3A_99 [1] : vector<128x64xf32> to vector<128xf32>
    %convert_element_type3A_101 = arith.fptosi %reduce_sum3A_94 : vector<128xf32> to vector<128xi32>
    %swap3A_102 = arith.constant 0 : index
    %swap3A_103 = vector.load %arg3[%swap3A_102] : memref<2048xi32, #tpu.memory_space<vmem>>, vector<128xi32>
    tpu.vector_store %arg3[%swap3A_102], %convert_element_type3A_101 {strides = array<i32>} : memref<2048xi32, #tpu.memory_space<vmem>>, vector<128xi32>,
    %convert_element_type3A_104 = arith.fptosi %reduce_sum3A_100 : vector<128xf32> to vector<128xi32>
    %swap3A_105 = arith.constant 0 : index
    %swap3A_106 = vector.load %arg4[%swap3A_105] : memref<2048xi32, #tpu.memory_space<vmem>>, vector<128xi32>
    tpu.vector_store %arg4[%swap3A_105], %convert_element_type3A_104 {strides = array<i32>} : memref<2048xi32, #tpu.memory_space<vmem>>, vector<128xi32>,
    %reduce_sum3A_107 = arith.constant dense<0.000000e+00> : vector<64xf32>
    %reduce_sum3A_108 = vector.multi_reduction <add>, %slice3A, %reduce_sum3A_107 [0] : vector<128x64xf32> to vector<64xf32>
    %broadcast_in_dim3A_109 = vector.shape_cast %reduce_sum3A_108 : vector<64xf32> to vector<1x64xf32>
    %add3A_110 = arith.addf %broadcast_in_dim3A_84, %broadcast_in_dim3A_109 : vector<1x64xf32>
    %slice3A_111 = vector.extract_strided_slice %add3A_48 {offsets = [128, 0], sizes = [128, 64], strides = [1, 1]} : vector<2048x64xf32> to vector<128x64xf32>
    %dot_general3A_112 = arith.constant dense<0.000000e+00> : vector<128x64xf32>
    %dot_general3A_113 = tpu.matmul %select_n3A_82, %slice3A_111, %dot_general3A_112 {dimension_numbers = #tpu.dot_dimension_numbers<[1], [0], [0], [1], [0, 0, 1, 1], [], []>, transpose_lhs_hint = false} : vector<128x128xf32>, vector<128x64xf32>, vector<128x64xf32> -> vector<128x64xf32>
    %add3A_114 = vector.broadcast %add3A_110 : vector<1x64xf32> to vector<128x64xf32>
    %add3A_115 = arith.addf %dot_general3A_113, %add3A_114 : vector<128x64xf32>
    %add3A_116 = vector.broadcast %dot_general3A_64 : vector<1x64xf32> to vector<128x64xf32>
    %add3A_117 = arith.addf %add3A_116, %add3A_115 : vector<128x64xf32>
    %slice3A_118 = vector.extract_strided_slice %convert_element_type3A_45 {offsets = [128, 0], sizes = [128, 64], strides = [1, 1]} : vector<2048x64xf32> to vector<128x64xf32>
    %mul3A_119 = arith.mulf %add3A_117, %slice3A_118 : vector<128x64xf32>
    %reduce_sum3A_120 = arith.constant dense<0.000000e+00> : vector<128xf32>
    %reduce_sum3A_121 = vector.multi_reduction <add>, %mul3A_119, %reduce_sum3A_120 [1] : vector<128x64xf32> to vector<128xf32>
    %add3A_122 = vector.broadcast %dot_general3A_64 : vector<1x64xf32> to vector<128x64xf32>
    %add3A_123 = arith.addf %add3A_122, %add3A_115 : vector<128x64xf32>
    %slice3A_124 = vector.extract_strided_slice %convert_element_type3A_47 {offsets = [128, 0], sizes = [128, 64], strides = [1, 1]} : vector<2048x64xf32> to vector<128x64xf32>
    %mul3A_125 = arith.mulf %add3A_123, %slice3A_124 : vector<128x64xf32>
    %reduce_sum3A_126 = arith.constant dense<0.000000e+00> : vector<128xf32>
    %reduce_sum3A_127 = vector.multi_reduction <add>, %mul3A_125, %reduce_sum3A_126 [1] : vector<128x64xf32> to vector<128xf32>
    %convert_element_type3A_128 = arith.fptosi %reduce_sum3A_121 : vector<128xf32> to vector<128xi32>
    %swap3A_129 = arith.constant 128 : index
    %swap3A_130 = vector.load %arg3[%swap3A_129] : memref<2048xi32, #tpu.memory_space<vmem>>, vector<128xi32>
    tpu.vector_store %arg3[%swap3A_129], %convert_element_type3A_128 {strides = array<i32>} : memref<2048xi32, #tpu.memory_space<vmem>>, vector<128xi32>,
    %convert_element_type3A_131 = arith.fptosi %reduce_sum3A_127 : vector<128xf32> to vector<128xi32>
    %swap3A_132 = arith.constant 128 : index
    %swap3A_133 = vector.load %arg4[%swap3A_132] : memref<2048xi32, #tpu.memory_space<vmem>>, vector<128xi32>
    tpu.vector_store %arg4[%swap3A_132], %convert_element_type3A_131 {strides = array<i32>} : memref<2048xi32, #tpu.memory_space<vmem>>, vector<128xi32>,
    %reduce_sum3A_134 = arith.constant dense<0.000000e+00> : vector<64xf32>
    %reduce_sum3A_135 = vector.multi_reduction <add>, %slice3A_111, %reduce_sum3A_134 [0] : vector<128x64xf32> to vector<64xf32>
    %broadcast_in_dim3A_136 = vector.shape_cast %reduce_sum3A_135 : vector<64xf32> to vector<1x64xf32>
    %add3A_137 = arith.addf %add3A_110, %broadcast_in_dim3A_136 : vector<1x64xf32>
    %slice3A_138 = vector.extract_strided_slice %add3A_48 {offsets = [256, 0], sizes = [128, 64], strides = [1, 1]} : vector<2048x64xf32> to vector<128x64xf32>
    %dot_general3A_139 = arith.constant dense<0.000000e+00> : vector<128x64xf32>
    %dot_general3A_140 = tpu.matmul %select_n3A_82, %slice3A_138, %dot_general3A_139 {dimension_numbers = #tpu.dot_dimension_numbers<[1], [0], [0], [1], [0, 0, 1, 1], [], []>, transpose_lhs_hint = false} : vector<128x128xf32>, vector<128x64xf32>, vector<128x64xf32> -> vector<128x64xf32>
    %add3A_141 = vector.broadcast %add3A_137 : vector<1x64xf32> to vector<128x64xf32>
    %add3A_142 = arith.addf %dot_general3A_140, %add3A_141 : vector<128x64xf32>
    %add3A_143 = vector.broadcast %dot_general3A_64 : vector<1x64xf32> to vector<128x64xf32>
    %add3A_144 = arith.addf %add3A_143, %add3A_142 : vector<128x64xf32>
    %slice3A_145 = vector.extract_strided_slice %convert_element_type3A_45 {offsets = [256, 0], sizes = [128, 64], strides = [1, 1]} : vector<2048x64xf32> to vector<128x64xf32>
    %mul3A_146 = arith.mulf %add3A_144, %slice3A_145 : vector<128x64xf32>
    %reduce_sum3A_147 = arith.constant dense<0.000000e+00> : vector<128xf32>
    %reduce_sum3A_148 = vector.multi_reduction <add>, %mul3A_146, %reduce_sum3A_147 [1] : vector<128x64xf32> to vector<128xf32>
    %add3A_149 = vector.broadcast %dot_general3A_64 : vector<1x64xf32> to vector<128x64xf32>
    %add3A_150 = arith.addf %add3A_149, %add3A_142 : vector<128x64xf32>
    %slice3A_151 = vector.extract_strided_slice %convert_element_type3A_47 {offsets = [256, 0], sizes = [128, 64], strides = [1, 1]} : vector<2048x64xf32> to vector<128x64xf32>
    %mul3A_152 = arith.mulf %add3A_150, %slice3A_151 : vector<128x64xf32>
    %reduce_sum3A_153 = arith.constant dense<0.000000e+00> : vector<128xf32>
    %reduce_sum3A_154 = vector.multi_reduction <add>, %mul3A_152, %reduce_sum3A_153 [1] : vector<128x64xf32> to vector<128xf32>
    %convert_element_type3A_155 = arith.fptosi %reduce_sum3A_148 : vector<128xf32> to vector<128xi32>
    %swap3A_156 = arith.constant 256 : index
    %swap3A_157 = vector.load %arg3[%swap3A_156] : memref<2048xi32, #tpu.memory_space<vmem>>, vector<128xi32>
    tpu.vector_store %arg3[%swap3A_156], %convert_element_type3A_155 {strides = array<i32>} : memref<2048xi32, #tpu.memory_space<vmem>>, vector<128xi32>,
    %convert_element_type3A_158 = arith.fptosi %reduce_sum3A_154 : vector<128xf32> to vector<128xi32>
    %swap3A_159 = arith.constant 256 : index
    %swap3A_160 = vector.load %arg4[%swap3A_159] : memref<2048xi32, #tpu.memory_space<vmem>>, vector<128xi32>
    tpu.vector_store %arg4[%swap3A_159], %convert_element_type3A_158 {strides = array<i32>} : memref<2048xi32, #tpu.memory_space<vmem>>, vector<128xi32>,
    %reduce_sum3A_161 = arith.constant dense<0.000000e+00> : vector<64xf32>
    %reduce_sum3A_162 = vector.multi_reduction <add>, %slice3A_138, %reduce_sum3A_161 [0] : vector<128x64xf32> to vector<64xf32>
    %broadcast_in_dim3A_163 = vector.shape_cast %reduce_sum3A_162 : vector<64xf32> to vector<1x64xf32>
    %add3A_164 = arith.addf %add3A_137, %broadcast_in_dim3A_163 : vector<1x64xf32>
    %slice3A_165 = vector.extract_strided_slice %add3A_48 {offsets = [384, 0], sizes = [128, 64], strides = [1, 1]} : vector<2048x64xf32> to vector<128x64xf32>
    %dot_general3A_166 = arith.constant dense<0.000000e+00> : vector<128x64xf32>
    %dot_general3A_167 = tpu.matmul %select_n3A_82, %slice3A_165, %dot_general3A_166 {dimension_numbers = #tpu.dot_dimension_numbers<[1], [0], [0], [1], [0, 0, 1, 1], [], []>, transpose_lhs_hint = false} : vector<128x128xf32>, vector<128x64xf32>, vector<128x64xf32> -> vector<128x64xf32>
    %add3A_168 = vector.broadcast %add3A_164 : vector<1x64xf32> to vector<128x64xf32>
    %add3A_169 = arith.addf %dot_general3A_167, %add3A_168 : vector<128x64xf32>
    %add3A_170 = vector.broadcast %dot_general3A_64 : vector<1x64xf32> to vector<128x64xf32>
    %add3A_171 = arith.addf %add3A_170, %add3A_169 : vector<128x64xf32>
    %slice3A_172 = vector.extract_strided_slice %convert_element_type3A_45 {offsets = [384, 0], sizes = [128, 64], strides = [1, 1]} : vector<2048x64xf32> to vector<128x64xf32>
    %mul3A_173 = arith.mulf %add3A_171, %slice3A_172 : vector<128x64xf32>
    %reduce_sum3A_174 = arith.constant dense<0.000000e+00> : vector<128xf32>
    %reduce_sum3A_175 = vector.multi_reduction <add>, %mul3A_173, %reduce_sum3A_174 [1] : vector<128x64xf32> to vector<128xf32>
    %add3A_176 = vector.broadcast %dot_general3A_64 : vector<1x64xf32> to vector<128x64xf32>
    %add3A_177 = arith.addf %add3A_176, %add3A_169 : vector<128x64xf32>
    %slice3A_178 = vector.extract_strided_slice %convert_element_type3A_47 {offsets = [384, 0], sizes = [128, 64], strides = [1, 1]} : vector<2048x64xf32> to vector<128x64xf32>
    %mul3A_179 = arith.mulf %add3A_177, %slice3A_178 : vector<128x64xf32>
    %reduce_sum3A_180 = arith.constant dense<0.000000e+00> : vector<128xf32>
    %reduce_sum3A_181 = vector.multi_reduction <add>, %mul3A_179, %reduce_sum3A_180 [1] : vector<128x64xf32> to vector<128xf32>
    %convert_element_type3A_182 = arith.fptosi %reduce_sum3A_175 : vector<128xf32> to vector<128xi32>
    %swap3A_183 = arith.constant 384 : index
    %swap3A_184 = vector.load %arg3[%swap3A_183] : memref<2048xi32, #tpu.memory_space<vmem>>, vector<128xi32>
    tpu.vector_store %arg3[%swap3A_183], %convert_element_type3A_182 {strides = array<i32>} : memref<2048xi32, #tpu.memory_space<vmem>>, vector<128xi32>,
    %convert_element_type3A_185 = arith.fptosi %reduce_sum3A_181 : vector<128xf32> to vector<128xi32>
    %swap3A_186 = arith.constant 384 : index
    %swap3A_187 = vector.load %arg4[%swap3A_186] : memref<2048xi32, #tpu.memory_space<vmem>>, vector<128xi32>
    tpu.vector_store %arg4[%swap3A_186], %convert_element_type3A_185 {strides = array<i32>} : memref<2048xi32, #tpu.memory_space<vmem>>, vector<128xi32>,
    %reduce_sum3A_188 = arith.constant dense<0.000000e+00> : vector<64xf32>
    %reduce_sum3A_189 = vector.multi_reduction <add>, %slice3A_165, %reduce_sum3A_188 [0] : vector<128x64xf32> to vector<64xf32>
    %broadcast_in_dim3A_190 = vector.shape_cast %reduce_sum3A_189 : vector<64xf32> to vector<1x64xf32>
    %add3A_191 = arith.addf %add3A_164, %broadcast_in_dim3A_190 : vector<1x64xf32>
    %slice3A_192 = vector.extract_strided_slice %add3A_48 {offsets = [512, 0], sizes = [128, 64], strides = [1, 1]} : vector<2048x64xf32> to vector<128x64xf32>
    %dot_general3A_193 = arith.constant dense<0.000000e+00> : vector<128x64xf32>
    %dot_general3A_194 = tpu.matmul %select_n3A_82, %slice3A_192, %dot_general3A_193 {dimension_numbers = #tpu.dot_dimension_numbers<[1], [0], [0], [1], [0, 0, 1, 1], [], []>, transpose_lhs_hint = false} : vector<128x128xf32>, vector<128x64xf32>, vector<128x64xf32> -> vector<128x64xf32>
    %add3A_195 = vector.broadcast %add3A_191 : vector<1x64xf32> to vector<128x64xf32>
    %add3A_196 = arith.addf %dot_general3A_194, %add3A_195 : vector<128x64xf32>
    %add3A_197 = vector.broadcast %dot_general3A_64 : vector<1x64xf32> to vector<128x64xf32>
    %add3A_198 = arith.addf %add3A_197, %add3A_196 : vector<128x64xf32>
    %slice3A_199 = vector.extract_strided_slice %convert_element_type3A_45 {offsets = [512, 0], sizes = [128, 64], strides = [1, 1]} : vector<2048x64xf32> to vector<128x64xf32>
    %mul3A_200 = arith.mulf %add3A_198, %slice3A_199 : vector<128x64xf32>
    %reduce_sum3A_201 = arith.constant dense<0.000000e+00> : vector<128xf32>
    %reduce_sum3A_202 = vector.multi_reduction <add>, %mul3A_200, %reduce_sum3A_201 [1] : vector<128x64xf32> to vector<128xf32>
    %add3A_203 = vector.broadcast %dot_general3A_64 : vector<1x64xf32> to vector<128x64xf32>
    %add3A_204 = arith.addf %add3A_203, %add3A_196 : vector<128x64xf32>
    %slice3A_205 = vector.extract_strided_slice %convert_element_type3A_47 {offsets = [512, 0], sizes = [128, 64], strides = [1, 1]} : vector<2048x64xf32> to vector<128x64xf32>
    %mul3A_206 = arith.mulf %add3A_204, %slice3A_205 : vector<128x64xf32>
    %reduce_sum3A_207 = arith.constant dense<0.000000e+00> : vector<128xf32>
    %reduce_sum3A_208 = vector.multi_reduction <add>, %mul3A_206, %reduce_sum3A_207 [1] : vector<128x64xf32> to vector<128xf32>
    %convert_element_type3A_209 = arith.fptosi %reduce_sum3A_202 : vector<128xf32> to vector<128xi32>
    %swap3A_210 = arith.constant 512 : index
    %swap3A_211 = vector.load %arg3[%swap3A_210] : memref<2048xi32, #tpu.memory_space<vmem>>, vector<128xi32>
    tpu.vector_store %arg3[%swap3A_210], %convert_element_type3A_209 {strides = array<i32>} : memref<2048xi32, #tpu.memory_space<vmem>>, vector<128xi32>,
    %convert_element_type3A_212 = arith.fptosi %reduce_sum3A_208 : vector<128xf32> to vector<128xi32>
    %swap3A_213 = arith.constant 512 : index
    %swap3A_214 = vector.load %arg4[%swap3A_213] : memref<2048xi32, #tpu.memory_space<vmem>>, vector<128xi32>
    tpu.vector_store %arg4[%swap3A_213], %convert_element_type3A_212 {strides = array<i32>} : memref<2048xi32, #tpu.memory_space<vmem>>, vector<128xi32>,
    %reduce_sum3A_215 = arith.constant dense<0.000000e+00> : vector<64xf32>
    %reduce_sum3A_216 = vector.multi_reduction <add>, %slice3A_192, %reduce_sum3A_215 [0] : vector<128x64xf32> to vector<64xf32>
    %broadcast_in_dim3A_217 = vector.shape_cast %reduce_sum3A_216 : vector<64xf32> to vector<1x64xf32>
    %add3A_218 = arith.addf %add3A_191, %broadcast_in_dim3A_217 : vector<1x64xf32>
    %slice3A_219 = vector.extract_strided_slice %add3A_48 {offsets = [640, 0], sizes = [128, 64], strides = [1, 1]} : vector<2048x64xf32> to vector<128x64xf32>
    %dot_general3A_220 = arith.constant dense<0.000000e+00> : vector<128x64xf32>
    %dot_general3A_221 = tpu.matmul %select_n3A_82, %slice3A_219, %dot_general3A_220 {dimension_numbers = #tpu.dot_dimension_numbers<[1], [0], [0], [1], [0, 0, 1, 1], [], []>, transpose_lhs_hint = false} : vector<128x128xf32>, vector<128x64xf32>, vector<128x64xf32> -> vector<128x64xf32>
    %add3A_222 = vector.broadcast %add3A_218 : vector<1x64xf32> to vector<128x64xf32>
    %add3A_223 = arith.addf %dot_general3A_221, %add3A_222 : vector<128x64xf32>
    %add3A_224 = vector.broadcast %dot_general3A_64 : vector<1x64xf32> to vector<128x64xf32>
    %add3A_225 = arith.addf %add3A_224, %add3A_223 : vector<128x64xf32>
    %slice3A_226 = vector.extract_strided_slice %convert_element_type3A_45 {offsets = [640, 0], sizes = [128, 64], strides = [1, 1]} : vector<2048x64xf32> to vector<128x64xf32>
    %mul3A_227 = arith.mulf %add3A_225, %slice3A_226 : vector<128x64xf32>
    %reduce_sum3A_228 = arith.constant dense<0.000000e+00> : vector<128xf32>
    %reduce_sum3A_229 = vector.multi_reduction <add>, %mul3A_227, %reduce_sum3A_228 [1] : vector<128x64xf32> to vector<128xf32>
    %add3A_230 = vector.broadcast %dot_general3A_64 : vector<1x64xf32> to vector<128x64xf32>
    %add3A_231 = arith.addf %add3A_230, %add3A_223 : vector<128x64xf32>
    %slice3A_232 = vector.extract_strided_slice %convert_element_type3A_47 {offsets = [640, 0], sizes = [128, 64], strides = [1, 1]} : vector<2048x64xf32> to vector<128x64xf32>
    %mul3A_233 = arith.mulf %add3A_231, %slice3A_232 : vector<128x64xf32>
    %reduce_sum3A_234 = arith.constant dense<0.000000e+00> : vector<128xf32>
    %reduce_sum3A_235 = vector.multi_reduction <add>, %mul3A_233, %reduce_sum3A_234 [1] : vector<128x64xf32> to vector<128xf32>
    %convert_element_type3A_236 = arith.fptosi %reduce_sum3A_229 : vector<128xf32> to vector<128xi32>
    %swap3A_237 = arith.constant 640 : index
    %swap3A_238 = vector.load %arg3[%swap3A_237] : memref<2048xi32, #tpu.memory_space<vmem>>, vector<128xi32>
    tpu.vector_store %arg3[%swap3A_237], %convert_element_type3A_236 {strides = array<i32>} : memref<2048xi32, #tpu.memory_space<vmem>>, vector<128xi32>,
    %convert_element_type3A_239 = arith.fptosi %reduce_sum3A_235 : vector<128xf32> to vector<128xi32>
    %swap3A_240 = arith.constant 640 : index
    %swap3A_241 = vector.load %arg4[%swap3A_240] : memref<2048xi32, #tpu.memory_space<vmem>>, vector<128xi32>
    tpu.vector_store %arg4[%swap3A_240], %convert_element_type3A_239 {strides = array<i32>} : memref<2048xi32, #tpu.memory_space<vmem>>, vector<128xi32>,
    %reduce_sum3A_242 = arith.constant dense<0.000000e+00> : vector<64xf32>
    %reduce_sum3A_243 = vector.multi_reduction <add>, %slice3A_219, %reduce_sum3A_242 [0] : vector<128x64xf32> to vector<64xf32>
    %broadcast_in_dim3A_244 = vector.shape_cast %reduce_sum3A_243 : vector<64xf32> to vector<1x64xf32>
    %add3A_245 = arith.addf %add3A_218, %broadcast_in_dim3A_244 : vector<1x64xf32>
    %slice3A_246 = vector.extract_strided_slice %add3A_48 {offsets = [768, 0], sizes = [128, 64], strides = [1, 1]} : vector<2048x64xf32> to vector<128x64xf32>
    %dot_general3A_247 = arith.constant dense<0.000000e+00> : vector<128x64xf32>
    %dot_general3A_248 = tpu.matmul %select_n3A_82, %slice3A_246, %dot_general3A_247 {dimension_numbers = #tpu.dot_dimension_numbers<[1], [0], [0], [1], [0, 0, 1, 1], [], []>, transpose_lhs_hint = false} : vector<128x128xf32>, vector<128x64xf32>, vector<128x64xf32> -> vector<128x64xf32>
    %add3A_249 = vector.broadcast %add3A_245 : vector<1x64xf32> to vector<128x64xf32>
    %add3A_250 = arith.addf %dot_general3A_248, %add3A_249 : vector<128x64xf32>
    %add3A_251 = vector.broadcast %dot_general3A_64 : vector<1x64xf32> to vector<128x64xf32>
    %add3A_252 = arith.addf %add3A_251, %add3A_250 : vector<128x64xf32>
    %slice3A_253 = vector.extract_strided_slice %convert_element_type3A_45 {offsets = [768, 0], sizes = [128, 64], strides = [1, 1]} : vector<2048x64xf32> to vector<128x64xf32>
    %mul3A_254 = arith.mulf %add3A_252, %slice3A_253 : vector<128x64xf32>
    %reduce_sum3A_255 = arith.constant dense<0.000000e+00> : vector<128xf32>
    %reduce_sum3A_256 = vector.multi_reduction <add>, %mul3A_254, %reduce_sum3A_255 [1] : vector<128x64xf32> to vector<128xf32>
    %add3A_257 = vector.broadcast %dot_general3A_64 : vector<1x64xf32> to vector<128x64xf32>
    %add3A_258 = arith.addf %add3A_257, %add3A_250 : vector<128x64xf32>
    %slice3A_259 = vector.extract_strided_slice %convert_element_type3A_47 {offsets = [768, 0], sizes = [128, 64], strides = [1, 1]} : vector<2048x64xf32> to vector<128x64xf32>
    %mul3A_260 = arith.mulf %add3A_258, %slice3A_259 : vector<128x64xf32>
    %reduce_sum3A_261 = arith.constant dense<0.000000e+00> : vector<128xf32>
    %reduce_sum3A_262 = vector.multi_reduction <add>, %mul3A_260, %reduce_sum3A_261 [1] : vector<128x64xf32> to vector<128xf32>
    %convert_element_type3A_263 = arith.fptosi %reduce_sum3A_256 : vector<128xf32> to vector<128xi32>
    %swap3A_264 = arith.constant 768 : index
    %swap3A_265 = vector.load %arg3[%swap3A_264] : memref<2048xi32, #tpu.memory_space<vmem>>, vector<128xi32>
    tpu.vector_store %arg3[%swap3A_264], %convert_element_type3A_263 {strides = array<i32>} : memref<2048xi32, #tpu.memory_space<vmem>>, vector<128xi32>,
    %convert_element_type3A_266 = arith.fptosi %reduce_sum3A_262 : vector<128xf32> to vector<128xi32>
    %swap3A_267 = arith.constant 768 : index
    %swap3A_268 = vector.load %arg4[%swap3A_267] : memref<2048xi32, #tpu.memory_space<vmem>>, vector<128xi32>
    tpu.vector_store %arg4[%swap3A_267], %convert_element_type3A_266 {strides = array<i32>} : memref<2048xi32, #tpu.memory_space<vmem>>, vector<128xi32>,
    %reduce_sum3A_269 = arith.constant dense<0.000000e+00> : vector<64xf32>
    %reduce_sum3A_270 = vector.multi_reduction <add>, %slice3A_246, %reduce_sum3A_269 [0] : vector<128x64xf32> to vector<64xf32>
    %broadcast_in_dim3A_271 = vector.shape_cast %reduce_sum3A_270 : vector<64xf32> to vector<1x64xf32>
    %add3A_272 = arith.addf %add3A_245, %broadcast_in_dim3A_271 : vector<1x64xf32>
    %slice3A_273 = vector.extract_strided_slice %add3A_48 {offsets = [896, 0], sizes = [128, 64], strides = [1, 1]} : vector<2048x64xf32> to vector<128x64xf32>
    %dot_general3A_274 = arith.constant dense<0.000000e+00> : vector<128x64xf32>
    %dot_general3A_275 = tpu.matmul %select_n3A_82, %slice3A_273, %dot_general3A_274 {dimension_numbers = #tpu.dot_dimension_numbers<[1], [0], [0], [1], [0, 0, 1, 1], [], []>, transpose_lhs_hint = false} : vector<128x128xf32>, vector<128x64xf32>, vector<128x64xf32> -> vector<128x64xf32>
    %add3A_276 = vector.broadcast %add3A_272 : vector<1x64xf32> to vector<128x64xf32>
    %add3A_277 = arith.addf %dot_general3A_275, %add3A_276 : vector<128x64xf32>
    %add3A_278 = vector.broadcast %dot_general3A_64 : vector<1x64xf32> to vector<128x64xf32>
    %add3A_279 = arith.addf %add3A_278, %add3A_277 : vector<128x64xf32>
    %slice3A_280 = vector.extract_strided_slice %convert_element_type3A_45 {offsets = [896, 0], sizes = [128, 64], strides = [1, 1]} : vector<2048x64xf32> to vector<128x64xf32>
    %mul3A_281 = arith.mulf %add3A_279, %slice3A_280 : vector<128x64xf32>
    %reduce_sum3A_282 = arith.constant dense<0.000000e+00> : vector<128xf32>
    %reduce_sum3A_283 = vector.multi_reduction <add>, %mul3A_281, %reduce_sum3A_282 [1] : vector<128x64xf32> to vector<128xf32>
    %add3A_284 = vector.broadcast %dot_general3A_64 : vector<1x64xf32> to vector<128x64xf32>
    %add3A_285 = arith.addf %add3A_284, %add3A_277 : vector<128x64xf32>
    %slice3A_286 = vector.extract_strided_slice %convert_element_type3A_47 {offsets = [896, 0], sizes = [128, 64], strides = [1, 1]} : vector<2048x64xf32> to vector<128x64xf32>
    %mul3A_287 = arith.mulf %add3A_285, %slice3A_286 : vector<128x64xf32>
    %reduce_sum3A_288 = arith.constant dense<0.000000e+00> : vector<128xf32>
    %reduce_sum3A_289 = vector.multi_reduction <add>, %mul3A_287, %reduce_sum3A_288 [1] : vector<128x64xf32> to vector<128xf32>
    %convert_element_type3A_290 = arith.fptosi %reduce_sum3A_283 : vector<128xf32> to vector<128xi32>
    %swap3A_291 = arith.constant 896 : index
    %swap3A_292 = vector.load %arg3[%swap3A_291] : memref<2048xi32, #tpu.memory_space<vmem>>, vector<128xi32>
    tpu.vector_store %arg3[%swap3A_291], %convert_element_type3A_290 {strides = array<i32>} : memref<2048xi32, #tpu.memory_space<vmem>>, vector<128xi32>,
    %convert_element_type3A_293 = arith.fptosi %reduce_sum3A_289 : vector<128xf32> to vector<128xi32>
    %swap3A_294 = arith.constant 896 : index
    %swap3A_295 = vector.load %arg4[%swap3A_294] : memref<2048xi32, #tpu.memory_space<vmem>>, vector<128xi32>
    tpu.vector_store %arg4[%swap3A_294], %convert_element_type3A_293 {strides = array<i32>} : memref<2048xi32, #tpu.memory_space<vmem>>, vector<128xi32>,
    %reduce_sum3A_296 = arith.constant dense<0.000000e+00> : vector<64xf32>
    %reduce_sum3A_297 = vector.multi_reduction <add>, %slice3A_273, %reduce_sum3A_296 [0] : vector<128x64xf32> to vector<64xf32>
    %broadcast_in_dim3A_298 = vector.shape_cast %reduce_sum3A_297 : vector<64xf32> to vector<1x64xf32>
    %add3A_299 = arith.addf %add3A_272, %broadcast_in_dim3A_298 : vector<1x64xf32>
    %slice3A_300 = vector.extract_strided_slice %add3A_48 {offsets = [1024, 0], sizes = [128, 64], strides = [1, 1]} : vector<2048x64xf32> to vector<128x64xf32>
    %dot_general3A_301 = arith.constant dense<0.000000e+00> : vector<128x64xf32>
    %dot_general3A_302 = tpu.matmul %select_n3A_82, %slice3A_300, %dot_general3A_301 {dimension_numbers = #tpu.dot_dimension_numbers<[1], [0], [0], [1], [0, 0, 1, 1], [], []>, transpose_lhs_hint = false} : vector<128x128xf32>, vector<128x64xf32>, vector<128x64xf32> -> vector<128x64xf32>
    %add3A_303 = vector.broadcast %add3A_299 : vector<1x64xf32> to vector<128x64xf32>
    %add3A_304 = arith.addf %dot_general3A_302, %add3A_303 : vector<128x64xf32>
    %add3A_305 = vector.broadcast %dot_general3A_64 : vector<1x64xf32> to vector<128x64xf32>
    %add3A_306 = arith.addf %add3A_305, %add3A_304 : vector<128x64xf32>
    %slice3A_307 = vector.extract_strided_slice %convert_element_type3A_45 {offsets = [1024, 0], sizes = [128, 64], strides = [1, 1]} : vector<2048x64xf32> to vector<128x64xf32>
    %mul3A_308 = arith.mulf %add3A_306, %slice3A_307 : vector<128x64xf32>
    %reduce_sum3A_309 = arith.constant dense<0.000000e+00> : vector<128xf32>
    %reduce_sum3A_310 = vector.multi_reduction <add>, %mul3A_308, %reduce_sum3A_309 [1] : vector<128x64xf32> to vector<128xf32>
    %add3A_311 = vector.broadcast %dot_general3A_64 : vector<1x64xf32> to vector<128x64xf32>
    %add3A_312 = arith.addf %add3A_311, %add3A_304 : vector<128x64xf32>
    %slice3A_313 = vector.extract_strided_slice %convert_element_type3A_47 {offsets = [1024, 0], sizes = [128, 64], strides = [1, 1]} : vector<2048x64xf32> to vector<128x64xf32>
    %mul3A_314 = arith.mulf %add3A_312, %slice3A_313 : vector<128x64xf32>
    %reduce_sum3A_315 = arith.constant dense<0.000000e+00> : vector<128xf32>
    %reduce_sum3A_316 = vector.multi_reduction <add>, %mul3A_314, %reduce_sum3A_315 [1] : vector<128x64xf32> to vector<128xf32>
    %convert_element_type3A_317 = arith.fptosi %reduce_sum3A_310 : vector<128xf32> to vector<128xi32>
    %swap3A_318 = arith.constant 1024 : index
    %swap3A_319 = vector.load %arg3[%swap3A_318] : memref<2048xi32, #tpu.memory_space<vmem>>, vector<128xi32>
    tpu.vector_store %arg3[%swap3A_318], %convert_element_type3A_317 {strides = array<i32>} : memref<2048xi32, #tpu.memory_space<vmem>>, vector<128xi32>,
    %convert_element_type3A_320 = arith.fptosi %reduce_sum3A_316 : vector<128xf32> to vector<128xi32>
    %swap3A_321 = arith.constant 1024 : index
    %swap3A_322 = vector.load %arg4[%swap3A_321] : memref<2048xi32, #tpu.memory_space<vmem>>, vector<128xi32>
    tpu.vector_store %arg4[%swap3A_321], %convert_element_type3A_320 {strides = array<i32>} : memref<2048xi32, #tpu.memory_space<vmem>>, vector<128xi32>,
    %reduce_sum3A_323 = arith.constant dense<0.000000e+00> : vector<64xf32>
    %reduce_sum3A_324 = vector.multi_reduction <add>, %slice3A_300, %reduce_sum3A_323 [0] : vector<128x64xf32> to vector<64xf32>
    %broadcast_in_dim3A_325 = vector.shape_cast %reduce_sum3A_324 : vector<64xf32> to vector<1x64xf32>
    %add3A_326 = arith.addf %add3A_299, %broadcast_in_dim3A_325 : vector<1x64xf32>
    %slice3A_327 = vector.extract_strided_slice %add3A_48 {offsets = [1152, 0], sizes = [128, 64], strides = [1, 1]} : vector<2048x64xf32> to vector<128x64xf32>
    %dot_general3A_328 = arith.constant dense<0.000000e+00> : vector<128x64xf32>
    %dot_general3A_329 = tpu.matmul %select_n3A_82, %slice3A_327, %dot_general3A_328 {dimension_numbers = #tpu.dot_dimension_numbers<[1], [0], [0], [1], [0, 0, 1, 1], [], []>, transpose_lhs_hint = false} : vector<128x128xf32>, vector<128x64xf32>, vector<128x64xf32> -> vector<128x64xf32>
    %add3A_330 = vector.broadcast %add3A_326 : vector<1x64xf32> to vector<128x64xf32>
    %add3A_331 = arith.addf %dot_general3A_329, %add3A_330 : vector<128x64xf32>
    %add3A_332 = vector.broadcast %dot_general3A_64 : vector<1x64xf32> to vector<128x64xf32>
    %add3A_333 = arith.addf %add3A_332, %add3A_331 : vector<128x64xf32>
    %slice3A_334 = vector.extract_strided_slice %convert_element_type3A_45 {offsets = [1152, 0], sizes = [128, 64], strides = [1, 1]} : vector<2048x64xf32> to vector<128x64xf32>
    %mul3A_335 = arith.mulf %add3A_333, %slice3A_334 : vector<128x64xf32>
    %reduce_sum3A_336 = arith.constant dense<0.000000e+00> : vector<128xf32>
    %reduce_sum3A_337 = vector.multi_reduction <add>, %mul3A_335, %reduce_sum3A_336 [1] : vector<128x64xf32> to vector<128xf32>
    %add3A_338 = vector.broadcast %dot_general3A_64 : vector<1x64xf32> to vector<128x64xf32>
    %add3A_339 = arith.addf %add3A_338, %add3A_331 : vector<128x64xf32>
    %slice3A_340 = vector.extract_strided_slice %convert_element_type3A_47 {offsets = [1152, 0], sizes = [128, 64], strides = [1, 1]} : vector<2048x64xf32> to vector<128x64xf32>
    %mul3A_341 = arith.mulf %add3A_339, %slice3A_340 : vector<128x64xf32>
    %reduce_sum3A_342 = arith.constant dense<0.000000e+00> : vector<128xf32>
    %reduce_sum3A_343 = vector.multi_reduction <add>, %mul3A_341, %reduce_sum3A_342 [1] : vector<128x64xf32> to vector<128xf32>
    %convert_element_type3A_344 = arith.fptosi %reduce_sum3A_337 : vector<128xf32> to vector<128xi32>
    %swap3A_345 = arith.constant 1152 : index
    %swap3A_346 = vector.load %arg3[%swap3A_345] : memref<2048xi32, #tpu.memory_space<vmem>>, vector<128xi32>
    tpu.vector_store %arg3[%swap3A_345], %convert_element_type3A_344 {strides = array<i32>} : memref<2048xi32, #tpu.memory_space<vmem>>, vector<128xi32>,
    %convert_element_type3A_347 = arith.fptosi %reduce_sum3A_343 : vector<128xf32> to vector<128xi32>
    %swap3A_348 = arith.constant 1152 : index
    %swap3A_349 = vector.load %arg4[%swap3A_348] : memref<2048xi32, #tpu.memory_space<vmem>>, vector<128xi32>
    tpu.vector_store %arg4[%swap3A_348], %convert_element_type3A_347 {strides = array<i32>} : memref<2048xi32, #tpu.memory_space<vmem>>, vector<128xi32>,
    %reduce_sum3A_350 = arith.constant dense<0.000000e+00> : vector<64xf32>
    %reduce_sum3A_351 = vector.multi_reduction <add>, %slice3A_327, %reduce_sum3A_350 [0] : vector<128x64xf32> to vector<64xf32>
    %broadcast_in_dim3A_352 = vector.shape_cast %reduce_sum3A_351 : vector<64xf32> to vector<1x64xf32>
    %add3A_353 = arith.addf %add3A_326, %broadcast_in_dim3A_352 : vector<1x64xf32>
    %slice3A_354 = vector.extract_strided_slice %add3A_48 {offsets = [1280, 0], sizes = [128, 64], strides = [1, 1]} : vector<2048x64xf32> to vector<128x64xf32>
    %dot_general3A_355 = arith.constant dense<0.000000e+00> : vector<128x64xf32>
    %dot_general3A_356 = tpu.matmul %select_n3A_82, %slice3A_354, %dot_general3A_355 {dimension_numbers = #tpu.dot_dimension_numbers<[1], [0], [0], [1], [0, 0, 1, 1], [], []>, transpose_lhs_hint = false} : vector<128x128xf32>, vector<128x64xf32>, vector<128x64xf32> -> vector<128x64xf32>
    %add3A_357 = vector.broadcast %add3A_353 : vector<1x64xf32> to vector<128x64xf32>
    %add3A_358 = arith.addf %dot_general3A_356, %add3A_357 : vector<128x64xf32>
    %add3A_359 = vector.broadcast %dot_general3A_64 : vector<1x64xf32> to vector<128x64xf32>
    %add3A_360 = arith.addf %add3A_359, %add3A_358 : vector<128x64xf32>
    %slice3A_361 = vector.extract_strided_slice %convert_element_type3A_45 {offsets = [1280, 0], sizes = [128, 64], strides = [1, 1]} : vector<2048x64xf32> to vector<128x64xf32>
    %mul3A_362 = arith.mulf %add3A_360, %slice3A_361 : vector<128x64xf32>
    %reduce_sum3A_363 = arith.constant dense<0.000000e+00> : vector<128xf32>
    %reduce_sum3A_364 = vector.multi_reduction <add>, %mul3A_362, %reduce_sum3A_363 [1] : vector<128x64xf32> to vector<128xf32>
    %add3A_365 = vector.broadcast %dot_general3A_64 : vector<1x64xf32> to vector<128x64xf32>
    %add3A_366 = arith.addf %add3A_365, %add3A_358 : vector<128x64xf32>
    %slice3A_367 = vector.extract_strided_slice %convert_element_type3A_47 {offsets = [1280, 0], sizes = [128, 64], strides = [1, 1]} : vector<2048x64xf32> to vector<128x64xf32>
    %mul3A_368 = arith.mulf %add3A_366, %slice3A_367 : vector<128x64xf32>
    %reduce_sum3A_369 = arith.constant dense<0.000000e+00> : vector<128xf32>
    %reduce_sum3A_370 = vector.multi_reduction <add>, %mul3A_368, %reduce_sum3A_369 [1] : vector<128x64xf32> to vector<128xf32>
    %convert_element_type3A_371 = arith.fptosi %reduce_sum3A_364 : vector<128xf32> to vector<128xi32>
    %swap3A_372 = arith.constant 1280 : index
    %swap3A_373 = vector.load %arg3[%swap3A_372] : memref<2048xi32, #tpu.memory_space<vmem>>, vector<128xi32>
    tpu.vector_store %arg3[%swap3A_372], %convert_element_type3A_371 {strides = array<i32>} : memref<2048xi32, #tpu.memory_space<vmem>>, vector<128xi32>,
    %convert_element_type3A_374 = arith.fptosi %reduce_sum3A_370 : vector<128xf32> to vector<128xi32>
    %swap3A_375 = arith.constant 1280 : index
    %swap3A_376 = vector.load %arg4[%swap3A_375] : memref<2048xi32, #tpu.memory_space<vmem>>, vector<128xi32>
    tpu.vector_store %arg4[%swap3A_375], %convert_element_type3A_374 {strides = array<i32>} : memref<2048xi32, #tpu.memory_space<vmem>>, vector<128xi32>,
    %reduce_sum3A_377 = arith.constant dense<0.000000e+00> : vector<64xf32>
    %reduce_sum3A_378 = vector.multi_reduction <add>, %slice3A_354, %reduce_sum3A_377 [0] : vector<128x64xf32> to vector<64xf32>
    %broadcast_in_dim3A_379 = vector.shape_cast %reduce_sum3A_378 : vector<64xf32> to vector<1x64xf32>
    %add3A_380 = arith.addf %add3A_353, %broadcast_in_dim3A_379 : vector<1x64xf32>
    %slice3A_381 = vector.extract_strided_slice %add3A_48 {offsets = [1408, 0], sizes = [128, 64], strides = [1, 1]} : vector<2048x64xf32> to vector<128x64xf32>
    %dot_general3A_382 = arith.constant dense<0.000000e+00> : vector<128x64xf32>
    %dot_general3A_383 = tpu.matmul %select_n3A_82, %slice3A_381, %dot_general3A_382 {dimension_numbers = #tpu.dot_dimension_numbers<[1], [0], [0], [1], [0, 0, 1, 1], [], []>, transpose_lhs_hint = false} : vector<128x128xf32>, vector<128x64xf32>, vector<128x64xf32> -> vector<128x64xf32>
    %add3A_384 = vector.broadcast %add3A_380 : vector<1x64xf32> to vector<128x64xf32>
    %add3A_385 = arith.addf %dot_general3A_383, %add3A_384 : vector<128x64xf32>
    %add3A_386 = vector.broadcast %dot_general3A_64 : vector<1x64xf32> to vector<128x64xf32>
    %add3A_387 = arith.addf %add3A_386, %add3A_385 : vector<128x64xf32>
    %slice3A_388 = vector.extract_strided_slice %convert_element_type3A_45 {offsets = [1408, 0], sizes = [128, 64], strides = [1, 1]} : vector<2048x64xf32> to vector<128x64xf32>
    %mul3A_389 = arith.mulf %add3A_387, %slice3A_388 : vector<128x64xf32>
    %reduce_sum3A_390 = arith.constant dense<0.000000e+00> : vector<128xf32>
    %reduce_sum3A_391 = vector.multi_reduction <add>, %mul3A_389, %reduce_sum3A_390 [1] : vector<128x64xf32> to vector<128xf32>
    %add3A_392 = vector.broadcast %dot_general3A_64 : vector<1x64xf32> to vector<128x64xf32>
    %add3A_393 = arith.addf %add3A_392, %add3A_385 : vector<128x64xf32>
    %slice3A_394 = vector.extract_strided_slice %convert_element_type3A_47 {offsets = [1408, 0], sizes = [128, 64], strides = [1, 1]} : vector<2048x64xf32> to vector<128x64xf32>
    %mul3A_395 = arith.mulf %add3A_393, %slice3A_394 : vector<128x64xf32>
    %reduce_sum3A_396 = arith.constant dense<0.000000e+00> : vector<128xf32>
    %reduce_sum3A_397 = vector.multi_reduction <add>, %mul3A_395, %reduce_sum3A_396 [1] : vector<128x64xf32> to vector<128xf32>
    %convert_element_type3A_398 = arith.fptosi %reduce_sum3A_391 : vector<128xf32> to vector<128xi32>
    %swap3A_399 = arith.constant 1408 : index
    %swap3A_400 = vector.load %arg3[%swap3A_399] : memref<2048xi32, #tpu.memory_space<vmem>>, vector<128xi32>
    tpu.vector_store %arg3[%swap3A_399], %convert_element_type3A_398 {strides = array<i32>} : memref<2048xi32, #tpu.memory_space<vmem>>, vector<128xi32>,
    %convert_element_type3A_401 = arith.fptosi %reduce_sum3A_397 : vector<128xf32> to vector<128xi32>
    %swap3A_402 = arith.constant 1408 : index
    %swap3A_403 = vector.load %arg4[%swap3A_402] : memref<2048xi32, #tpu.memory_space<vmem>>, vector<128xi32>
    tpu.vector_store %arg4[%swap3A_402], %convert_element_type3A_401 {strides = array<i32>} : memref<2048xi32, #tpu.memory_space<vmem>>, vector<128xi32>,
    %reduce_sum3A_404 = arith.constant dense<0.000000e+00> : vector<64xf32>
    %reduce_sum3A_405 = vector.multi_reduction <add>, %slice3A_381, %reduce_sum3A_404 [0] : vector<128x64xf32> to vector<64xf32>
    %broadcast_in_dim3A_406 = vector.shape_cast %reduce_sum3A_405 : vector<64xf32> to vector<1x64xf32>
    %add3A_407 = arith.addf %add3A_380, %broadcast_in_dim3A_406 : vector<1x64xf32>
    %slice3A_408 = vector.extract_strided_slice %add3A_48 {offsets = [1536, 0], sizes = [128, 64], strides = [1, 1]} : vector<2048x64xf32> to vector<128x64xf32>
    %dot_general3A_409 = arith.constant dense<0.000000e+00> : vector<128x64xf32>
    %dot_general3A_410 = tpu.matmul %select_n3A_82, %slice3A_408, %dot_general3A_409 {dimension_numbers = #tpu.dot_dimension_numbers<[1], [0], [0], [1], [0, 0, 1, 1], [], []>, transpose_lhs_hint = false} : vector<128x128xf32>, vector<128x64xf32>, vector<128x64xf32> -> vector<128x64xf32>
    %add3A_411 = vector.broadcast %add3A_407 : vector<1x64xf32> to vector<128x64xf32>
    %add3A_412 = arith.addf %dot_general3A_410, %add3A_411 : vector<128x64xf32>
    %add3A_413 = vector.broadcast %dot_general3A_64 : vector<1x64xf32> to vector<128x64xf32>
    %add3A_414 = arith.addf %add3A_413, %add3A_412 : vector<128x64xf32>
    %slice3A_415 = vector.extract_strided_slice %convert_element_type3A_45 {offsets = [1536, 0], sizes = [128, 64], strides = [1, 1]} : vector<2048x64xf32> to vector<128x64xf32>
    %mul3A_416 = arith.mulf %add3A_414, %slice3A_415 : vector<128x64xf32>
    %reduce_sum3A_417 = arith.constant dense<0.000000e+00> : vector<128xf32>
    %reduce_sum3A_418 = vector.multi_reduction <add>, %mul3A_416, %reduce_sum3A_417 [1] : vector<128x64xf32> to vector<128xf32>
    %add3A_419 = vector.broadcast %dot_general3A_64 : vector<1x64xf32> to vector<128x64xf32>
    %add3A_420 = arith.addf %add3A_419, %add3A_412 : vector<128x64xf32>
    %slice3A_421 = vector.extract_strided_slice %convert_element_type3A_47 {offsets = [1536, 0], sizes = [128, 64], strides = [1, 1]} : vector<2048x64xf32> to vector<128x64xf32>
    %mul3A_422 = arith.mulf %add3A_420, %slice3A_421 : vector<128x64xf32>
    %reduce_sum3A_423 = arith.constant dense<0.000000e+00> : vector<128xf32>
    %reduce_sum3A_424 = vector.multi_reduction <add>, %mul3A_422, %reduce_sum3A_423 [1] : vector<128x64xf32> to vector<128xf32>
    %convert_element_type3A_425 = arith.fptosi %reduce_sum3A_418 : vector<128xf32> to vector<128xi32>
    %swap3A_426 = arith.constant 1536 : index
    %swap3A_427 = vector.load %arg3[%swap3A_426] : memref<2048xi32, #tpu.memory_space<vmem>>, vector<128xi32>
    tpu.vector_store %arg3[%swap3A_426], %convert_element_type3A_425 {strides = array<i32>} : memref<2048xi32, #tpu.memory_space<vmem>>, vector<128xi32>,
    %convert_element_type3A_428 = arith.fptosi %reduce_sum3A_424 : vector<128xf32> to vector<128xi32>
    %swap3A_429 = arith.constant 1536 : index
    %swap3A_430 = vector.load %arg4[%swap3A_429] : memref<2048xi32, #tpu.memory_space<vmem>>, vector<128xi32>
    tpu.vector_store %arg4[%swap3A_429], %convert_element_type3A_428 {strides = array<i32>} : memref<2048xi32, #tpu.memory_space<vmem>>, vector<128xi32>,
    %reduce_sum3A_431 = arith.constant dense<0.000000e+00> : vector<64xf32>
    %reduce_sum3A_432 = vector.multi_reduction <add>, %slice3A_408, %reduce_sum3A_431 [0] : vector<128x64xf32> to vector<64xf32>
    %broadcast_in_dim3A_433 = vector.shape_cast %reduce_sum3A_432 : vector<64xf32> to vector<1x64xf32>
    %add3A_434 = arith.addf %add3A_407, %broadcast_in_dim3A_433 : vector<1x64xf32>
    %slice3A_435 = vector.extract_strided_slice %add3A_48 {offsets = [1664, 0], sizes = [128, 64], strides = [1, 1]} : vector<2048x64xf32> to vector<128x64xf32>
    %dot_general3A_436 = arith.constant dense<0.000000e+00> : vector<128x64xf32>
    %dot_general3A_437 = tpu.matmul %select_n3A_82, %slice3A_435, %dot_general3A_436 {dimension_numbers = #tpu.dot_dimension_numbers<[1], [0], [0], [1], [0, 0, 1, 1], [], []>, transpose_lhs_hint = false} : vector<128x128xf32>, vector<128x64xf32>, vector<128x64xf32> -> vector<128x64xf32>
    %add3A_438 = vector.broadcast %add3A_434 : vector<1x64xf32> to vector<128x64xf32>
    %add3A_439 = arith.addf %dot_general3A_437, %add3A_438 : vector<128x64xf32>
    %add3A_440 = vector.broadcast %dot_general3A_64 : vector<1x64xf32> to vector<128x64xf32>
    %add3A_441 = arith.addf %add3A_440, %add3A_439 : vector<128x64xf32>
    %slice3A_442 = vector.extract_strided_slice %convert_element_type3A_45 {offsets = [1664, 0], sizes = [128, 64], strides = [1, 1]} : vector<2048x64xf32> to vector<128x64xf32>
    %mul3A_443 = arith.mulf %add3A_441, %slice3A_442 : vector<128x64xf32>
    %reduce_sum3A_444 = arith.constant dense<0.000000e+00> : vector<128xf32>
    %reduce_sum3A_445 = vector.multi_reduction <add>, %mul3A_443, %reduce_sum3A_444 [1] : vector<128x64xf32> to vector<128xf32>
    %add3A_446 = vector.broadcast %dot_general3A_64 : vector<1x64xf32> to vector<128x64xf32>
    %add3A_447 = arith.addf %add3A_446, %add3A_439 : vector<128x64xf32>
    %slice3A_448 = vector.extract_strided_slice %convert_element_type3A_47 {offsets = [1664, 0], sizes = [128, 64], strides = [1, 1]} : vector<2048x64xf32> to vector<128x64xf32>
    %mul3A_449 = arith.mulf %add3A_447, %slice3A_448 : vector<128x64xf32>
    %reduce_sum3A_450 = arith.constant dense<0.000000e+00> : vector<128xf32>
    %reduce_sum3A_451 = vector.multi_reduction <add>, %mul3A_449, %reduce_sum3A_450 [1] : vector<128x64xf32> to vector<128xf32>
    %convert_element_type3A_452 = arith.fptosi %reduce_sum3A_445 : vector<128xf32> to vector<128xi32>
    %swap3A_453 = arith.constant 1664 : index
    %swap3A_454 = vector.load %arg3[%swap3A_453] : memref<2048xi32, #tpu.memory_space<vmem>>, vector<128xi32>
    tpu.vector_store %arg3[%swap3A_453], %convert_element_type3A_452 {strides = array<i32>} : memref<2048xi32, #tpu.memory_space<vmem>>, vector<128xi32>,
    %convert_element_type3A_455 = arith.fptosi %reduce_sum3A_451 : vector<128xf32> to vector<128xi32>
    %swap3A_456 = arith.constant 1664 : index
    %swap3A_457 = vector.load %arg4[%swap3A_456] : memref<2048xi32, #tpu.memory_space<vmem>>, vector<128xi32>
    tpu.vector_store %arg4[%swap3A_456], %convert_element_type3A_455 {strides = array<i32>} : memref<2048xi32, #tpu.memory_space<vmem>>, vector<128xi32>,
    %reduce_sum3A_458 = arith.constant dense<0.000000e+00> : vector<64xf32>
    %reduce_sum3A_459 = vector.multi_reduction <add>, %slice3A_435, %reduce_sum3A_458 [0] : vector<128x64xf32> to vector<64xf32>
    %broadcast_in_dim3A_460 = vector.shape_cast %reduce_sum3A_459 : vector<64xf32> to vector<1x64xf32>
    %add3A_461 = arith.addf %add3A_434, %broadcast_in_dim3A_460 : vector<1x64xf32>
    %slice3A_462 = vector.extract_strided_slice %add3A_48 {offsets = [1792, 0], sizes = [128, 64], strides = [1, 1]} : vector<2048x64xf32> to vector<128x64xf32>
    %dot_general3A_463 = arith.constant dense<0.000000e+00> : vector<128x64xf32>
    %dot_general3A_464 = tpu.matmul %select_n3A_82, %slice3A_462, %dot_general3A_463 {dimension_numbers = #tpu.dot_dimension_numbers<[1], [0], [0], [1], [0, 0, 1, 1], [], []>, transpose_lhs_hint = false} : vector<128x128xf32>, vector<128x64xf32>, vector<128x64xf32> -> vector<128x64xf32>
    %add3A_465 = vector.broadcast %add3A_461 : vector<1x64xf32> to vector<128x64xf32>
    %add3A_466 = arith.addf %dot_general3A_464, %add3A_465 : vector<128x64xf32>
    %add3A_467 = vector.broadcast %dot_general3A_64 : vector<1x64xf32> to vector<128x64xf32>
    %add3A_468 = arith.addf %add3A_467, %add3A_466 : vector<128x64xf32>
    %slice3A_469 = vector.extract_strided_slice %convert_element_type3A_45 {offsets = [1792, 0], sizes = [128, 64], strides = [1, 1]} : vector<2048x64xf32> to vector<128x64xf32>
    %mul3A_470 = arith.mulf %add3A_468, %slice3A_469 : vector<128x64xf32>
    %reduce_sum3A_471 = arith.constant dense<0.000000e+00> : vector<128xf32>
    %reduce_sum3A_472 = vector.multi_reduction <add>, %mul3A_470, %reduce_sum3A_471 [1] : vector<128x64xf32> to vector<128xf32>
    %add3A_473 = vector.broadcast %dot_general3A_64 : vector<1x64xf32> to vector<128x64xf32>
    %add3A_474 = arith.addf %add3A_473, %add3A_466 : vector<128x64xf32>
    %slice3A_475 = vector.extract_strided_slice %convert_element_type3A_47 {offsets = [1792, 0], sizes = [128, 64], strides = [1, 1]} : vector<2048x64xf32> to vector<128x64xf32>
    %mul3A_476 = arith.mulf %add3A_474, %slice3A_475 : vector<128x64xf32>
    %reduce_sum3A_477 = arith.constant dense<0.000000e+00> : vector<128xf32>
    %reduce_sum3A_478 = vector.multi_reduction <add>, %mul3A_476, %reduce_sum3A_477 [1] : vector<128x64xf32> to vector<128xf32>
    %convert_element_type3A_479 = arith.fptosi %reduce_sum3A_472 : vector<128xf32> to vector<128xi32>
    %swap3A_480 = arith.constant 1792 : index
    %swap3A_481 = vector.load %arg3[%swap3A_480] : memref<2048xi32, #tpu.memory_space<vmem>>, vector<128xi32>
    tpu.vector_store %arg3[%swap3A_480], %convert_element_type3A_479 {strides = array<i32>} : memref<2048xi32, #tpu.memory_space<vmem>>, vector<128xi32>,
    %convert_element_type3A_482 = arith.fptosi %reduce_sum3A_478 : vector<128xf32> to vector<128xi32>
    %swap3A_483 = arith.constant 1792 : index
    %swap3A_484 = vector.load %arg4[%swap3A_483] : memref<2048xi32, #tpu.memory_space<vmem>>, vector<128xi32>
    tpu.vector_store %arg4[%swap3A_483], %convert_element_type3A_482 {strides = array<i32>} : memref<2048xi32, #tpu.memory_space<vmem>>, vector<128xi32>,
    %reduce_sum3A_485 = arith.constant dense<0.000000e+00> : vector<64xf32>
    %reduce_sum3A_486 = vector.multi_reduction <add>, %slice3A_462, %reduce_sum3A_485 [0] : vector<128x64xf32> to vector<64xf32>
    %broadcast_in_dim3A_487 = vector.shape_cast %reduce_sum3A_486 : vector<64xf32> to vector<1x64xf32>
    %add3A_488 = arith.addf %add3A_461, %broadcast_in_dim3A_487 : vector<1x64xf32>
    %slice3A_489 = vector.extract_strided_slice %add3A_48 {offsets = [1920, 0], sizes = [128, 64], strides = [1, 1]} : vector<2048x64xf32> to vector<128x64xf32>
    %dot_general3A_490 = arith.constant dense<0.000000e+00> : vector<128x64xf32>
    %dot_general3A_491 = tpu.matmul %select_n3A_82, %slice3A_489, %dot_general3A_490 {dimension_numbers = #tpu.dot_dimension_numbers<[1], [0], [0], [1], [0, 0, 1, 1], [], []>, transpose_lhs_hint = false} : vector<128x128xf32>, vector<128x64xf32>, vector<128x64xf32> -> vector<128x64xf32>
    %add3A_492 = vector.broadcast %add3A_488 : vector<1x64xf32> to vector<128x64xf32>
    %add3A_493 = arith.addf %dot_general3A_491, %add3A_492 : vector<128x64xf32>
    %add3A_494 = vector.broadcast %dot_general3A_64 : vector<1x64xf32> to vector<128x64xf32>
    %add3A_495 = arith.addf %add3A_494, %add3A_493 : vector<128x64xf32>
    %slice3A_496 = vector.extract_strided_slice %convert_element_type3A_45 {offsets = [1920, 0], sizes = [128, 64], strides = [1, 1]} : vector<2048x64xf32> to vector<128x64xf32>
    %mul3A_497 = arith.mulf %add3A_495, %slice3A_496 : vector<128x64xf32>
    %reduce_sum3A_498 = arith.constant dense<0.000000e+00> : vector<128xf32>
    %reduce_sum3A_499 = vector.multi_reduction <add>, %mul3A_497, %reduce_sum3A_498 [1] : vector<128x64xf32> to vector<128xf32>
    %add3A_500 = vector.broadcast %dot_general3A_64 : vector<1x64xf32> to vector<128x64xf32>
    %add3A_501 = arith.addf %add3A_500, %add3A_493 : vector<128x64xf32>
    %slice3A_502 = vector.extract_strided_slice %convert_element_type3A_47 {offsets = [1920, 0], sizes = [128, 64], strides = [1, 1]} : vector<2048x64xf32> to vector<128x64xf32>
    %mul3A_503 = arith.mulf %add3A_501, %slice3A_502 : vector<128x64xf32>
    %reduce_sum3A_504 = arith.constant dense<0.000000e+00> : vector<128xf32>
    %reduce_sum3A_505 = vector.multi_reduction <add>, %mul3A_503, %reduce_sum3A_504 [1] : vector<128x64xf32> to vector<128xf32>
    %convert_element_type3A_506 = arith.fptosi %reduce_sum3A_499 : vector<128xf32> to vector<128xi32>
    %swap3A_507 = arith.constant 1920 : index
    %swap3A_508 = vector.load %arg3[%swap3A_507] : memref<2048xi32, #tpu.memory_space<vmem>>, vector<128xi32>
    tpu.vector_store %arg3[%swap3A_507], %convert_element_type3A_506 {strides = array<i32>} : memref<2048xi32, #tpu.memory_space<vmem>>, vector<128xi32>,
    %convert_element_type3A_509 = arith.fptosi %reduce_sum3A_505 : vector<128xf32> to vector<128xi32>
    %swap3A_510 = arith.constant 1920 : index
    %swap3A_511 = vector.load %arg4[%swap3A_510] : memref<2048xi32, #tpu.memory_space<vmem>>, vector<128xi32>
    tpu.vector_store %arg4[%swap3A_510], %convert_element_type3A_509 {strides = array<i32>} : memref<2048xi32, #tpu.memory_space<vmem>>, vector<128xi32>,
    return
  }
}

module attributes {stable_mosaic.version = 14 : i64} {
  func.func @_mlp_body(%arg0: i32, %arg1: memref<64xi32, #tpu.memory_space<smem>>, %arg2: memref<64xi32, #tpu.memory_space<smem>>, %arg3: memref<4864x768xf32, #tpu.memory_space<vmem>>, %arg4: memref<1x768x768xf32, #tpu.memory_space<vmem>>, %arg5: memref<1x1x768xf32, #tpu.memory_space<vmem>>, %arg6: memref<1x768x768xf32, #tpu.memory_space<vmem>>, %arg7: memref<1x1x768xf32, #tpu.memory_space<vmem>>, %arg8: memref<1x768x768xf32, #tpu.memory_space<vmem>>, %arg9: memref<1x1x768xf32, #tpu.memory_space<vmem>>, %arg10: memref<4864x1xf32, #tpu.memory_space<vmem>>, %arg11: memref<4864x768xf32, #tpu.memory_space<vmem>>) attributes {dimension_semantics = [#tpu.dimension_semantics<arbitrary>], iteration_bounds = array<i64: 64>, scalar_prefetch = 2 : i64, scratch_operands = 0 : i64, tpu.core_type = #tpu.core_type<tc>, window_params = [{pipeline_mode = #tpu.pipeline_mode<synchronous>, transform_indices = @transform_0, window_bounds = array<i64: 4864, 768>}, {transform_indices = @transform_1, window_bounds = array<i64: 1, 768, 768>}, {transform_indices = @transform_2, window_bounds = array<i64: 1, 1, 768>}, {transform_indices = @transform_3, window_bounds = array<i64: 1, 768, 768>}, {transform_indices = @transform_4, window_bounds = array<i64: 1, 1, 768>}, {transform_indices = @transform_5, window_bounds = array<i64: 1, 768, 768>}, {transform_indices = @transform_6, window_bounds = array<i64: 1, 1, 768>}, {pipeline_mode = #tpu.pipeline_mode<synchronous>, transform_indices = @transform_7, window_bounds = array<i64: 4864, 1>}, {pipeline_mode = #tpu.pipeline_mode<synchronous>, transform_indices = @transform_8, window_bounds = array<i64: 4864, 768>}]} {
    %get3A = arith.index_cast %arg0 : i32 to index
    %get3A_0 = memref.load %arg1[%get3A] : memref<64xi32, #tpu.memory_space<smem>>
    %multiple_of3A = tpu.assume_multiple %get3A_0, 8 : i32
    %get3A_1 = arith.index_cast %arg0 : i32 to index
    %get3A_2 = memref.load %arg2[%get3A_1] : memref<64xi32, #tpu.memory_space<smem>>
    %sub3A = arith.subi %get3A_2, %multiple_of3A : i32
    %add3A = arith.constant 127 : i32
    %add3A_3 = arith.addi %sub3A, %add3A : i32
    %jit3A = arith.constant 128 : i32
    %div3A = arith.divsi %add3A_3, %jit3A : i32
    %sign3A = arith.constant 0 : i32
    %sign3A_4 = arith.cmpi sgt, %add3A_3, %sign3A : i32
    %sign3A_5 = arith.extui %sign3A_4 : i1 to i32
    %sign3A_6 = arith.constant 0 : i32
    %sign3A_7 = arith.cmpi slt, %add3A_3, %sign3A_6 : i32
    %sign3A_8 = arith.extui %sign3A_7 : i1 to i32
    %sign3A_9 = arith.subi %sign3A_5, %sign3A_8 : i32
    %sign3A_10 = arith.constant 0 : i32
    %sign3A_11 = arith.cmpi sgt, %jit3A, %sign3A_10 : i32
    %sign3A_12 = arith.extui %sign3A_11 : i1 to i32
    %sign3A_13 = arith.constant 0 : i32
    %sign3A_14 = arith.cmpi slt, %jit3A, %sign3A_13 : i32
    %sign3A_15 = arith.extui %sign3A_14 : i1 to i32
    %sign3A_16 = arith.subi %sign3A_12, %sign3A_15 : i32
    %ne3A = arith.cmpi ne, %sign3A_9, %sign3A_16 : i32
    %rem3A = arith.remsi %add3A_3, %jit3A : i32
    %ne3A_17 = arith.constant 0 : i32
    %ne3A_18 = arith.cmpi ne, %rem3A, %ne3A_17 : i32
    %and3A = arith.andi %ne3A, %ne3A_18 : i1
    %sub3A_19 = arith.constant 1 : i32
    %sub3A_20 = arith.subi %div3A, %sub3A_19 : i32
    %select_n3A = arith.select %and3A, %sub3A_20, %div3A : i32
    %while3A = arith.constant 0 : i32
    %while3A_21 = arith.constant 0 : i32
    %while3A_22 = arith.subi %select_n3A, %while3A_21 : i32
    %while3A_23 = arith.addi %while3A_21, %while3A_22 : i32
    %while3A_24 = arith.constant 1 : i32
    %while3A_25 = arith.divsi %while3A_22, %while3A_24 : i32
    %while3A_26 = arith.muli %while3A_25, %while3A_24 : i32
    %while3A_27 = arith.addi %while3A_21, %while3A_26 : i32
    %while3A_28 = arith.constant 1 : i32
    scf.for %while3A_30 = %while3A_21 to %while3A_27 step %while3A_28  : i32 {
      %mul3A = arith.constant 128 : i32
      %mul3A_31 = arith.muli %while3A_30, %mul3A : i32
      %add3A_32 = arith.addi %multiple_of3A, %mul3A_31 : i32
      %get3A_33 = arith.index_cast %add3A_32 : i32 to index
      %get3A_34 = arith.constant 0 : index
      %get3A_35 = vector.load %arg3[%get3A_33, %get3A_34] : memref<4864x768xf32, #tpu.memory_space<vmem>>, vector<128x768xf32>
      %get3A_36 = arith.constant 0 : index
      %get3A_37 = arith.constant 0 : index
      %get3A_38 = arith.constant 0 : index
      %get3A_39 = vector.load %arg4[%get3A_36, %get3A_37, %get3A_38] : memref<1x768x768xf32, #tpu.memory_space<vmem>>, vector<1x768x768xf32>
      %get3A_40 = vector.shape_cast %get3A_39 : vector<1x768x768xf32> to vector<768x768xf32>
      %dot_general3A = arith.constant dense<0.000000e+00> : vector<128x768xf32>
      %dot_general3A_41 = tpu.matmul %get3A_35, %get3A_40, %dot_general3A {dimension_numbers = #tpu.dot_dimension_numbers<[1], [0], [0], [1], [0, 0, 1, 1], [], []>, transpose_lhs_hint = false} : vector<128x768xf32>, vector<768x768xf32>, vector<128x768xf32> -> vector<128x768xf32>
      %get3A_42 = arith.constant 0 : index
      %get3A_43 = arith.constant 0 : index
      %get3A_44 = arith.constant 0 : index
      %get3A_45 = vector.load %arg5[%get3A_42, %get3A_43, %get3A_44] : memref<1x1x768xf32, #tpu.memory_space<vmem>>, vector<1x1x768xf32>
      %get3A_46 = vector.shape_cast %get3A_45 : vector<1x1x768xf32> to vector<1x768xf32>
      %add3A_47 = vector.broadcast %get3A_46 : vector<1x768xf32> to vector<128x768xf32>
      %add3A_48 = arith.addf %dot_general3A_41, %add3A_47 : vector<128x768xf32>
      %get3A_49 = arith.constant 0 : index
      %get3A_50 = arith.constant 0 : index
      %get3A_51 = arith.constant 0 : index
      %get3A_52 = vector.load %arg6[%get3A_49, %get3A_50, %get3A_51] : memref<1x768x768xf32, #tpu.memory_space<vmem>>, vector<1x768x768xf32>
      %get3A_53 = vector.shape_cast %get3A_52 : vector<1x768x768xf32> to vector<768x768xf32>
      %dot_general3A_54 = arith.constant dense<0.000000e+00> : vector<128x768xf32>
      %dot_general3A_55 = tpu.matmul %get3A_35, %get3A_53, %dot_general3A_54 {dimension_numbers = #tpu.dot_dimension_numbers<[1], [0], [0], [1], [0, 0, 1, 1], [], []>, transpose_lhs_hint = false} : vector<128x768xf32>, vector<768x768xf32>, vector<128x768xf32> -> vector<128x768xf32>
      %get3A_56 = arith.constant 0 : index
      %get3A_57 = arith.constant 0 : index
      %get3A_58 = arith.constant 0 : index
      %get3A_59 = vector.load %arg7[%get3A_56, %get3A_57, %get3A_58] : memref<1x1x768xf32, #tpu.memory_space<vmem>>, vector<1x1x768xf32>
      %get3A_60 = vector.shape_cast %get3A_59 : vector<1x1x768xf32> to vector<1x768xf32>
      %add3A_61 = vector.broadcast %get3A_60 : vector<1x768xf32> to vector<128x768xf32>
      %add3A_62 = arith.addf %dot_general3A_55, %add3A_61 : vector<128x768xf32>
      %min3A = arith.constant 7.000000e+00 : f32
      %min3A_63 = vector.broadcast %min3A : f32 to vector<128x768xf32>
      %min3A_64 = arith.minimumf %add3A_48, %min3A_63 : vector<128x768xf32>
      %jit3A_65 = arith.constant -7.000000e+00 : f32
      %jit3A_66 = arith.constant 7.000000e+00 : f32
      %max3A = vector.broadcast %jit3A_65 : f32 to vector<128x768xf32>
      %max3A_67 = arith.maximumf %max3A, %add3A_62 : vector<128x768xf32>
      %min3A_68 = vector.broadcast %jit3A_66 : f32 to vector<128x768xf32>
      %min3A_69 = arith.minimumf %min3A_68, %max3A_67 : vector<128x768xf32>
      %mul3A_70 = arith.constant -1.702000e+00 : f32
      %mul3A_71 = vector.broadcast %mul3A_70 : f32 to vector<128x768xf32>
      %mul3A_72 = arith.mulf %mul3A_71, %min3A_64 : vector<128x768xf32>
      %exp3A = math.exp %mul3A_72 : vector<128x768xf32>
      %add3A_73 = arith.constant 1.000000e+00 : f32
      %add3A_74 = vector.broadcast %add3A_73 : f32 to vector<128x768xf32>
      %add3A_75 = arith.addf %add3A_74, %exp3A : vector<128x768xf32>
      %div3A_76 = arith.constant 1.000000e+00 : f32
      %div3A_77 = vector.broadcast %div3A_76 : f32 to vector<128x768xf32>
      %div3A_78 = arith.divf %div3A_77, %add3A_75 : vector<128x768xf32>
      %mul3A_79 = arith.mulf %min3A_64, %div3A_78 : vector<128x768xf32>
      %add3A_80 = arith.constant 1.000000e+00 : f32
      %add3A_81 = vector.broadcast %add3A_80 : f32 to vector<128x768xf32>
      %add3A_82 = arith.addf %min3A_69, %add3A_81 : vector<128x768xf32>
      %mul3A_83 = arith.mulf %mul3A_79, %add3A_82 : vector<128x768xf32>
      %get3A_84 = arith.constant 0 : index
      %get3A_85 = arith.constant 0 : index
      %get3A_86 = arith.constant 0 : index
      %get3A_87 = vector.load %arg8[%get3A_84, %get3A_85, %get3A_86] : memref<1x768x768xf32, #tpu.memory_space<vmem>>, vector<1x768x768xf32>
      %get3A_88 = vector.shape_cast %get3A_87 : vector<1x768x768xf32> to vector<768x768xf32>
      %dot_general3A_89 = arith.constant dense<0.000000e+00> : vector<128x768xf32>
      %dot_general3A_90 = tpu.matmul %mul3A_83, %get3A_88, %dot_general3A_89 {dimension_numbers = #tpu.dot_dimension_numbers<[1], [0], [0], [1], [0, 0, 1, 1], [], []>, transpose_lhs_hint = false} : vector<128x768xf32>, vector<768x768xf32>, vector<128x768xf32> -> vector<128x768xf32>
      %get3A_91 = arith.constant 0 : index
      %get3A_92 = arith.constant 0 : index
      %get3A_93 = arith.constant 0 : index
      %get3A_94 = vector.load %arg9[%get3A_91, %get3A_92, %get3A_93] : memref<1x1x768xf32, #tpu.memory_space<vmem>>, vector<1x1x768xf32>
      %get3A_95 = vector.shape_cast %get3A_94 : vector<1x1x768xf32> to vector<1x768xf32>
      %add3A_96 = vector.broadcast %get3A_95 : vector<1x768xf32> to vector<128x768xf32>
      %add3A_97 = arith.addf %dot_general3A_90, %add3A_96 : vector<128x768xf32>
      %get3A_98 = arith.index_cast %add3A_32 : i32 to index
      %get3A_99 = arith.constant 0 : index
      %get3A_100 = vector.load %arg10[%get3A_98, %get3A_99] : memref<4864x1xf32, #tpu.memory_space<vmem>>, vector<128x1xf32>
      %mul3A_101 = vector.broadcast %get3A_100 : vector<128x1xf32> to vector<128x768xf32>
      %mul3A_102 = arith.mulf %add3A_97, %mul3A_101 : vector<128x768xf32>
      %swap3A = arith.index_cast %add3A_32 : i32 to index
      %swap3A_103 = arith.constant 0 : index
      %swap3A_104 = vector.load %arg11[%swap3A, %swap3A_103] : memref<4864x768xf32, #tpu.memory_space<vmem>>, vector<128x768xf32>
      tpu.vector_store %arg11[%swap3A, %swap3A_103], %mul3A_102 {strides = array<i32>} : memref<4864x768xf32, #tpu.memory_space<vmem>>, vector<128x768xf32>,
    }
    %while3A_29 = arith.constant 1 : i32
    scf.for %while3A_30 = %while3A_27 to %while3A_23 step %while3A_29  : i32 {
      %mul3A = arith.constant 128 : i32
      %mul3A_31 = arith.muli %while3A_30, %mul3A : i32
      %add3A_32 = arith.addi %multiple_of3A, %mul3A_31 : i32
      %get3A_33 = arith.index_cast %add3A_32 : i32 to index
      %get3A_34 = arith.constant 0 : index
      %get3A_35 = vector.load %arg3[%get3A_33, %get3A_34] : memref<4864x768xf32, #tpu.memory_space<vmem>>, vector<128x768xf32>
      %get3A_36 = arith.constant 0 : index
      %get3A_37 = arith.constant 0 : index
      %get3A_38 = arith.constant 0 : index
      %get3A_39 = vector.load %arg4[%get3A_36, %get3A_37, %get3A_38] : memref<1x768x768xf32, #tpu.memory_space<vmem>>, vector<1x768x768xf32>
      %get3A_40 = vector.shape_cast %get3A_39 : vector<1x768x768xf32> to vector<768x768xf32>
      %dot_general3A = arith.constant dense<0.000000e+00> : vector<128x768xf32>
      %dot_general3A_41 = tpu.matmul %get3A_35, %get3A_40, %dot_general3A {dimension_numbers = #tpu.dot_dimension_numbers<[1], [0], [0], [1], [0, 0, 1, 1], [], []>, transpose_lhs_hint = false} : vector<128x768xf32>, vector<768x768xf32>, vector<128x768xf32> -> vector<128x768xf32>
      %get3A_42 = arith.constant 0 : index
      %get3A_43 = arith.constant 0 : index
      %get3A_44 = arith.constant 0 : index
      %get3A_45 = vector.load %arg5[%get3A_42, %get3A_43, %get3A_44] : memref<1x1x768xf32, #tpu.memory_space<vmem>>, vector<1x1x768xf32>
      %get3A_46 = vector.shape_cast %get3A_45 : vector<1x1x768xf32> to vector<1x768xf32>
      %add3A_47 = vector.broadcast %get3A_46 : vector<1x768xf32> to vector<128x768xf32>
      %add3A_48 = arith.addf %dot_general3A_41, %add3A_47 : vector<128x768xf32>
      %get3A_49 = arith.constant 0 : index
      %get3A_50 = arith.constant 0 : index
      %get3A_51 = arith.constant 0 : index
      %get3A_52 = vector.load %arg6[%get3A_49, %get3A_50, %get3A_51] : memref<1x768x768xf32, #tpu.memory_space<vmem>>, vector<1x768x768xf32>
      %get3A_53 = vector.shape_cast %get3A_52 : vector<1x768x768xf32> to vector<768x768xf32>
      %dot_general3A_54 = arith.constant dense<0.000000e+00> : vector<128x768xf32>
      %dot_general3A_55 = tpu.matmul %get3A_35, %get3A_53, %dot_general3A_54 {dimension_numbers = #tpu.dot_dimension_numbers<[1], [0], [0], [1], [0, 0, 1, 1], [], []>, transpose_lhs_hint = false} : vector<128x768xf32>, vector<768x768xf32>, vector<128x768xf32> -> vector<128x768xf32>
      %get3A_56 = arith.constant 0 : index
      %get3A_57 = arith.constant 0 : index
      %get3A_58 = arith.constant 0 : index
      %get3A_59 = vector.load %arg7[%get3A_56, %get3A_57, %get3A_58] : memref<1x1x768xf32, #tpu.memory_space<vmem>>, vector<1x1x768xf32>
      %get3A_60 = vector.shape_cast %get3A_59 : vector<1x1x768xf32> to vector<1x768xf32>
      %add3A_61 = vector.broadcast %get3A_60 : vector<1x768xf32> to vector<128x768xf32>
      %add3A_62 = arith.addf %dot_general3A_55, %add3A_61 : vector<128x768xf32>
      %min3A = arith.constant 7.000000e+00 : f32
      %min3A_63 = vector.broadcast %min3A : f32 to vector<128x768xf32>
      %min3A_64 = arith.minimumf %add3A_48, %min3A_63 : vector<128x768xf32>
      %jit3A_65 = arith.constant -7.000000e+00 : f32
      %jit3A_66 = arith.constant 7.000000e+00 : f32
      %max3A = vector.broadcast %jit3A_65 : f32 to vector<128x768xf32>
      %max3A_67 = arith.maximumf %max3A, %add3A_62 : vector<128x768xf32>
      %min3A_68 = vector.broadcast %jit3A_66 : f32 to vector<128x768xf32>
      %min3A_69 = arith.minimumf %min3A_68, %max3A_67 : vector<128x768xf32>
      %mul3A_70 = arith.constant -1.702000e+00 : f32
      %mul3A_71 = vector.broadcast %mul3A_70 : f32 to vector<128x768xf32>
      %mul3A_72 = arith.mulf %mul3A_71, %min3A_64 : vector<128x768xf32>
      %exp3A = math.exp %mul3A_72 : vector<128x768xf32>
      %add3A_73 = arith.constant 1.000000e+00 : f32
      %add3A_74 = vector.broadcast %add3A_73 : f32 to vector<128x768xf32>
      %add3A_75 = arith.addf %add3A_74, %exp3A : vector<128x768xf32>
      %div3A_76 = arith.constant 1.000000e+00 : f32
      %div3A_77 = vector.broadcast %div3A_76 : f32 to vector<128x768xf32>
      %div3A_78 = arith.divf %div3A_77, %add3A_75 : vector<128x768xf32>
      %mul3A_79 = arith.mulf %min3A_64, %div3A_78 : vector<128x768xf32>
      %add3A_80 = arith.constant 1.000000e+00 : f32
      %add3A_81 = vector.broadcast %add3A_80 : f32 to vector<128x768xf32>
      %add3A_82 = arith.addf %min3A_69, %add3A_81 : vector<128x768xf32>
      %mul3A_83 = arith.mulf %mul3A_79, %add3A_82 : vector<128x768xf32>
      %get3A_84 = arith.constant 0 : index
      %get3A_85 = arith.constant 0 : index
      %get3A_86 = arith.constant 0 : index
      %get3A_87 = vector.load %arg8[%get3A_84, %get3A_85, %get3A_86] : memref<1x768x768xf32, #tpu.memory_space<vmem>>, vector<1x768x768xf32>
      %get3A_88 = vector.shape_cast %get3A_87 : vector<1x768x768xf32> to vector<768x768xf32>
      %dot_general3A_89 = arith.constant dense<0.000000e+00> : vector<128x768xf32>
      %dot_general3A_90 = tpu.matmul %mul3A_83, %get3A_88, %dot_general3A_89 {dimension_numbers = #tpu.dot_dimension_numbers<[1], [0], [0], [1], [0, 0, 1, 1], [], []>, transpose_lhs_hint = false} : vector<128x768xf32>, vector<768x768xf32>, vector<128x768xf32> -> vector<128x768xf32>
      %get3A_91 = arith.constant 0 : index
      %get3A_92 = arith.constant 0 : index
      %get3A_93 = arith.constant 0 : index
      %get3A_94 = vector.load %arg9[%get3A_91, %get3A_92, %get3A_93] : memref<1x1x768xf32, #tpu.memory_space<vmem>>, vector<1x1x768xf32>
      %get3A_95 = vector.shape_cast %get3A_94 : vector<1x1x768xf32> to vector<1x768xf32>
      %add3A_96 = vector.broadcast %get3A_95 : vector<1x768xf32> to vector<128x768xf32>
      %add3A_97 = arith.addf %dot_general3A_90, %add3A_96 : vector<128x768xf32>
      %get3A_98 = arith.index_cast %add3A_32 : i32 to index
      %get3A_99 = arith.constant 0 : index
      %get3A_100 = vector.load %arg10[%get3A_98, %get3A_99] : memref<4864x1xf32, #tpu.memory_space<vmem>>, vector<128x1xf32>
      %mul3A_101 = vector.broadcast %get3A_100 : vector<128x1xf32> to vector<128x768xf32>
      %mul3A_102 = arith.mulf %add3A_97, %mul3A_101 : vector<128x768xf32>
      %swap3A = arith.index_cast %add3A_32 : i32 to index
      %swap3A_103 = arith.constant 0 : index
      %swap3A_104 = vector.load %arg11[%swap3A, %swap3A_103] : memref<4864x768xf32, #tpu.memory_space<vmem>>, vector<128x768xf32>
      tpu.vector_store %arg11[%swap3A, %swap3A_103], %mul3A_102 {strides = array<i32>} : memref<4864x768xf32, #tpu.memory_space<vmem>>, vector<128x768xf32>,
    }
    return
  }
  func.func @transform_0(%arg0: i32, %arg1: memref<64xi32, #tpu.memory_space<smem>>, %arg2: memref<64xi32, #tpu.memory_space<smem>>) -> (i32, i32) {
    %c0_i32 = arith.constant 0 : i32
    %c0_i32_0 = arith.constant 0 : i32
    %c0_i32_1 = arith.constant 0 : i32
    return %c0_i32, %c0_i32_0 : i32, i32
  }
  func.func @transform_1(%arg0: i32, %arg1: memref<64xi32, #tpu.memory_space<smem>>, %arg2: memref<64xi32, #tpu.memory_space<smem>>) -> (i32, i32, i32) {
    %c0_i32 = arith.constant 0 : i32
    %c0_i32_0 = arith.constant 0 : i32
    %c0_i32_1 = arith.constant 0 : i32
    return %arg0, %c0_i32, %c0_i32_0 : i32, i32, i32
  }
  func.func @transform_2(%arg0: i32, %arg1: memref<64xi32, #tpu.memory_space<smem>>, %arg2: memref<64xi32, #tpu.memory_space<smem>>) -> (i32, i32, i32) {
    %c0_i32 = arith.constant 0 : i32
    %c0_i32_0 = arith.constant 0 : i32
    %c0_i32_1 = arith.constant 0 : i32
    return %arg0, %c0_i32, %c0_i32_0 : i32, i32, i32
  }
  func.func @transform_3(%arg0: i32, %arg1: memref<64xi32, #tpu.memory_space<smem>>, %arg2: memref<64xi32, #tpu.memory_space<smem>>) -> (i32, i32, i32) {
    %c0_i32 = arith.constant 0 : i32
    %c0_i32_0 = arith.constant 0 : i32
    %c0_i32_1 = arith.constant 0 : i32
    return %arg0, %c0_i32, %c0_i32_0 : i32, i32, i32
  }
  func.func @transform_4(%arg0: i32, %arg1: memref<64xi32, #tpu.memory_space<smem>>, %arg2: memref<64xi32, #tpu.memory_space<smem>>) -> (i32, i32, i32) {
    %c0_i32 = arith.constant 0 : i32
    %c0_i32_0 = arith.constant 0 : i32
    %c0_i32_1 = arith.constant 0 : i32
    return %arg0, %c0_i32, %c0_i32_0 : i32, i32, i32
  }
  func.func @transform_5(%arg0: i32, %arg1: memref<64xi32, #tpu.memory_space<smem>>, %arg2: memref<64xi32, #tpu.memory_space<smem>>) -> (i32, i32, i32) {
    %c0_i32 = arith.constant 0 : i32
    %c0_i32_0 = arith.constant 0 : i32
    %c0_i32_1 = arith.constant 0 : i32
    return %arg0, %c0_i32, %c0_i32_0 : i32, i32, i32
  }
  func.func @transform_6(%arg0: i32, %arg1: memref<64xi32, #tpu.memory_space<smem>>, %arg2: memref<64xi32, #tpu.memory_space<smem>>) -> (i32, i32, i32) {
    %c0_i32 = arith.constant 0 : i32
    %c0_i32_0 = arith.constant 0 : i32
    %c0_i32_1 = arith.constant 0 : i32
    return %arg0, %c0_i32, %c0_i32_0 : i32, i32, i32
  }
  func.func @transform_7(%arg0: i32, %arg1: memref<64xi32, #tpu.memory_space<smem>>, %arg2: memref<64xi32, #tpu.memory_space<smem>>) -> (i32, i32) {
    %c0_i32 = arith.constant 0 : i32
    %c0_i32_0 = arith.constant 0 : i32
    %c0_i32_1 = arith.constant 0 : i32
    return %c0_i32, %c0_i32_0 : i32, i32
  }
  func.func @transform_8(%arg0: i32, %arg1: memref<64xi32, #tpu.memory_space<smem>>, %arg2: memref<64xi32, #tpu.memory_space<smem>>) -> (i32, i32) {
    %c0_i32 = arith.constant 0 : i32
    %c0_i32_0 = arith.constant 0 : i32
    %c0_i32_1 = arith.constant 0 : i32
    return %c0_i32, %c0_i32_0 : i32, i32
  }
}

</mosaic_0001>

<sc_bundles>
// kernel: kernel.6.cloned.1.call-start
scs
__scs_entry_jumppad:
0x0: {  	(pc) =	sbr.rel $0x88, $3  }
0x1: {  	(tag) =	ssettag $0x0;
	lr =	simm.s32 $0x1  }
0x2: {  	[smem:$0x3F98] =	sst lr;
	_ =	strace $0xD0000000  }
0x3: {  	_ = 	snop  }
0x4: {  	_ = 	snop  }
0x5: {  	_ = 	snop  }
0x6: {  	_ = 	snop  }
0x7: {  	_ = 	snop  }
__scs_overlays_trampoline_lowered:
0x8: {  	[smem:$0x3FA7] =	sst s0  }
0x9: {  	[smem:$0x3FA8] =	sst s1  }
0xa: {  	[smem:$0x3FA9] =	sst s2  }
0xb: {  	[smem:$0x3FAA] =	sst s3  }
0xc: {  	[smem:$0x3FAB] =	sst s4  }
0xd: {  	[smem:$0x3FAC] =	sst s5  }
0xe: {  	[smem:$0x3FAD] =	sst s6  }
0xf: {  	[smem:$0x3FAE] =	sst s7  }
0x10: {  	[smem:$0x3FAF] =	sst s8  }
0x11: {  	[smem:$0x3FB0] =	sst s9;
	s0 =	simm.s32 @!p0 $0x0  }
0x12: {  	s1 =	sld [smem:$0x3F96];
	s0 =	simm.s32 @p0 $0x1  }
0x13: {  	[smem:$0x3FB1] =	sst s0;
	s0 =	simm.s32 @!p1 $0x0  }
0x14: {  	s2 =	sld [smem:$0x3F95];
	s0 =	simm.s32 @p1 $0x1  }
0x15: {  	[smem:$0x3FB2] =	sst s0;
	s0 =	simm.s32 @!p2 $0x0  }
0x16: {  	s3 =	sld [smem:$0x3FDB];
	s0 =	simm.s32 @p2 $0x1  }
0x17: {  	s4 =	simm.s32 $0x1BF5;
	[smem:$0x3FB4] =	sst s0  }
0x18: {  	s0 =	sld [smem:$0x3F97];
	_ =	swait.ge [sflag:s4], $0x0  }
0x19: {  	s7 =	sld [smem:$0x3F98]  }
0x1a: {  	s8 =	sadd.s32 $0xFFFFE003, lr  }
0x1b: {  	s9 =	sadd.s32 $0xFFFFFEF7, lr;
	s5 =	simm.s32 $0xFFFFFFFF;
	p2 =	slt.u32 s8, $0xFFFFF086  }
0x1c: {  	p1 =	slt.u32 s9, $0xF7A;
	s5 =	simm.s32 @!p2 $0x0  }
0x1d: {  	s5 =	simm.s32 @p1 $0x1;
	p0 =	seq.s32 s7, s2  }
0x1e: {  	s7 =	smul.u32 @!p0 $0xF7A, s2;
	p2 =	seq.s32 @!p0 s5, $0x0  }
0x1f: {  	s9 =	smul.u32 $0xF7A, s1;
	s8 =	simm.s32 @!p0 $0x1BF5;
	p2 =	por !p2, p0  }
0x20: {  	[sflag:s8] =	ssyncset.s32 @!p0 $0xFFFFF086;
	s6 =	sadd.s32 @!p0 s3, s7;
	s7 =	simm.s32 @!p0 $0x108  }
0x21: {  	s3 =	sadd.s32 s3, s9;
	s6 =	sadd.s32 @!p0 $0x88, s6;
	s7 =	simm.s32 @p2 $0x1082  }
0x22: {  	[simem:s7], [sflag:s8] =	dma.local @!p0 [hbm:s6], $0xF7A  }
0x23: {  	s9 =	sor.u32 $0xD0000000, s2;
	s6 =	simm.s32 $0x108;
	_ =	swait.ge @!p0 [sflag:s8], $0x0  }
0x24: {  	s3 =	sadd.s32 $0x88, s3;
	s6 =	simm.s32 @!p1 $0x1082;
	[sflag:s4] =	ssyncset.s32 $0xFFFFF086  }
0x25: {  	[simem:s6], [sflag:s4] =	dma.local [hbm:s3], $0xF7A  }
0x26: {  	[smem:$0x3F98] =	sst s1;
	(tag) =	ssettag s2;
	_ =	strace s9  }
0x27: {  	s1 =	sld [smem:$0x3FA8]  }
0x28: {  	s2 =	sld [smem:$0x3FA9]  }
0x29: {  	s4 =	sld [smem:$0x3FAB]  }
0x2a: {  	p0 =	seq.s32 s5, $0x0;
	s5 =	sld [smem:$0x3FAC]  }
0x2b: {  	s6 =	sld [smem:$0x3FAD]  }
0x2c: {  	s7 =	sld [smem:$0x3FAE]  }
0x2d: {  	s3 =	simm.s32 $0x108;
	s8 =	sld [smem:$0x3FAF]  }
0x2e: {  	s3 =	simm.s32 @!p0 $0x1082;
	s9 =	sld [smem:$0x3FB0]  }
0x2f: {  	lr =	sadd.s32 s0, s3;
	s0 =	sld [smem:$0x3FA7]  }
0x30: {  	s3 =	sld [smem:$0x3FAA]  }
0x31: {  	[smem:$0x3FB3] =	sst s10  }
0x32: {  	s10 =	sld [smem:$0x3FB1];
	_ =	sdelay $0x3  }
0x33: {  	p0 =	seq.s32 s10, $0x1;
	s10 =	sld [smem:$0x3FB3];
	_ =	sdelay $0x3  }
0x34: {  	[smem:$0x3FB3] =	sst s10  }
0x35: {  	s10 =	sld [smem:$0x3FB2];
	_ =	sdelay $0x3  }
0x36: {  	p1 =	seq.s32 s10, $0x1;
	s10 =	sld [smem:$0x3FB3];
	_ =	sdelay $0x3  }
0x37: {  	[smem:$0x3FB3] =	sst s10  }
0x38: {  	s10 =	sld [smem:$0x3FB4]  }
0x39: {  	_ = 	snop;
	(pc) =	sbr.ind lr, $3  }
0x3a: {  	_ = 	snop  }
0x3b: {  	_ = 	snop  }
0x3c: {  	p2 =	seq.s32 s10, $0x1;
	s10 =	sld [smem:$0x3FB3]  }
0x3d: {  	_ =	shalt  }
0x3e: {  	_ =	shalt  }
0x3f: {  	_ =	shalt  }
0x40: {  	_ =	shalt  }
0x41: {  	_ =	shalt  }
0x42: {  	_ =	shalt  }
0x43: {  	_ =	shalt  }
0x44: {  	_ =	shalt  }
0x45: {  	_ =	shalt  }
0x46: {  	_ =	shalt  }
0x47: {  	_ =	shalt  }
0x48: {  	_ =	shalt  }
0x49: {  	_ =	shalt  }
0x4a: {  	_ =	shalt  }
0x4b: {  	_ =	shalt  }
0x4c: {  	_ =	shalt  }
0x4d: {  	_ =	shalt  }
0x4e: {  	_ =	shalt  }
0x4f: {  	_ =	shalt  }
0x50: {  	_ =	shalt  }
0x51: {  	_ =	shalt  }
0x52: {  	_ =	shalt  }
0x53: {  	_ =	shalt  }
0x54: {  	_ =	shalt  }
0x55: {  	_ =	shalt  }
0x56: {  	_ =	shalt  }
0x57: {  	_ =	shalt  }
0x58: {  	_ =	shalt  }
0x59: {  	_ =	shalt  }
0x5a: {  	_ =	shalt  }
0x5b: {  	_ =	shalt  }
0x5c: {  	_ =	shalt  }
0x5d: {  	_ =	shalt  }
0x5e: {  	_ =	shalt  }
0x5f: {  	_ =	shalt  }
0x60: {  	_ =	shalt  }
0x61: {  	_ =	shalt  }
0x62: {  	_ =	shalt  }
0x63: {  	_ =	shalt  }
0x64: {  	_ =	shalt  }
0x65: {  	_ =	shalt  }
0x66: {  	_ =	shalt  }
0x67: {  	_ =	shalt  }
0x68: {  	_ =	shalt  }
0x69: {  	_ =	shalt  }
0x6a: {  	_ =	shalt  }
0x6b: {  	_ =	shalt  }
0x6c: {  	_ =	shalt  }
0x6d: {  	_ =	shalt  }
0x6e: {  	_ =	shalt  }
0x6f: {  	_ =	shalt  }
0x70: {  	_ =	shalt  }
0x71: {  	_ =	shalt  }
0x72: {  	_ =	shalt  }
0x73: {  	_ =	shalt  }
0x74: {  	_ =	shalt  }
0x75: {  	_ =	shalt  }
0x76: {  	_ =	shalt  }
0x77: {  	_ =	shalt  }
0x78: {  	_ =	shalt  }
0x79: {  	_ =	shalt  }
0x7a: {  	_ =	shalt  }
0x7b: {  	_ =	shalt  }
0x7c: {  	_ =	shalt  }
0x7d: {  	_ =	shalt  }
0x7e: {  	_ =	shalt  }
0x7f: {  	_ =	shalt  }
0x80: {  	_ =	shalt  }
0x81: {  	_ =	shalt  }
0x82: {  	_ =	shalt  }
0x83: {  	_ =	shalt  }
0x84: {  	_ =	shalt  }
0x85: {  	_ =	shalt  }
0x86: {  	_ =	shalt  }
0x87: {  	_ =	shalt  }
.Lfunc_end0:
.L_simem_size_0:
called_computation_lowered:
.L_overlay_start_0:
0x88: {  	s2 =	sld [smem:$0x3FD9]  }
0x89: {  	s3 =	sld [smem:$0x3FFE];
	_ =	sdelay $0x1  }
0x8a: {  	s1 =	srdreg.scid  }
0x8b: {  	s0 =	sand.u32 $0x1, s1  }
0x8c: {  	s17 =	sshll.u32 s0, $0xA;
	s2 =	sadd.s32 s3, s2  }
0x8d: {  	s2 =	sadd.s32 s2, s17  }
0x8e: {  	[smem:$0x3FBF] =	sst s2  }
0x8f: {  	_ = 	snop  }
0x90: {  	s2 =	sld [smem:$0x3FC9];
	(tm) =	ssettm $0x1  }
0x91: {  	s18 =	sld [smem:$0x3FFB];
	_ =	sdelay $0x3  }
0x92: {  	_ =	strace s18  }
0x93: {  	s3 =	sld [smem:$0x3FFC];
	_ =	sdelay $0x3  }
0x94: {  	_ =	strace s3  }
0x95: {  	s3 =	sld [smem:$0x3FFD];
	_ =	sdelay $0x3  }
0x96: {  	_ =	strace s3  }
0x97: {  	_ =	strace $0x8FFFFFFF  }
0x98: {  	s19 =	sld [smem:$0x3FDB];
	_ =	sdelay $0x1  }
0x99: {  	s4 =	simm.s32 $_scs_section_size  }
0x9a: {  	s5 =	simm.s32 $_size__tile_overlayer_lowered;
	s6 =	simm.s32 $_tile_overlayer_lowered  }
0x9b: {  	s22 =	simm.s32 $0x1BFF;
	s21 =	sshll.u32 s6, $0x1;
	s3 =	sadd.s32 s4, s19  }
0x9c: {  	s7 =	simm.s32 $0x0;
	s20 =	sshll.u32 s5, $0x1;
	s5 =	sadd.s32 s21, s3  }
0x9d: {  	[timem:s7], [sflag:s22] =	dma.local [hbm:s5], s20  }
0x9e: {  	_ =	swait.ge [sflag:s22], s20  }
0x9f: {  	s4 =	ssub.s32 $0x0, s20;
	[sflag:s22] =	ssyncset.done $0x0  }
0xa0: {  	[sflag:s22] =	ssyncadd.s32 s4;
	_ =	sdelay $0x1  }
0xa1: {  	s23 =	simm.s32 $0x1B8B  }
0xa2: {  	_ =	swait.ge [sflag:s23], $0x1  }
0xa3: {  	[sflag:s23] =	ssyncset.done $0x0  }
0xa4: {  	s25 =	simm.s32 $0x1B8E;
	s24 =	sld [smem:$0x3FFE];
	[sflag:s23] =	ssyncadd.s32 $0xFFFFFFFF  }
0xa5: {  	s26 =	simm.s32 $execute0_lowered;
	[smem:$0x3FD2] =	sst s25  }
0xa6: {  	s5 =	sshll.u32 s26, $0x1;
	_ =	strace $0x80000046;
	[dreg:$0x1] =	wrdreg $0xFFFFFFFF  }
0xa7: {  	s28 =	simm.s32 $_size_execute0_lowered;
	s3 =	sadd.s32 s3, s5;
	[dreg:$0x0] =	wrdreg $0x0  }
0xa8: {  	s5 =	sshll.u32 s28, $0x1;
	[dreg:$0x2] =	wrdreg s3  }
0xa9: {  	[dreg:$0x3] =	wrdreg s5  }
0xaa: {  	[dreg:$0x4] =	wrdreg $0xC0  }
0xab: {  	_ =	task [dreg:s7], $0x5FFFF  }
0xac: {  	[dreg:$0x1] =	wrdreg $0xFFFFFFFF  }
0xad: {  	[dreg:$0x0] =	wrdreg $0x60  }
0xae: {  	[dreg:$0x2] =	wrdreg s2  }
0xaf: {  	[dreg:$0x3] =	wrdreg s24  }
0xb0: {  	[dreg:$0x4] =	wrdreg $0x9  }
0xb1: {  	_ =	task.clear_ibuf [dreg:s7], $0x5FFFF;
	_ =	strace $0x90000046  }
0xb2: {  	s29 =	simm.s32 $0x9;
	_ =	strace $0x80000048  }
0xb3: {  	_ =	swait.ge [sflag:s29], $0x1  }
0xb4: {  	[sflag:s29] =	ssyncadd.s32 $0xFFFFFFFF  }
0xb5: {  	_ =	strace $0x90000048  }
0xb6: {  	_ =	sfence  }
0xb7: {  	s30 =	sld [smem:$0x0];
	_ =	sdelay $0x2  }
0xb8: {  	s31 =	sshll.u32 s1, $0xD;
	s1 =	sshrl.u32 s1, $0x2  }
0xb9: {  	s3 =	sand.u32 $0x4000, s31;
	s1 =	sadd.s32 s1, s30  }
0xba: {  	s0 =	sor.u32 s3, s0;
	s1 =	sshll.u32 s1, $0x11  }
0xbb: {  	s0 =	sor.u32 s1, s0  }
0xbc: {  	s0 =	sadd.s32 $0x8F2B, s0  }
0xbd: {  	[sflag:s0] =	ssyncadd.remote.s32 $0x1  }
0xbe: {  	_ =	sfence.sel $0xFFFF  }
0xbf: {  	[dreg:$0x0] =	wrdreg $0xFFFFFFFF;
	(pc) =	sbr.abs _section_cstart, $3  }
0xc0: {  	[dreg:$0x1] =	wrdreg $0xFFFFFFFF  }
0xc1: {  	_ =	task.clear_ibuf [dreg:s7], $0x2FFFF;
	_ =	strace $0x9FFFFFFF  }
0xc2: {  	(tm) =	ssettm $0x7FFFFFFF  }
0xc3: {  	_ =	shalt  }
tec
execute0_lowered:
.L_overlay_start_1:
0x0: {  	(tag) =	ssettag $0x1  }
0x1: {  	s0 =	rddreg [dreg:$0x0]  }
0x2: {  	s1 =	rddreg [dreg:$0x1];
	s2 =	srdreg.scid  }
0x3: {  	s3 =	stileid.u32;
	s26 =	simm.s32 $0x80;
	s9 =	simm.s32 $0x2  }
0x4: {  	s12 =	simm.s32 $0x1900;
	s13 =	simm.s32 $0x2100;
	s14 =	simm.s32 $0x2900  }
0x5: {  	s15 =	simm.s32 $0x3100;
	s16 =	simm.s32 $0x3900;
	s17 =	simm.s32 $0x4100  }
0x6: {  	s18 =	simm.s32 $0x4900;
	s19 =	simm.s32 $0x5100;
	s20 =	simm.s32 $0x5900  }
0x7: {  	s21 =	simm.s32 $0x6100;
	s22 =	simm.s32 $0x6900;
	s23 =	simm.s32 $0x7100  }
0x8: {  	s24 =	simm.s32 $0x7900;
	s28 =	simm.s32 $0x9100;
	s29 =	simm.s32 $0x9900  }
0x9: {  	s30 =	simm.s32 $0xA100;
	s31 =	simm.s32 $0xA900;
	s4 =	sand.u32 $0x1, s2  }
0xa: {  	s2 =	simm.s32 $0x0;
	s3 =	sshll.u32 s3, $0x4;
	s5 =	sshll.u32 s4, $0x3  }
0xb: {  	[smem:$0x7FF] =	sst s2;
	s4 =	ssub.s32 $0x2, s4;
	s5 =	sor.u32 s5, s3  }
0xc: {  	_ =	strace $0x80000047;
	s3 =	sadd.s32 $0x2200, s1;
	s8 =	sshrl.u32 s4, $0x1  }
0xd: {  	[dreg:$0x6] =	wrdreg s26;
	s26 =	simm.s32 $0x8900;
	s6 =	sadd.s32 s5, s1  }
0xe: {  	s5 =	smul.u32 $0x300, s5;
	s25 =	ssub.s32 s4, s8;
	s7 =	sadd.s32 $0x1E00, s6  }
0xf: {  	s4 =	sadd.s32 $0x2300, s1;
	s6 =	sadd.s32 $0x2000, s6;
	[dreg:$0x3] =	wrdreg s7  }
0x10: {  	v2 =	vlaneseq.u32;
	s8 =	simm.s32 $0xB900;
	[dreg:$0x4] =	wrdreg s6;
	s0 =	sadd.s32 s0, s5  }
0x11: {  	vm0 =	vmmov $0xffff;
	v1 =	vshrl.u32 v2, $0x3;
	s5 =	sadd.s32 $0x2400, s1;
	s6 =	smax.u32 s25, $0x1;
	s7 =	simm.s32 $0x3  }
0x12: {  	v0 =	vand.u32 $0x7, v2;
	v2 =	vor.u32 $0x8, v2;
	v1 =	vmul.u32 $0x8, v1;
	s1 =	simm.s32 $0x100;
	s25 =	simm.s32 $0x8100;
	[dreg:$0x5] =	wrdreg s0  }
.LBB2_1:
0x13: {  	s10 =	rddreg [dreg:$0x3]  }
0x14: {  	[tilespmem:s2], [sflag:$0x3] =	stream.linear.gather [hbm4b:s10+s2], $0x40, $0x38;
	[tilespmem:$0xC100] =	vst v63  }
0x15: {  	_ =	swait.ge [sflag:s7], $0x40  }
0x16: {  	s0 =	rddreg [dreg:$0x4];
	[sflag:s7] =	ssyncset.done $0x0  }
0x17: {  	s11 =	rddreg [dreg:$0x6];
	[sflag:s7] =	ssyncadd.s32 $0xFFFFFFC0  }
0x18: {  	[tilespmem:s11], [sflag:$0x3] =	stream.linear.gather [hbm4b:s0+s2], $0x40, $0x38;
	[tilespmem:$0xC100] =	vst v63  }
0x19: {  	_ =	swait.ge [sflag:s7], $0x40  }
0x1a: {  	[sflag:s7] =	ssyncset.done $0x0  }
0x1b: {  	s0 =	rddreg [dreg:$0x5];
	[sflag:s7] =	ssyncadd.s32 $0xFFFFFFC0  }
0x1c: {  	[tilespmem:s1], [sflag:$0x3] =	stream.linear.gather [hbm4b:s0+s2], $0xC000, $0x38;
	[tilespmem:$0xC100] =	vst v63  }
0x1d: {  	_ =	swait.ge [sflag:s7], $0xC000  }
0x1e: {  	[sflag:s7] =	ssyncset.done $0x0  }
0x1f: {  	[sflag:s7] =	ssyncadd.s32 $0xFFFF4000  }
0x20: {  	v3 =	vld [tilespmem:$0x0];
	_ =	sdelay $0x4  }
0x21: {  	v4 =	vshrl.u32 v3, $0x3  }
0x22: {  	v4 =	vmul.u32 $0x30, v4  }
0x23: {  	v3 =	vand.u32 $0x7, v3  }
0x24: {  	v3 =	vor.u32 v3, v4  }
0x25: {  	v4 =	vperm.xlane v3, v0;
	_ =	sdelay $0x1  }
0x26: {  	v4 =	vadd.s32 v1, v4;
	_ =	sdelay $0x3  }
0x27: {  	v3 =	vperm.xlane v3, v2  }
0x28: {  	[hbm4b:s3+s2] =	stream.indirect_vreg.scatter [tilespmem:s1], [sflag:$0x1], $0x80, v4, vm0, $0xb8;
	[tilespmem:$0xC100] =	vst v63  }
0x29: {  	s10 =	simm.s32 $0x900;
	v3 =	vadd.s32 v1, v3  }
0x2a: {  	[hbm4b:s4+s2] =	stream.indirect_vreg.scatter [tilespmem:s10], [sflag:$0x1], $0x80, v4, vm0, $0xb8;
	[tilespmem:$0xC100] =	vst v63  }
0x2b: {  	s11 =	simm.s32 $0x1100  }
0x2c: {  	[hbm4b:s5+s2] =	stream.indirect_vreg.scatter [tilespmem:s11], [sflag:$0x1], $0x80, v4, vm0, $0xb8;
	[tilespmem:$0xC100] =	vst v63  }
0x2d: {  	_ = 	snop  }
0x2e: {  	[hbm4b:s3+s2] =	stream.indirect_vreg.scatter [tilespmem:s12], [sflag:$0x1], $0x80, v3, vm0, $0xb8;
	[tilespmem:$0xC100] =	vst v63  }
0x2f: {  	_ = 	snop  }
0x30: {  	[hbm4b:s4+s2] =	stream.indirect_vreg.scatter [tilespmem:s13], [sflag:$0x1], $0x80, v3, vm0, $0xb8;
	[tilespmem:$0xC100] =	vst v63  }
0x31: {  	_ = 	snop  }
0x32: {  	[hbm4b:s5+s2] =	stream.indirect_vreg.scatter [tilespmem:s14], [sflag:$0x1], $0x80, v3, vm0, $0xb8;
	[tilespmem:$0xC100] =	vst v63  }
0x33: {  	v3 =	vld [tilespmem:$0x10];
	_ =	sdelay $0x4  }
0x34: {  	v57 =	vshrl.u32 v3, $0x3  }
0x35: {  	v4 =	vmul.u32 $0x30, v57  }
0x36: {  	v3 =	vand.u32 $0x7, v3  }
0x37: {  	v3 =	vor.u32 v3, v4  }
0x38: {  	v4 =	vperm.xlane v3, v0;
	_ =	sdelay $0x1  }
0x39: {  	v4 =	vadd.s32 v1, v4;
	_ =	sdelay $0x3  }
0x3a: {  	v3 =	vperm.xlane v3, v2  }
0x3b: {  	[hbm4b:s3+s2] =	stream.indirect_vreg.scatter [tilespmem:s15], [sflag:$0x1], $0x80, v4, vm0, $0xb8;
	[tilespmem:$0xC100] =	vst v63  }
0x3c: {  	v3 =	vadd.s32 v1, v3  }
0x3d: {  	[hbm4b:s4+s2] =	stream.indirect_vreg.scatter [tilespmem:s16], [sflag:$0x1], $0x80, v4, vm0, $0xb8;
	[tilespmem:$0xC100] =	vst v63  }
0x3e: {  	_ = 	snop  }
0x3f: {  	[hbm4b:s5+s2] =	stream.indirect_vreg.scatter [tilespmem:s17], [sflag:$0x1], $0x80, v4, vm0, $0xb8;
	[tilespmem:$0xC100] =	vst v63  }
0x40: {  	_ = 	snop  }
0x41: {  	[hbm4b:s3+s2] =	stream.indirect_vreg.scatter [tilespmem:s18], [sflag:$0x1], $0x80, v3, vm0, $0xb8;
	[tilespmem:$0xC100] =	vst v63  }
0x42: {  	_ = 	snop  }
0x43: {  	[hbm4b:s4+s2] =	stream.indirect_vreg.scatter [tilespmem:s19], [sflag:$0x1], $0x80, v3, vm0, $0xb8;
	[tilespmem:$0xC100] =	vst v63  }
0x44: {  	_ = 	snop  }
0x45: {  	[hbm4b:s5+s2] =	stream.indirect_vreg.scatter [tilespmem:s20], [sflag:$0x1], $0x80, v3, vm0, $0xb8;
	[tilespmem:$0xC100] =	vst v63  }
0x46: {  	v3 =	vld [tilespmem:$0x20];
	_ =	sdelay $0x4  }
0x47: {  	v58 =	vshrl.u32 v3, $0x3  }
0x48: {  	v4 =	vmul.u32 $0x30, v58  }
0x49: {  	v3 =	vand.u32 $0x7, v3  }
0x4a: {  	v3 =	vor.u32 v3, v4  }
0x4b: {  	v4 =	vperm.xlane v3, v0;
	_ =	sdelay $0x1  }
0x4c: {  	v4 =	vadd.s32 v1, v4;
	_ =	sdelay $0x3  }
0x4d: {  	v3 =	vperm.xlane v3, v2  }
0x4e: {  	[hbm4b:s3+s2] =	stream.indirect_vreg.scatter [tilespmem:s21], [sflag:$0x1], $0x80, v4, vm0, $0xb8;
	[tilespmem:$0xC100] =	vst v63  }
0x4f: {  	v3 =	vadd.s32 v1, v3  }
0x50: {  	[hbm4b:s4+s2] =	stream.indirect_vreg.scatter [tilespmem:s22], [sflag:$0x1], $0x80, v4, vm0, $0xb8;
	[tilespmem:$0xC100] =	vst v63  }
0x51: {  	_ = 	snop  }
0x52: {  	[hbm4b:s5+s2] =	stream.indirect_vreg.scatter [tilespmem:s23], [sflag:$0x1], $0x80, v4, vm0, $0xb8;
	[tilespmem:$0xC100] =	vst v63  }
0x53: {  	_ = 	snop  }
0x54: {  	[hbm4b:s3+s2] =	stream.indirect_vreg.scatter [tilespmem:s24], [sflag:$0x1], $0x80, v3, vm0, $0xb8;
	[tilespmem:$0xC100] =	vst v63  }
0x55: {  	_ = 	snop  }
0x56: {  	[hbm4b:s4+s2] =	stream.indirect_vreg.scatter [tilespmem:s25], [sflag:$0x1], $0x80, v3, vm0, $0xb8;
	[tilespmem:$0xC100] =	vst v63  }
0x57: {  	_ = 	snop  }
0x58: {  	[hbm4b:s5+s2] =	stream.indirect_vreg.scatter [tilespmem:s26], [sflag:$0x1], $0x80, v3, vm0, $0xb8;
	[tilespmem:$0xC100] =	vst v63  }
0x59: {  	v3 =	vld [tilespmem:$0x30];
	_ =	sdelay $0x4  }
0x5a: {  	v59 =	vshrl.u32 v3, $0x3  }
0x5b: {  	v4 =	vmul.u32 $0x30, v59  }
0x5c: {  	v3 =	vand.u32 $0x7, v3  }
0x5d: {  	v3 =	vor.u32 v3, v4  }
0x5e: {  	v4 =	vperm.xlane v3, v0;
	_ =	sdelay $0x1  }
0x5f: {  	v4 =	vadd.s32 v1, v4;
	_ =	sdelay $0x3  }
0x60: {  	v3 =	vperm.xlane v3, v2  }
0x61: {  	[hbm4b:s3+s2] =	stream.indirect_vreg.scatter [tilespmem:s28], [sflag:$0x1], $0x80, v4, vm0, $0xb8;
	[tilespmem:$0xC100] =	vst v63  }
0x62: {  	v3 =	vadd.s32 v1, v3  }
0x63: {  	[hbm4b:s4+s2] =	stream.indirect_vreg.scatter [tilespmem:s29], [sflag:$0x1], $0x80, v4, vm0, $0xb8;
	[tilespmem:$0xC100] =	vst v63  }
0x64: {  	_ = 	snop  }
0x65: {  	[hbm4b:s5+s2] =	stream.indirect_vreg.scatter [tilespmem:s30], [sflag:$0x1], $0x80, v4, vm0, $0xb8;
	[tilespmem:$0xC100] =	vst v63  }
0x66: {  	_ = 	snop  }
0x67: {  	[hbm4b:s3+s2] =	stream.indirect_vreg.scatter [tilespmem:s31], [sflag:$0x1], $0x80, v3, vm0, $0xb8;
	[tilespmem:$0xC100] =	vst v63  }
0x68: {  	s0 =	simm.s32 $0xB100  }
0x69: {  	[hbm4b:s4+s2] =	stream.indirect_vreg.scatter [tilespmem:s0], [sflag:$0x1], $0x80, v3, vm0, $0xb8;
	[tilespmem:$0xC100] =	vst v63  }
0x6a: {  	_ = 	snop  }
0x6b: {  	[hbm4b:s5+s2] =	stream.indirect_vreg.scatter [tilespmem:s8], [sflag:$0x1], $0x80, v3, vm0, $0xb8;
	[tilespmem:$0xC100] =	vst v63  }
0x6c: {  	v3 =	vld [tilespmem:$0x80];
	_ =	sdelay $0x4  }
0x6d: {  	v60 =	vshrl.u32 v3, $0x3  }
0x6e: {  	v4 =	vmul.u32 $0x30, v60  }
0x6f: {  	v3 =	vand.u32 $0x7, v3  }
0x70: {  	v3 =	vor.u32 v3, v4  }
0x71: {  	v4 =	vperm.xlane v3, v0;
	_ =	sdelay $0x1  }
0x72: {  	v4 =	vadd.s32 v1, v4;
	_ =	sdelay $0x3  }
0x73: {  	v3 =	vperm.xlane v3, v2  }
0x74: {  	[hbm4b:s3+s2] =	stream.indirect_vreg.scatter [tilespmem:s1], [sflag:$0x2], $0x80, v4, vm0, $0xb8;
	[tilespmem:$0xC100] =	vst v63  }
0x75: {  	v3 =	vadd.s32 v1, v3  }
0x76: {  	[hbm4b:s4+s2] =	stream.indirect_vreg.scatter [tilespmem:s10], [sflag:$0x2], $0x80, v4, vm0, $0xb8;
	[tilespmem:$0xC100] =	vst v63  }
0x77: {  	_ = 	snop  }
0x78: {  	[hbm4b:s5+s2] =	stream.indirect_vreg.scatter [tilespmem:s11], [sflag:$0x2], $0x80, v4, vm0, $0xb8;
	[tilespmem:$0xC100] =	vst v63  }
0x79: {  	_ = 	snop  }
0x7a: {  	[hbm4b:s3+s2] =	stream.indirect_vreg.scatter [tilespmem:s12], [sflag:$0x2], $0x80, v3, vm0, $0xb8;
	[tilespmem:$0xC100] =	vst v63  }
0x7b: {  	_ = 	snop  }
0x7c: {  	[hbm4b:s4+s2] =	stream.indirect_vreg.scatter [tilespmem:s13], [sflag:$0x2], $0x80, v3, vm0, $0xb8;
	[tilespmem:$0xC100] =	vst v63  }
0x7d: {  	_ = 	snop  }
0x7e: {  	[hbm4b:s5+s2] =	stream.indirect_vreg.scatter [tilespmem:s14], [sflag:$0x2], $0x80, v3, vm0, $0xb8;
	[tilespmem:$0xC100] =	vst v63  }
0x7f: {  	v3 =	vld [tilespmem:$0x90];
	_ =	sdelay $0x4  }
0x80: {  	v61 =	vshrl.u32 v3, $0x3  }
0x81: {  	v4 =	vmul.u32 $0x30, v61  }
0x82: {  	v3 =	vand.u32 $0x7, v3  }
0x83: {  	v3 =	vor.u32 v3, v4  }
0x84: {  	v4 =	vperm.xlane v3, v0;
	_ =	sdelay $0x1  }
0x85: {  	v4 =	vadd.s32 v1, v4;
	_ =	sdelay $0x3  }
0x86: {  	v3 =	vperm.xlane v3, v2  }
0x87: {  	[hbm4b:s3+s2] =	stream.indirect_vreg.scatter [tilespmem:s15], [sflag:$0x2], $0x80, v4, vm0, $0xb8;
	[tilespmem:$0xC100] =	vst v63  }
0x88: {  	v3 =	vadd.s32 v1, v3  }
0x89: {  	[hbm4b:s4+s2] =	stream.indirect_vreg.scatter [tilespmem:s16], [sflag:$0x2], $0x80, v4, vm0, $0xb8;
	[tilespmem:$0xC100] =	vst v63  }
0x8a: {  	_ = 	snop  }
0x8b: {  	[hbm4b:s5+s2] =	stream.indirect_vreg.scatter [tilespmem:s17], [sflag:$0x2], $0x80, v4, vm0, $0xb8;
	[tilespmem:$0xC100] =	vst v63  }
0x8c: {  	_ = 	snop  }
0x8d: {  	[hbm4b:s3+s2] =	stream.indirect_vreg.scatter [tilespmem:s18], [sflag:$0x2], $0x80, v3, vm0, $0xb8;
	[tilespmem:$0xC100] =	vst v63  }
0x8e: {  	_ = 	snop  }
0x8f: {  	[hbm4b:s4+s2] =	stream.indirect_vreg.scatter [tilespmem:s19], [sflag:$0x2], $0x80, v3, vm0, $0xb8;
	[tilespmem:$0xC100] =	vst v63  }
0x90: {  	_ = 	snop  }
0x91: {  	[hbm4b:s5+s2] =	stream.indirect_vreg.scatter [tilespmem:s20], [sflag:$0x2], $0x80, v3, vm0, $0xb8;
	[tilespmem:$0xC100] =	vst v63  }
0x92: {  	v3 =	vld [tilespmem:$0xA0];
	_ =	sdelay $0x4  }
0x93: {  	v62 =	vshrl.u32 v3, $0x3  }
0x94: {  	v4 =	vmul.u32 $0x30, v62  }
0x95: {  	v3 =	vand.u32 $0x7, v3  }
0x96: {  	v3 =	vor.u32 v3, v4  }
0x97: {  	v4 =	vperm.xlane v3, v0;
	_ =	sdelay $0x1  }
0x98: {  	v4 =	vadd.s32 v1, v4;
	_ =	sdelay $0x3  }
0x99: {  	v3 =	vperm.xlane v3, v2  }
0x9a: {  	[hbm4b:s3+s2] =	stream.indirect_vreg.scatter [tilespmem:s21], [sflag:$0x2], $0x80, v4, vm0, $0xb8;
	[tilespmem:$0xC100] =	vst v63  }
0x9b: {  	v3 =	vadd.s32 v1, v3  }
0x9c: {  	[hbm4b:s4+s2] =	stream.indirect_vreg.scatter [tilespmem:s22], [sflag:$0x2], $0x80, v4, vm0, $0xb8;
	[tilespmem:$0xC100] =	vst v63  }
0x9d: {  	_ = 	snop  }
0x9e: {  	[hbm4b:s5+s2] =	stream.indirect_vreg.scatter [tilespmem:s23], [sflag:$0x2], $0x80, v4, vm0, $0xb8;
	[tilespmem:$0xC100] =	vst v63  }
0x9f: {  	_ = 	snop  }
0xa0: {  	[hbm4b:s3+s2] =	stream.indirect_vreg.scatter [tilespmem:s24], [sflag:$0x2], $0x80, v3, vm0, $0xb8;
	[tilespmem:$0xC100] =	vst v63  }
0xa1: {  	_ = 	snop  }
0xa2: {  	[hbm4b:s4+s2] =	stream.indirect_vreg.scatter [tilespmem:s25], [sflag:$0x2], $0x80, v3, vm0, $0xb8;
	[tilespmem:$0xC100] =	vst v63  }
0xa3: {  	_ = 	snop  }
0xa4: {  	[hbm4b:s5+s2] =	stream.indirect_vreg.scatter [tilespmem:s26], [sflag:$0x2], $0x80, v3, vm0, $0xb8;
	[tilespmem:$0xC100] =	vst v63  }
0xa5: {  	v3 =	vld [tilespmem:$0xB0];
	_ =	sdelay $0x4  }
0xa6: {  	v63 =	vshrl.u32 v3, $0x3  }
0xa7: {  	v4 =	vmul.u32 $0x30, v63  }
0xa8: {  	v3 =	vand.u32 $0x7, v3  }
0xa9: {  	v3 =	vor.u32 v3, v4  }
0xaa: {  	v4 =	vperm.xlane v3, v0;
	_ =	sdelay $0x1  }
0xab: {  	v4 =	vadd.s32 v1, v4;
	_ =	sdelay $0x3  }
0xac: {  	v3 =	vperm.xlane v3, v2  }
0xad: {  	[hbm4b:s3+s2] =	stream.indirect_vreg.scatter [tilespmem:s28], [sflag:$0x2], $0x80, v4, vm0, $0xb8;
	[tilespmem:$0xC100] =	vst v63  }
0xae: {  	v3 =	vadd.s32 v1, v3  }
0xaf: {  	[hbm4b:s4+s2] =	stream.indirect_vreg.scatter [tilespmem:s29], [sflag:$0x2], $0x80, v4, vm0, $0xb8;
	[tilespmem:$0xC100] =	vst v63  }
0xb0: {  	_ = 	snop  }
0xb1: {  	[hbm4b:s5+s2] =	stream.indirect_vreg.scatter [tilespmem:s30], [sflag:$0x2], $0x80, v4, vm0, $0xb8;
	[tilespmem:$0xC100] =	vst v63  }
0xb2: {  	_ = 	snop  }
0xb3: {  	[hbm4b:s3+s2] =	stream.indirect_vreg.scatter [tilespmem:s31], [sflag:$0x2], $0x80, v3, vm0, $0xb8;
	[tilespmem:$0xC100] =	vst v63  }
0xb4: {  	_ = 	snop  }
0xb5: {  	[hbm4b:s4+s2] =	stream.indirect_vreg.scatter [tilespmem:s0], [sflag:$0x2], $0x80, v3, vm0, $0xb8;
	[tilespmem:$0xC100] =	vst v63  }
0xb6: {  	s11 =	simm.s32 $0x1  }
0xb7: {  	[hbm4b:s5+s2] =	stream.indirect_vreg.scatter [tilespmem:s8], [sflag:$0x2], $0x80, v3, vm0, $0xb8;
	[tilespmem:$0xC100] =	vst v63  }
0xb8: {  	p0 =	sne.s32 s6, $0x1;
	_ =	swait.ge [sflag:s11], $0xC000  }
.Ltmp0:
0xb9: {  	[sflag:s11] =	ssyncset.done $0x0;
	(pc) =	sbr.rel @p0 .LBB2_1-.Ltmp0, $4  }
0xba: {  	[sflag:s11] =	ssyncadd.s32 $0xFFFF4000  }
0xbb: {  	_ =	swait.ge [sflag:s9], $0xC000  }
0xbc: {  	[sflag:s9] =	ssyncset.done $0x0  }
0xbd: {  	s6 =	sadd.s32 $0xFFFFFFFF, s6;
	[sflag:s9] =	ssyncadd.s32 $0xFFFF4000  }
0xbe: {  	_ =	sfence.sel $0x180000  }
0xbf: {  	[bflag:$0x0] =	sbarrier.arrive $0xFFFF  }
0xc0: {  	_ =	strace $0x90000047  }
0xc1: {  	s0 =	stileid.u32;
	[bflag:$0x2] =	sbarrier.arrive $0xFFFF  }
0xc2: {  	p0 =	sne.s32 s0, $0x0;
	s0 =	rddreg [dreg:$0x2]  }
0xc3: {  	s0 =	sadd.s32 @!p0 $0x100000, s0  }
0xc4: {  	[sflag:s0] =	ssyncadd.tile.s32 @!p0 $0x1;
	_ =	shalt  }
.Lfunc_end2:
_tile_overlayer_lowered:
.L_overlay_start_2:
0xc5: {  	(tag) =	ssettag $0x2  }
0xc6: {  	s0 =	rddreg [dreg:$0x0];
	s2 =	stileid.u32  }
0xc7: {  	s1 =	rddreg [dreg:$0x1];
	p0 =	sne.s32 s2, $0x0  }
0xc8: {  	s3 =	rddreg [dreg:$0x2];
	[bflag:$0x3] =	sbarrier.arrive $0xFFFF;
	s2 =	simm.s32 @!p0 $0x1C03  }
0xc9: {  	[timem:s3], [sflag:s2] =	dma.local @!p0 [hbm:s0], s1  }
0xca: {  	s0 =	simm.s32 @!p0 $0x3  }
0xcb: {  	_ =	swait.ge @!p0 [sflag:s0], s1  }
0xcc: {  	s1 =	ssub.s32 @!p0 $0x0, s1;
	[sflag:s0] =	ssyncset.done @!p0 $0x0  }
0xcd: {  	[sflag:s0] =	ssyncadd.s32 @!p0 s1  }
0xce: {  	[bflag:$0x3] =	sbarrier.arrive $0xFFFF  }
0xcf: {  	_ =	shalt  }

// kernel: kernel.9.cloned.1.call-start
scs
__scs_entry_jumppad:
0x0: {  	(pc) =	sbr.rel $0x88, $3  }
0x1: {  	(tag) =	ssettag $0x0;
	lr =	simm.s32 $0x1  }
0x2: {  	[smem:$0x3F98] =	sst lr;
	_ =	strace $0xD0000000  }
0x3: {  	_ = 	snop  }
0x4: {  	_ = 	snop  }
0x5: {  	_ = 	snop  }
0x6: {  	_ = 	snop  }
0x7: {  	_ = 	snop  }
__scs_overlays_trampoline_lowered:
0x8: {  	[smem:$0x3FA7] =	sst s0  }
0x9: {  	[smem:$0x3FA8] =	sst s1  }
0xa: {  	[smem:$0x3FA9] =	sst s2  }
0xb: {  	[smem:$0x3FAA] =	sst s3  }
0xc: {  	[smem:$0x3FAB] =	sst s4  }
0xd: {  	[smem:$0x3FAC] =	sst s5  }
0xe: {  	[smem:$0x3FAD] =	sst s6  }
0xf: {  	[smem:$0x3FAE] =	sst s7  }
0x10: {  	[smem:$0x3FAF] =	sst s8  }
0x11: {  	[smem:$0x3FB0] =	sst s9;
	s0 =	simm.s32 @!p0 $0x0  }
0x12: {  	s1 =	sld [smem:$0x3F96];
	s0 =	simm.s32 @p0 $0x1  }
0x13: {  	[smem:$0x3FB1] =	sst s0;
	s0 =	simm.s32 @!p1 $0x0  }
0x14: {  	s2 =	sld [smem:$0x3F95];
	s0 =	simm.s32 @p1 $0x1  }
0x15: {  	[smem:$0x3FB2] =	sst s0;
	s0 =	simm.s32 @!p2 $0x0  }
0x16: {  	s3 =	sld [smem:$0x3FDB];
	s0 =	simm.s32 @p2 $0x1  }
0x17: {  	s4 =	simm.s32 $0x1BF5;
	[smem:$0x3FB4] =	sst s0  }
0x18: {  	s0 =	sld [smem:$0x3F97];
	_ =	swait.ge [sflag:s4], $0x0  }
0x19: {  	s7 =	sld [smem:$0x3F98]  }
0x1a: {  	s8 =	sadd.s32 $0xFFFFE003, lr  }
0x1b: {  	s9 =	sadd.s32 $0xFFFFFEF7, lr;
	s5 =	simm.s32 $0xFFFFFFFF;
	p2 =	slt.u32 s8, $0xFFFFF086  }
0x1c: {  	p1 =	slt.u32 s9, $0xF7A;
	s5 =	simm.s32 @!p2 $0x0  }
0x1d: {  	s5 =	simm.s32 @p1 $0x1;
	p0 =	seq.s32 s7, s2  }
0x1e: {  	s7 =	smul.u32 @!p0 $0xF7A, s2;
	p2 =	seq.s32 @!p0 s5, $0x0  }
0x1f: {  	s9 =	smul.u32 $0xF7A, s1;
	s8 =	simm.s32 @!p0 $0x1BF5;
	p2 =	por !p2, p0  }
0x20: {  	[sflag:s8] =	ssyncset.s32 @!p0 $0xFFFFF086;
	s6 =	sadd.s32 @!p0 s3, s7;
	s7 =	simm.s32 @!p0 $0x108  }
0x21: {  	s3 =	sadd.s32 s3, s9;
	s6 =	sadd.s32 @!p0 $0x88, s6;
	s7 =	simm.s32 @p2 $0x1082  }
0x22: {  	[simem:s7], [sflag:s8] =	dma.local @!p0 [hbm:s6], $0xF7A  }
0x23: {  	s9 =	sor.u32 $0xD0000000, s2;
	s6 =	simm.s32 $0x108;
	_ =	swait.ge @!p0 [sflag:s8], $0x0  }
0x24: {  	s3 =	sadd.s32 $0x88, s3;
	s6 =	simm.s32 @!p1 $0x1082;
	[sflag:s4] =	ssyncset.s32 $0xFFFFF086  }
0x25: {  	[simem:s6], [sflag:s4] =	dma.local [hbm:s3], $0xF7A  }
0x26: {  	[smem:$0x3F98] =	sst s1;
	(tag) =	ssettag s2;
	_ =	strace s9  }
0x27: {  	s1 =	sld [smem:$0x3FA8]  }
0x28: {  	s2 =	sld [smem:$0x3FA9]  }
0x29: {  	s4 =	sld [smem:$0x3FAB]  }
0x2a: {  	p0 =	seq.s32 s5, $0x0;
	s5 =	sld [smem:$0x3FAC]  }
0x2b: {  	s6 =	sld [smem:$0x3FAD]  }
0x2c: {  	s7 =	sld [smem:$0x3FAE]  }
0x2d: {  	s3 =	simm.s32 $0x108;
	s8 =	sld [smem:$0x3FAF]  }
0x2e: {  	s3 =	simm.s32 @!p0 $0x1082;
	s9 =	sld [smem:$0x3FB0]  }
0x2f: {  	lr =	sadd.s32 s0, s3;
	s0 =	sld [smem:$0x3FA7]  }
0x30: {  	s3 =	sld [smem:$0x3FAA]  }
0x31: {  	[smem:$0x3FB3] =	sst s10  }
0x32: {  	s10 =	sld [smem:$0x3FB1];
	_ =	sdelay $0x3  }
0x33: {  	p0 =	seq.s32 s10, $0x1;
	s10 =	sld [smem:$0x3FB3];
	_ =	sdelay $0x3  }
0x34: {  	[smem:$0x3FB3] =	sst s10  }
0x35: {  	s10 =	sld [smem:$0x3FB2];
	_ =	sdelay $0x3  }
0x36: {  	p1 =	seq.s32 s10, $0x1;
	s10 =	sld [smem:$0x3FB3];
	_ =	sdelay $0x3  }
0x37: {  	[smem:$0x3FB3] =	sst s10  }
0x38: {  	s10 =	sld [smem:$0x3FB4]  }
0x39: {  	_ = 	snop;
	(pc) =	sbr.ind lr, $3  }
0x3a: {  	_ = 	snop  }
0x3b: {  	_ = 	snop  }
0x3c: {  	p2 =	seq.s32 s10, $0x1;
	s10 =	sld [smem:$0x3FB3]  }
0x3d: {  	_ =	shalt  }
0x3e: {  	_ =	shalt  }
0x3f: {  	_ =	shalt  }
0x40: {  	_ =	shalt  }
0x41: {  	_ =	shalt  }
0x42: {  	_ =	shalt  }
0x43: {  	_ =	shalt  }
0x44: {  	_ =	shalt  }
0x45: {  	_ =	shalt  }
0x46: {  	_ =	shalt  }
0x47: {  	_ =	shalt  }
0x48: {  	_ =	shalt  }
0x49: {  	_ =	shalt  }
0x4a: {  	_ =	shalt  }
0x4b: {  	_ =	shalt  }
0x4c: {  	_ =	shalt  }
0x4d: {  	_ =	shalt  }
0x4e: {  	_ =	shalt  }
0x4f: {  	_ =	shalt  }
0x50: {  	_ =	shalt  }
0x51: {  	_ =	shalt  }
0x52: {  	_ =	shalt  }
0x53: {  	_ =	shalt  }
0x54: {  	_ =	shalt  }
0x55: {  	_ =	shalt  }
0x56: {  	_ =	shalt  }
0x57: {  	_ =	shalt  }
0x58: {  	_ =	shalt  }
0x59: {  	_ =	shalt  }
0x5a: {  	_ =	shalt  }
0x5b: {  	_ =	shalt  }
0x5c: {  	_ =	shalt  }
0x5d: {  	_ =	shalt  }
0x5e: {  	_ =	shalt  }
0x5f: {  	_ =	shalt  }
0x60: {  	_ =	shalt  }
0x61: {  	_ =	shalt  }
0x62: {  	_ =	shalt  }
0x63: {  	_ =	shalt  }
0x64: {  	_ =	shalt  }
0x65: {  	_ =	shalt  }
0x66: {  	_ =	shalt  }
0x67: {  	_ =	shalt  }
0x68: {  	_ =	shalt  }
0x69: {  	_ =	shalt  }
0x6a: {  	_ =	shalt  }
0x6b: {  	_ =	shalt  }
0x6c: {  	_ =	shalt  }
0x6d: {  	_ =	shalt  }
0x6e: {  	_ =	shalt  }
0x6f: {  	_ =	shalt  }
0x70: {  	_ =	shalt  }
0x71: {  	_ =	shalt  }
0x72: {  	_ =	shalt  }
0x73: {  	_ =	shalt  }
0x74: {  	_ =	shalt  }
0x75: {  	_ =	shalt  }
0x76: {  	_ =	shalt  }
0x77: {  	_ =	shalt  }
0x78: {  	_ =	shalt  }
0x79: {  	_ =	shalt  }
0x7a: {  	_ =	shalt  }
0x7b: {  	_ =	shalt  }
0x7c: {  	_ =	shalt  }
0x7d: {  	_ =	shalt  }
0x7e: {  	_ =	shalt  }
0x7f: {  	_ =	shalt  }
0x80: {  	_ =	shalt  }
0x81: {  	_ =	shalt  }
0x82: {  	_ =	shalt  }
0x83: {  	_ =	shalt  }
0x84: {  	_ =	shalt  }
0x85: {  	_ =	shalt  }
0x86: {  	_ =	shalt  }
0x87: {  	_ =	shalt  }
.Lfunc_end0:
.L_simem_size_0:
called_computation.1_lowered:
.L_overlay_start_0:
0x88: {  	s2 =	sld [smem:$0x3FD9]  }
0x89: {  	s3 =	sld [smem:$0x3FFE];
	_ =	sdelay $0x1  }
0x8a: {  	s1 =	srdreg.scid  }
0x8b: {  	s0 =	sand.u32 $0x1, s1  }
0x8c: {  	s17 =	sshll.u32 s0, $0xA;
	s2 =	sadd.s32 s3, s2  }
0x8d: {  	s2 =	sadd.s32 s2, s17  }
0x8e: {  	[smem:$0x3FBF] =	sst s2  }
0x8f: {  	_ = 	snop  }
0x90: {  	s2 =	sld [smem:$0x3FD0];
	(tm) =	ssettm $0x1  }
0x91: {  	s18 =	sld [smem:$0x3FFB];
	_ =	sdelay $0x3  }
0x92: {  	_ =	strace s18  }
0x93: {  	s3 =	sld [smem:$0x3FFC];
	_ =	sdelay $0x3  }
0x94: {  	_ =	strace s3  }
0x95: {  	s3 =	sld [smem:$0x3FFD];
	_ =	sdelay $0x3  }
0x96: {  	_ =	strace s3  }
0x97: {  	_ =	strace $0x8FFFFFFF  }
0x98: {  	s19 =	sld [smem:$0x3FDB];
	_ =	sdelay $0x1  }
0x99: {  	s4 =	simm.s32 $_scs_section_size  }
0x9a: {  	s5 =	simm.s32 $_size__tile_overlayer_lowered;
	s6 =	simm.s32 $_tile_overlayer_lowered  }
0x9b: {  	s22 =	simm.s32 $0x1BFF;
	s21 =	sshll.u32 s6, $0x1;
	s3 =	sadd.s32 s4, s19  }
0x9c: {  	s7 =	simm.s32 $0x0;
	s20 =	sshll.u32 s5, $0x1;
	s5 =	sadd.s32 s21, s3  }
0x9d: {  	[timem:s7], [sflag:s22] =	dma.local [hbm:s5], s20  }
0x9e: {  	_ =	swait.ge [sflag:s22], s20  }
0x9f: {  	s4 =	ssub.s32 $0x0, s20;
	[sflag:s22] =	ssyncset.done $0x0  }
0xa0: {  	[sflag:s22] =	ssyncadd.s32 s4;
	_ =	sdelay $0x1  }
0xa1: {  	s23 =	simm.s32 $0x1B8B  }
0xa2: {  	_ =	swait.ge [sflag:s23], $0x1  }
0xa3: {  	[sflag:s23] =	ssyncset.done $0x0  }
0xa4: {  	s25 =	simm.s32 $0x1B8E;
	s24 =	sld [smem:$0x3FFE];
	[sflag:s23] =	ssyncadd.s32 $0xFFFFFFFF  }
0xa5: {  	s26 =	simm.s32 $execute0_lowered;
	[smem:$0x3FD2] =	sst s25  }
0xa6: {  	s5 =	sshll.u32 s26, $0x1;
	_ =	strace $0x80000049;
	[dreg:$0x1] =	wrdreg $0xFFFFFFFF  }
0xa7: {  	s28 =	simm.s32 $_size_execute0_lowered;
	s3 =	sadd.s32 s3, s5;
	[dreg:$0x0] =	wrdreg $0x0  }
0xa8: {  	s5 =	sshll.u32 s28, $0x1;
	[dreg:$0x2] =	wrdreg s3  }
0xa9: {  	[dreg:$0x3] =	wrdreg s5  }
0xaa: {  	[dreg:$0x4] =	wrdreg $0xC0  }
0xab: {  	_ =	task [dreg:s7], $0x5FFFF  }
0xac: {  	[dreg:$0x1] =	wrdreg $0xFFFFFFFF  }
0xad: {  	[dreg:$0x0] =	wrdreg $0x60  }
0xae: {  	[dreg:$0x2] =	wrdreg s24  }
0xaf: {  	[dreg:$0x3] =	wrdreg s2  }
0xb0: {  	[dreg:$0x4] =	wrdreg $0x9  }
0xb1: {  	_ =	task.clear_ibuf [dreg:s7], $0x5FFFF;
	_ =	strace $0x90000049  }
0xb2: {  	s29 =	simm.s32 $0x9;
	_ =	strace $0x8000004B  }
0xb3: {  	_ =	swait.ge [sflag:s29], $0x1  }
0xb4: {  	[sflag:s29] =	ssyncadd.s32 $0xFFFFFFFF  }
0xb5: {  	_ =	strace $0x9000004B  }
0xb6: {  	_ =	sfence  }
0xb7: {  	s30 =	sld [smem:$0x0];
	_ =	sdelay $0x2  }
0xb8: {  	s31 =	sshll.u32 s1, $0xD;
	s1 =	sshrl.u32 s1, $0x2  }
0xb9: {  	s3 =	sand.u32 $0x4000, s31;
	s1 =	sadd.s32 s1, s30  }
0xba: {  	s0 =	sor.u32 s3, s0;
	s1 =	sshll.u32 s1, $0x11  }
0xbb: {  	s0 =	sor.u32 s1, s0  }
0xbc: {  	s0 =	sadd.s32 $0x8F2B, s0  }
0xbd: {  	[sflag:s0] =	ssyncadd.remote.s32 $0x1  }
0xbe: {  	_ =	sfence.sel $0xFFFF  }
0xbf: {  	[dreg:$0x0] =	wrdreg $0xFFFFFFFF;
	(pc) =	sbr.abs _section_cstart, $3  }
0xc0: {  	[dreg:$0x1] =	wrdreg $0xFFFFFFFF  }
0xc1: {  	_ =	task.clear_ibuf [dreg:s7], $0x2FFFF;
	_ =	strace $0x9FFFFFFF  }
0xc2: {  	(tm) =	ssettm $0x7FFFFFFF  }
0xc3: {  	_ =	shalt  }
tec
execute0_lowered:
.L_overlay_start_1:
0x0: {  	(tag) =	ssettag $0x1  }
0x1: {  	s0 =	rddreg [dreg:$0x0]  }
0x2: {  	s1 =	rddreg [dreg:$0x1];
	s3 =	srdreg.scid;
	s2 =	simm.s32 $0x0  }
0x3: {  	s4 =	stileid.u32;
	s10 =	simm.s32 $0x2;
	s12 =	simm.s32 $0x100  }
0x4: {  	s11 =	simm.s32 $0x15100;
	s13 =	simm.s32 $0x15900;
	s14 =	simm.s32 $0x16100  }
0x5: {  	s15 =	simm.s32 $0x16900;
	s16 =	simm.s32 $0x17100;
	s17 =	simm.s32 $0x17900  }
0x6: {  	s18 =	simm.s32 $0x1;
	s19 =	simm.s32 $0x0;
	s3 =	sand.u32 $0x1, s3  }
0x7: {  	[smem:$0x7FF] =	sst s2;
	s4 =	sshll.u32 s4, $0x4;
	s5 =	sshll.u32 s3, $0x3  }
0x8: {  	_ =	strace $0x8000004A;
	s31 =	ssub.s32 $0x2, s3;
	s5 =	sor.u32 s5, s4  }
0x9: {  	s3 =	sadd.s32 $0x2200, s0;
	s7 =	sshrl.u32 s31, $0x1;
	s6 =	sadd.s32 s5, s0  }
0xa: {  	v2 =	vlaneseq.u32;
	s9 =	ssub.s32 s31, s7;
	s8 =	smul.u32 $0x300, s5;
	s7 =	sadd.s32 $0x2400, s0  }
0xb: {  	vm0 =	vmmov $0xffff;
	v1 =	vshrl.u32 v2, $0x3;
	s4 =	sadd.s32 $0x1E00, s6;
	s5 =	sadd.s32 $0x2000, s6;
	s6 =	sadd.s32 $0x2300, s0  }
0xc: {  	v0 =	vand.u32 $0x7, v2;
	v2 =	vor.u32 $0x8, v2;
	v1 =	vmul.u32 $0x8, v1;
	s9 =	smax.u32 s9, $0x1;
	s8 =	sadd.s32 s1, s8;
	s1 =	simm.s32 $0x14900  }
.LBB2_1:
0xd: {  	[tilespmem:s2], [sflag:$0x2] =	stream.linear.gather [hbm4b:s4+s2], $0x40, $0x38;
	[tilespmem:$0x18100] =	vst v63  }
0xe: {  	_ =	swait.ge [sflag:s10], $0x40  }
0xf: {  	[sflag:s10] =	ssyncset.done $0x0  }
0x10: {  	s0 =	simm.s32 $0x80;
	[sflag:s10] =	ssyncadd.s32 $0xFFFFFFC0  }
0x11: {  	[tilespmem:s0], [sflag:$0x2] =	stream.linear.gather [hbm4b:s5+s2], $0x40, $0x38;
	[tilespmem:$0x18100] =	vst v63  }
0x12: {  	_ =	swait.ge [sflag:s10], $0x40  }
0x13: {  	[sflag:s10] =	ssyncset.done $0x0  }
0x14: {  	[sflag:s10] =	ssyncadd.s32 $0xFFFFFFC0  }
0x15: {  	v3 =	vld [tilespmem:$0x0];
	_ =	sdelay $0x4  }
0x16: {  	v4 =	vshrl.u32 v3, $0x3  }
0x17: {  	v4 =	vmul.u32 $0x30, v4  }
0x18: {  	v3 =	vand.u32 $0x7, v3  }
0x19: {  	v3 =	vor.u32 v3, v4  }
0x1a: {  	v4 =	vperm.xlane v3, v0;
	_ =	sdelay $0x1  }
0x1b: {  	v4 =	vadd.s32 v1, v4;
	_ =	sdelay $0x3  }
0x1c: {  	v3 =	vperm.xlane v3, v2  }
0x1d: {  	[tilespmem:s12], [sflag:$0x1] =	stream.indirect_vreg.gather [hbm4b:s3+s2], $0x80, v4, vm0, $0xb8;
	[tilespmem:$0x18100] =	vst v63  }
0x1e: {  	s21 =	simm.s32 $0x900;
	v3 =	vadd.s32 v1, v3  }
0x1f: {  	[tilespmem:s21], [sflag:$0x1] =	stream.indirect_vreg.gather [hbm4b:s6+s2], $0x80, v4, vm0, $0xb8;
	[tilespmem:$0x18100] =	vst v63  }
0x20: {  	s22 =	simm.s32 $0x1100  }
0x21: {  	[tilespmem:s22], [sflag:$0x1] =	stream.indirect_vreg.gather [hbm4b:s7+s2], $0x80, v4, vm0, $0xb8;
	[tilespmem:$0x18100] =	vst v63  }
0x22: {  	s23 =	simm.s32 $0x1900  }
0x23: {  	[tilespmem:s23], [sflag:$0x1] =	stream.indirect_vreg.gather [hbm4b:s3+s2], $0x80, v3, vm0, $0xb8;
	[tilespmem:$0x18100] =	vst v63  }
0x24: {  	s24 =	simm.s32 $0x2100  }
0x25: {  	[tilespmem:s24], [sflag:$0x1] =	stream.indirect_vreg.gather [hbm4b:s6+s2], $0x80, v3, vm0, $0xb8;
	[tilespmem:$0x18100] =	vst v63  }
0x26: {  	s25 =	simm.s32 $0x2900  }
0x27: {  	[tilespmem:s25], [sflag:$0x1] =	stream.indirect_vreg.gather [hbm4b:s7+s2], $0x80, v3, vm0, $0xb8;
	[tilespmem:$0x18100] =	vst v63  }
0x28: {  	v3 =	vld [tilespmem:$0x10];
	_ =	sdelay $0x4  }
0x29: {  	v4 =	vshrl.u32 v3, $0x3  }
0x2a: {  	v4 =	vmul.u32 $0x30, v4  }
0x2b: {  	v3 =	vand.u32 $0x7, v3  }
0x2c: {  	v3 =	vor.u32 v3, v4  }
0x2d: {  	v4 =	vperm.xlane v3, v0;
	_ =	sdelay $0x1  }
0x2e: {  	v4 =	vadd.s32 v1, v4;
	_ =	sdelay $0x3  }
0x2f: {  	s26 =	simm.s32 $0x3100;
	v3 =	vperm.xlane v3, v2  }
0x30: {  	[tilespmem:s26], [sflag:$0x1] =	stream.indirect_vreg.gather [hbm4b:s3+s2], $0x80, v4, vm0, $0xb8;
	[tilespmem:$0x18100] =	vst v63  }
0x31: {  	s28 =	simm.s32 $0x3900;
	v3 =	vadd.s32 v1, v3  }
0x32: {  	[tilespmem:s28], [sflag:$0x1] =	stream.indirect_vreg.gather [hbm4b:s6+s2], $0x80, v4, vm0, $0xb8;
	[tilespmem:$0x18100] =	vst v63  }
0x33: {  	s29 =	simm.s32 $0x4100  }
0x34: {  	[tilespmem:s29], [sflag:$0x1] =	stream.indirect_vreg.gather [hbm4b:s7+s2], $0x80, v4, vm0, $0xb8;
	[tilespmem:$0x18100] =	vst v63  }
0x35: {  	s30 =	simm.s32 $0x4900  }
0x36: {  	[tilespmem:s30], [sflag:$0x1] =	stream.indirect_vreg.gather [hbm4b:s3+s2], $0x80, v3, vm0, $0xb8;
	[tilespmem:$0x18100] =	vst v63  }
0x37: {  	s31 =	simm.s32 $0x5100  }
0x38: {  	[tilespmem:s31], [sflag:$0x1] =	stream.indirect_vreg.gather [hbm4b:s6+s2], $0x80, v3, vm0, $0xb8;
	[tilespmem:$0x18100] =	vst v63  }
0x39: {  	s20 =	simm.s32 $0x5900  }
0x3a: {  	[tilespmem:s20], [sflag:$0x1] =	stream.indirect_vreg.gather [hbm4b:s7+s2], $0x80, v3, vm0, $0xb8;
	[tilespmem:$0x18100] =	vst v63  }
0x3b: {  	v3 =	vld [tilespmem:$0x20];
	_ =	sdelay $0x4  }
0x3c: {  	v4 =	vshrl.u32 v3, $0x3  }
0x3d: {  	v4 =	vmul.u32 $0x30, v4  }
0x3e: {  	v3 =	vand.u32 $0x7, v3  }
0x3f: {  	v3 =	vor.u32 v3, v4  }
0x40: {  	v4 =	vperm.xlane v3, v0;
	_ =	sdelay $0x1  }
0x41: {  	v4 =	vadd.s32 v1, v4;
	_ =	sdelay $0x3  }
0x42: {  	s21 =	simm.s32 $0x6100;
	v3 =	vperm.xlane v3, v2  }
0x43: {  	[tilespmem:s21], [sflag:$0x1] =	stream.indirect_vreg.gather [hbm4b:s3+s2], $0x80, v4, vm0, $0xb8;
	[tilespmem:$0x18100] =	vst v63  }
0x44: {  	s22 =	simm.s32 $0x6900;
	v3 =	vadd.s32 v1, v3  }
0x45: {  	[tilespmem:s22], [sflag:$0x1] =	stream.indirect_vreg.gather [hbm4b:s6+s2], $0x80, v4, vm0, $0xb8;
	[tilespmem:$0x18100] =	vst v63  }
0x46: {  	s23 =	simm.s32 $0x7100  }
0x47: {  	[tilespmem:s23], [sflag:$0x1] =	stream.indirect_vreg.gather [hbm4b:s7+s2], $0x80, v4, vm0, $0xb8;
	[tilespmem:$0x18100] =	vst v63  }
0x48: {  	s24 =	simm.s32 $0x7900  }
0x49: {  	[tilespmem:s24], [sflag:$0x1] =	stream.indirect_vreg.gather [hbm4b:s3+s2], $0x80, v3, vm0, $0xb8;
	[tilespmem:$0x18100] =	vst v63  }
0x4a: {  	s25 =	simm.s32 $0x8100  }
0x4b: {  	[tilespmem:s25], [sflag:$0x1] =	stream.indirect_vreg.gather [hbm4b:s6+s2], $0x80, v3, vm0, $0xb8;
	[tilespmem:$0x18100] =	vst v63  }
0x4c: {  	s26 =	simm.s32 $0x8900  }
0x4d: {  	[tilespmem:s26], [sflag:$0x1] =	stream.indirect_vreg.gather [hbm4b:s7+s2], $0x80, v3, vm0, $0xb8;
	[tilespmem:$0x18100] =	vst v63  }
0x4e: {  	v3 =	vld [tilespmem:$0x30];
	_ =	sdelay $0x4  }
0x4f: {  	v4 =	vshrl.u32 v3, $0x3  }
0x50: {  	v4 =	vmul.u32 $0x30, v4  }
0x51: {  	v3 =	vand.u32 $0x7, v3  }
0x52: {  	v3 =	vor.u32 v3, v4  }
0x53: {  	v4 =	vperm.xlane v3, v0;
	_ =	sdelay $0x1  }
0x54: {  	v4 =	vadd.s32 v1, v4;
	_ =	sdelay $0x3  }
0x55: {  	s28 =	simm.s32 $0x9100;
	v3 =	vperm.xlane v3, v2  }
0x56: {  	[tilespmem:s28], [sflag:$0x1] =	stream.indirect_vreg.gather [hbm4b:s3+s2], $0x80, v4, vm0, $0xb8;
	[tilespmem:$0x18100] =	vst v63  }
0x57: {  	s29 =	simm.s32 $0x9900;
	v3 =	vadd.s32 v1, v3  }
0x58: {  	[tilespmem:s29], [sflag:$0x1] =	stream.indirect_vreg.gather [hbm4b:s6+s2], $0x80, v4, vm0, $0xb8;
	[tilespmem:$0x18100] =	vst v63  }
0x59: {  	s30 =	simm.s32 $0xA100  }
0x5a: {  	[tilespmem:s30], [sflag:$0x1] =	stream.indirect_vreg.gather [hbm4b:s7+s2], $0x80, v4, vm0, $0xb8;
	[tilespmem:$0x18100] =	vst v63  }
0x5b: {  	s31 =	simm.s32 $0xA900  }
0x5c: {  	[tilespmem:s31], [sflag:$0x1] =	stream.indirect_vreg.gather [hbm4b:s3+s2], $0x80, v3, vm0, $0xb8;
	[tilespmem:$0x18100] =	vst v63  }
0x5d: {  	s20 =	simm.s32 $0xB100  }
0x5e: {  	[tilespmem:s20], [sflag:$0x1] =	stream.indirect_vreg.gather [hbm4b:s6+s2], $0x80, v3, vm0, $0xb8;
	[tilespmem:$0x18100] =	vst v63  }
0x5f: {  	s21 =	simm.s32 $0xB900  }
0x60: {  	[tilespmem:s21], [sflag:$0x1] =	stream.indirect_vreg.gather [hbm4b:s7+s2], $0x80, v3, vm0, $0xb8;
	[tilespmem:$0x18100] =	vst v63  }
0x61: {  	v3 =	vld [tilespmem:$0x80];
	_ =	sdelay $0x4  }
0x62: {  	v4 =	vshrl.u32 v3, $0x3  }
0x63: {  	v4 =	vmul.u32 $0x30, v4  }
0x64: {  	v3 =	vand.u32 $0x7, v3  }
0x65: {  	v3 =	vor.u32 v3, v4  }
0x66: {  	v4 =	vperm.xlane v3, v0;
	_ =	sdelay $0x1  }
0x67: {  	v4 =	vadd.s32 v1, v4;
	_ =	sdelay $0x3  }
0x68: {  	s22 =	simm.s32 $0xC100;
	v3 =	vperm.xlane v3, v2  }
0x69: {  	[tilespmem:s22], [sflag:$0x1] =	stream.indirect_vreg.gather [hbm4b:s3+s2], $0x80, v4, vm0, $0xb8;
	[tilespmem:$0x18100] =	vst v63  }
0x6a: {  	s23 =	simm.s32 $0xC900;
	v3 =	vadd.s32 v1, v3  }
0x6b: {  	[tilespmem:s23], [sflag:$0x1] =	stream.indirect_vreg.gather [hbm4b:s6+s2], $0x80, v4, vm0, $0xb8;
	[tilespmem:$0x18100] =	vst v63  }
0x6c: {  	s24 =	simm.s32 $0xD100  }
0x6d: {  	[tilespmem:s24], [sflag:$0x1] =	stream.indirect_vreg.gather [hbm4b:s7+s2], $0x80, v4, vm0, $0xb8;
	[tilespmem:$0x18100] =	vst v63  }
0x6e: {  	s25 =	simm.s32 $0xD900  }
0x6f: {  	[tilespmem:s25], [sflag:$0x1] =	stream.indirect_vreg.gather [hbm4b:s3+s2], $0x80, v3, vm0, $0xb8;
	[tilespmem:$0x18100] =	vst v63  }
0x70: {  	s26 =	simm.s32 $0xE100  }
0x71: {  	[tilespmem:s26], [sflag:$0x1] =	stream.indirect_vreg.gather [hbm4b:s6+s2], $0x80, v3, vm0, $0xb8;
	[tilespmem:$0x18100] =	vst v63  }
0x72: {  	s28 =	simm.s32 $0xE900  }
0x73: {  	[tilespmem:s28], [sflag:$0x1] =	stream.indirect_vreg.gather [hbm4b:s7+s2], $0x80, v3, vm0, $0xb8;
	[tilespmem:$0x18100] =	vst v63  }
0x74: {  	v3 =	vld [tilespmem:$0x90];
	_ =	sdelay $0x4  }
0x75: {  	v4 =	vshrl.u32 v3, $0x3  }
0x76: {  	v4 =	vmul.u32 $0x30, v4  }
0x77: {  	v3 =	vand.u32 $0x7, v3  }
0x78: {  	v3 =	vor.u32 v3, v4  }
0x79: {  	v4 =	vperm.xlane v3, v0;
	_ =	sdelay $0x1  }
0x7a: {  	v4 =	vadd.s32 v1, v4;
	_ =	sdelay $0x3  }
0x7b: {  	s29 =	simm.s32 $0xF100;
	v3 =	vperm.xlane v3, v2  }
0x7c: {  	[tilespmem:s29], [sflag:$0x1] =	stream.indirect_vreg.gather [hbm4b:s3+s2], $0x80, v4, vm0, $0xb8;
	[tilespmem:$0x18100] =	vst v63  }
0x7d: {  	s30 =	simm.s32 $0xF900;
	v3 =	vadd.s32 v1, v3  }
0x7e: {  	[tilespmem:s30], [sflag:$0x1] =	stream.indirect_vreg.gather [hbm4b:s6+s2], $0x80, v4, vm0, $0xb8;
	[tilespmem:$0x18100] =	vst v63  }
0x7f: {  	s31 =	simm.s32 $0x10100  }
0x80: {  	[tilespmem:s31], [sflag:$0x1] =	stream.indirect_vreg.gather [hbm4b:s7+s2], $0x80, v4, vm0, $0xb8;
	[tilespmem:$0x18100] =	vst v63  }
0x81: {  	s20 =	simm.s32 $0x10900  }
0x82: {  	[tilespmem:s20], [sflag:$0x1] =	stream.indirect_vreg.gather [hbm4b:s3+s2], $0x80, v3, vm0, $0xb8;
	[tilespmem:$0x18100] =	vst v63  }
0x83: {  	s21 =	simm.s32 $0x11100  }
0x84: {  	[tilespmem:s21], [sflag:$0x1] =	stream.indirect_vreg.gather [hbm4b:s6+s2], $0x80, v3, vm0, $0xb8;
	[tilespmem:$0x18100] =	vst v63  }
0x85: {  	s22 =	simm.s32 $0x11900  }
0x86: {  	[tilespmem:s22], [sflag:$0x1] =	stream.indirect_vreg.gather [hbm4b:s7+s2], $0x80, v3, vm0, $0xb8;
	[tilespmem:$0x18100] =	vst v63  }
0x87: {  	v3 =	vld [tilespmem:$0xA0];
	_ =	sdelay $0x4  }
0x88: {  	v4 =	vshrl.u32 v3, $0x3  }
0x89: {  	v4 =	vmul.u32 $0x30, v4  }
0x8a: {  	v3 =	vand.u32 $0x7, v3  }
0x8b: {  	v3 =	vor.u32 v3, v4  }
0x8c: {  	v4 =	vperm.xlane v3, v0;
	_ =	sdelay $0x1  }
0x8d: {  	v4 =	vadd.s32 v1, v4;
	_ =	sdelay $0x3  }
0x8e: {  	s23 =	simm.s32 $0x12100;
	v3 =	vperm.xlane v3, v2  }
0x8f: {  	[tilespmem:s23], [sflag:$0x1] =	stream.indirect_vreg.gather [hbm4b:s3+s2], $0x80, v4, vm0, $0xb8;
	[tilespmem:$0x18100] =	vst v63  }
0x90: {  	s24 =	simm.s32 $0x12900;
	v3 =	vadd.s32 v1, v3  }
0x91: {  	[tilespmem:s24], [sflag:$0x1] =	stream.indirect_vreg.gather [hbm4b:s6+s2], $0x80, v4, vm0, $0xb8;
	[tilespmem:$0x18100] =	vst v63  }
0x92: {  	s25 =	simm.s32 $0x13100  }
0x93: {  	[tilespmem:s25], [sflag:$0x1] =	stream.indirect_vreg.gather [hbm4b:s7+s2], $0x80, v4, vm0, $0xb8;
	[tilespmem:$0x18100] =	vst v63  }
0x94: {  	s26 =	simm.s32 $0x13900  }
0x95: {  	[tilespmem:s26], [sflag:$0x1] =	stream.indirect_vreg.gather [hbm4b:s3+s2], $0x80, v3, vm0, $0xb8;
	[tilespmem:$0x18100] =	vst v63  }
0x96: {  	s28 =	simm.s32 $0x14100  }
0x97: {  	[tilespmem:s28], [sflag:$0x1] =	stream.indirect_vreg.gather [hbm4b:s6+s2], $0x80, v3, vm0, $0xb8;
	[tilespmem:$0x18100] =	vst v63  }
0x98: {  	_ = 	snop  }
0x99: {  	[tilespmem:s1], [sflag:$0x1] =	stream.indirect_vreg.gather [hbm4b:s7+s2], $0x80, v3, vm0, $0xb8;
	[tilespmem:$0x18100] =	vst v63  }
0x9a: {  	v3 =	vld [tilespmem:$0xB0];
	_ =	sdelay $0x4  }
0x9b: {  	v4 =	vshrl.u32 v3, $0x3  }
0x9c: {  	v4 =	vmul.u32 $0x30, v4  }
0x9d: {  	v3 =	vand.u32 $0x7, v3  }
0x9e: {  	v3 =	vor.u32 v3, v4  }
0x9f: {  	v4 =	vperm.xlane v3, v0;
	_ =	sdelay $0x1  }
0xa0: {  	v4 =	vadd.s32 v1, v4;
	_ =	sdelay $0x3  }
0xa1: {  	v3 =	vperm.xlane v3, v2  }
0xa2: {  	[tilespmem:s11], [sflag:$0x1] =	stream.indirect_vreg.gather [hbm4b:s3+s2], $0x80, v4, vm0, $0xb8;
	[tilespmem:$0x18100] =	vst v63  }
0xa3: {  	v3 =	vadd.s32 v1, v3  }
0xa4: {  	[tilespmem:s13], [sflag:$0x1] =	stream.indirect_vreg.gather [hbm4b:s6+s2], $0x80, v4, vm0, $0xb8;
	[tilespmem:$0x18100] =	vst v63  }
0xa5: {  	_ = 	snop  }
0xa6: {  	[tilespmem:s14], [sflag:$0x1] =	stream.indirect_vreg.gather [hbm4b:s7+s2], $0x80, v4, vm0, $0xb8;
	[tilespmem:$0x18100] =	vst v63  }
0xa7: {  	_ = 	snop  }
0xa8: {  	[tilespmem:s15], [sflag:$0x1] =	stream.indirect_vreg.gather [hbm4b:s3+s2], $0x80, v3, vm0, $0xb8;
	[tilespmem:$0x18100] =	vst v63  }
0xa9: {  	_ = 	snop  }
0xaa: {  	[tilespmem:s16], [sflag:$0x1] =	stream.indirect_vreg.gather [hbm4b:s6+s2], $0x80, v3, vm0, $0xb8;
	[tilespmem:$0x18100] =	vst v63  }
0xab: {  	_ = 	snop  }
0xac: {  	[tilespmem:s17], [sflag:$0x1] =	stream.indirect_vreg.gather [hbm4b:s7+s2], $0x80, v3, vm0, $0xb8;
	[tilespmem:$0x18100] =	vst v63  }
0xad: {  	_ =	swait.ge [sflag:s18], $0xC000  }
0xae: {  	[sflag:s18] =	ssyncset.done $0x0  }
0xaf: {  	s29 =	simm.s32 $0x0;
	[sflag:s18] =	ssyncadd.s32 $0xFFFF4000  }
0xb0: {  	s20 =	sand.u32 $0x300, s2;
	s22 =	smul.u32 $0x1800, s29;
	_ =	swait.ge [sflag:s18], $0xC000  }
0xb1: {  	s21 =	sor.u32 $0x80, s20;
	[sflag:s18] =	ssyncset.done $0x0  }
0xb2: {  	s0 =	sor.u32 s22, s21;
	[sflag:s18] =	ssyncadd.s32 $0xFFFF4000  }
0xb3: {  	v3 =	vld [tilespmem:s0+$0x100]  }
0xb4: {  	v4 =	vld [tilespmem:s0+$0xC100]  }
0xb5: {  	v5 =	vld [tilespmem:s0+$0x110]  }
0xb6: {  	v6 =	vld [tilespmem:s0+$0xC110]  }
0xb7: {  	v7 =	vld [tilespmem:s0+$0x120]  }
0xb8: {  	v8 =	vld [tilespmem:s0+$0xC120]  }
0xb9: {  	v9 =	vld [tilespmem:s0+$0x130]  }
0xba: {  	v10 =	vld [tilespmem:s0+$0xC130]  }
0xbb: {  	v11 =	vld [tilespmem:s0+$0x140]  }
0xbc: {  	v12 =	vld [tilespmem:s0+$0xC140]  }
0xbd: {  	v13 =	vld [tilespmem:s0+$0x150]  }
0xbe: {  	v14 =	vld [tilespmem:s0+$0xC150]  }
0xbf: {  	v15 =	vld [tilespmem:s0+$0x160]  }
0xc0: {  	v16 =	vld [tilespmem:s0+$0xC160]  }
0xc1: {  	v17 =	vld [tilespmem:s0+$0x170]  }
0xc2: {  	v18 =	vld [tilespmem:s0+$0xC170]  }
0xc3: {  	v19 =	vld [tilespmem:s0+$0x500]  }
0xc4: {  	v20 =	vld [tilespmem:s0+$0xC500]  }
0xc5: {  	v21 =	vld [tilespmem:s0+$0x510]  }
0xc6: {  	v22 =	vld [tilespmem:s0+$0xC510]  }
0xc7: {  	v23 =	vld [tilespmem:s0+$0x520]  }
0xc8: {  	v36 =	vld [tilespmem:s0+$0xC560];
	v3 =	vadd.f32 v4, v3  }
0xc9: {  	v37 =	vld [tilespmem:s0+$0x570];
	v5 =	vadd.f32 v6, v5  }
0xca: {  	v38 =	vld [tilespmem:s0+$0xC570];
	[tilespmem:s0+$0x100] =	vst v3;
	v3 =	vadd.f32 v8, v7  }
0xcb: {  	v4 =	vld [tilespmem:s0+$0xC520];
	[tilespmem:s0+$0x110] =	vst v5;
	v5 =	vadd.f32 v10, v9  }
0xcc: {  	v6 =	vld [tilespmem:s0+$0x530];
	[tilespmem:s0+$0x120] =	vst v3;
	v3 =	vadd.f32 v12, v11  }
0xcd: {  	v7 =	vld [tilespmem:s0+$0xC530];
	[tilespmem:s0+$0x130] =	vst v5;
	v5 =	vadd.f32 v14, v13  }
0xce: {  	v9 =	vld [tilespmem:s0+$0x550];
	[tilespmem:s0+$0x140] =	vst v3;
	v3 =	vadd.f32 v16, v15  }
0xcf: {  	v10 =	vld [tilespmem:s0+$0xC550];
	[tilespmem:s0+$0x150] =	vst v5;
	v5 =	vadd.f32 v18, v17  }
0xd0: {  	v11 =	vld [tilespmem:s0+$0x560];
	[tilespmem:s0+$0x160] =	vst v3;
	v3 =	vadd.f32 v20, v19  }
0xd1: {  	v8 =	vld [tilespmem:s0+$0x540];
	[tilespmem:s0+$0x170] =	vst v5;
	v5 =	vadd.f32 v22, v21  }
0xd2: {  	[tilespmem:s0+$0x500] =	vst v3;
	v3 =	vadd.f32 v4, v23;
	v4 =	vld [tilespmem:s0+$0xC540]  }
0xd3: {  	[tilespmem:s0+$0x510] =	vst v5;
	v5 =	vadd.f32 v7, v6  }
0xd4: {  	s26 =	sor.u32 s20, s22;
	[tilespmem:s0+$0x520] =	vst v3;
	v3 =	vadd.f32 v10, v9  }
0xd5: {  	v55 =	vld [tilespmem:s26+$0xC130];
	[tilespmem:s0+$0x530] =	vst v5;
	v5 =	vadd.f32 v36, v11  }
0xd6: {  	v56 =	vld [tilespmem:s26+$0x140];
	[tilespmem:s0+$0x550] =	vst v3;
	v3 =	vadd.f32 v38, v37  }
0xd7: {  	v57 =	vld [tilespmem:s26+$0xC140];
	[tilespmem:s0+$0x560] =	vst v5;
	v4 =	vadd.f32 v4, v8  }
0xd8: {  	s23 =	sadd.s32 $0x800, s22;
	v58 =	vld [tilespmem:s26+$0x150];
	[tilespmem:s0+$0x570] =	vst v3  }
0xd9: {  	s25 =	sor.u32 s21, s23;
	v12 =	vld [tilespmem:s26+$0xC110];
	[tilespmem:s0+$0x540] =	vst v4  }
0xda: {  	v3 =	vld [tilespmem:s25+$0x100]  }
0xdb: {  	v4 =	vld [tilespmem:s25+$0xC100]  }
0xdc: {  	v5 =	vld [tilespmem:s25+$0x110]  }
0xdd: {  	v6 =	vld [tilespmem:s25+$0xC110]  }
0xde: {  	v7 =	vld [tilespmem:s25+$0x120]  }
0xdf: {  	v8 =	vld [tilespmem:s25+$0xC120]  }
0xe0: {  	v9 =	vld [tilespmem:s25+$0x130]  }
0xe1: {  	v10 =	vld [tilespmem:s25+$0xC130]  }
0xe2: {  	v11 =	vld [tilespmem:s25+$0x140]  }
0xe3: {  	v39 =	vld [tilespmem:s25+$0x150]  }
0xe4: {  	v40 =	vld [tilespmem:s25+$0xC150]  }
0xe5: {  	v41 =	vld [tilespmem:s25+$0x160]  }
0xe6: {  	v42 =	vld [tilespmem:s25+$0xC160]  }
0xe7: {  	v3 =	vadd.f32 v4, v3;
	v4 =	vld [tilespmem:s25+$0x170]  }
0xe8: {  	v5 =	vadd.f32 v6, v5;
	v6 =	vld [tilespmem:s25+$0xC170]  }
0xe9: {  	[tilespmem:s25+$0x100] =	vst v3;
	v3 =	vadd.f32 v8, v7;
	v7 =	vld [tilespmem:s25+$0xC140]  }
0xea: {  	v8 =	vld [tilespmem:s26+$0x100]  }
0xeb: {  	[tilespmem:s25+$0x110] =	vst v5;
	v5 =	vadd.f32 v10, v9;
	v9 =	vld [tilespmem:s26+$0xC100]  }
0xec: {  	v10 =	vld [tilespmem:s26+$0x110];
	[tilespmem:s25+$0x120] =	vst v3;
	v3 =	vadd.f32 v40, v39  }
0xed: {  	[tilespmem:s25+$0x130] =	vst v5;
	v5 =	vadd.f32 v42, v41;
	v39 =	vld [tilespmem:s26+$0x170]  }
0xee: {  	v41 =	vld [tilespmem:s26+$0xC170];
	[tilespmem:s25+$0x150] =	vst v3;
	v3 =	vadd.f32 v6, v4  }
0xef: {  	v4 =	vld [tilespmem:s26+$0x120];
	[tilespmem:s25+$0x160] =	vst v5;
	v6 =	vadd.f32 v7, v11  }
0xf0: {  	s24 =	sadd.s32 $0xC00, s22;
	v5 =	vld [tilespmem:s26+$0xC120];
	[tilespmem:s25+$0x170] =	vst v3  }
0xf1: {  	s30 =	sor.u32 s21, s24;
	v8 =	vadd.f32 v9, v8;
	v9 =	vld [tilespmem:s26+$0xC510];
	[tilespmem:s25+$0x140] =	vst v6  }
0xf2: {  	v6 =	vld [tilespmem:s30+$0x100]  }
0xf3: {  	v7 =	vld [tilespmem:s30+$0xC100]  }
0xf4: {  	v11 =	vld [tilespmem:s30+$0x110]  }
0xf5: {  	v43 =	vld [tilespmem:s30+$0xC110]  }
0xf6: {  	v44 =	vld [tilespmem:s30+$0x120]  }
0xf7: {  	v45 =	vld [tilespmem:s30+$0xC120]  }
0xf8: {  	v46 =	vld [tilespmem:s30+$0x130]  }
0xf9: {  	v47 =	vld [tilespmem:s30+$0xC130]  }
0xfa: {  	v48 =	vld [tilespmem:s30+$0x140]  }
0xfb: {  	v49 =	vld [tilespmem:s30+$0x150]  }
0xfc: {  	v54 =	vld [tilespmem:s30+$0xC140]  }
0xfd: {  	v50 =	vld [tilespmem:s30+$0xC150]  }
0xfe: {  	v51 =	vld [tilespmem:s30+$0x160]  }
0xff: {  	v52 =	vld [tilespmem:s30+$0xC160];
	v6 =	vadd.f32 v7, v6  }
0x100: {  	[tilespmem:s26+$0x100] =	vst v8;
	v53 =	vld [tilespmem:s30+$0xC170];
	v11 =	vadd.f32 v43, v11  }
0x101: {  	v7 =	vld [tilespmem:s30+$0x170];
	v59 =	vadd.f32 v54, v48;
	[tilespmem:s30+$0x100] =	vst v6  }
0x102: {  	v3 =	vld [tilespmem:s26+$0x130];
	v6 =	vadd.f32 v45, v44;
	[tilespmem:s30+$0x110] =	vst v11  }
0x103: {  	v8 =	vld [tilespmem:s26+$0x530];
	v11 =	vadd.f32 v47, v46;
	[tilespmem:s30+$0x140] =	vst v59  }
0x104: {  	v4 =	vadd.f32 v5, v4;
	v5 =	vld [tilespmem:s26+$0xC520];
	[tilespmem:s30+$0x120] =	vst v6;
	v6 =	vadd.f32 v50, v49  }
0x105: {  	v43 =	vld [tilespmem:s26+$0x500];
	[tilespmem:s30+$0x130] =	vst v11;
	v11 =	vadd.f32 v52, v51  }
0x106: {  	[tilespmem:s30+$0x150] =	vst v6;
	v6 =	vadd.f32 v53, v7;
	v7 =	vld [tilespmem:s26+$0xC150]  }
0x107: {  	s31 =	sadd.s32 $0x1000, s22;
	[tilespmem:s30+$0x160] =	vst v11;
	v11 =	vld [tilespmem:s26+$0x160]  }
0x108: {  	s28 =	sor.u32 s21, s31;
	[tilespmem:s30+$0x170] =	vst v6;
	v6 =	vld [tilespmem:s26+$0xC160]  }
0x109: {  	v13 =	vld [tilespmem:s28+$0x100]  }
0x10a: {  	v60 =	vld [tilespmem:s28+$0xC100]  }
0x10b: {  	v61 =	vld [tilespmem:s28+$0x110]  }
0x10c: {  	v62 =	vld [tilespmem:s28+$0xC110]  }
0x10d: {  	v63 =	vld [tilespmem:s28+$0x120]  }
0x10e: {  	v32 =	vld [tilespmem:s28+$0xC120]  }
0x10f: {  	v10 =	vadd.f32 v12, v10;
	v33 =	vld [tilespmem:s28+$0x130]  }
0x110: {  	v24 =	vld [tilespmem:s28+$0x140]  }
0x111: {  	[tilespmem:s26+$0x110] =	vst v10;
	v3 =	vadd.f32 v55, v3;
	v25 =	vld [tilespmem:s28+$0xC140]  }
0x112: {  	[tilespmem:s26+$0x120] =	vst v4;
	v4 =	vadd.f32 v57, v56;
	v26 =	vld [tilespmem:s28+$0x150]  }
0x113: {  	[tilespmem:s26+$0x130] =	vst v3;
	v27 =	vld [tilespmem:s28+$0xC150];
	v3 =	vadd.f32 v7, v58  }
0x114: {  	[tilespmem:s26+$0x140] =	vst v4;
	v28 =	vld [tilespmem:s28+$0x160];
	v4 =	vadd.f32 v6, v11  }
0x115: {  	v29 =	vld [tilespmem:s28+$0xC160];
	[tilespmem:s26+$0x150] =	vst v3;
	v3 =	vadd.f32 v41, v39  }
0x116: {  	v34 =	vld [tilespmem:s28+$0x170];
	v13 =	vadd.f32 v60, v13;
	[tilespmem:s26+$0x160] =	vst v4  }
0x117: {  	v35 =	vld [tilespmem:s28+$0xC170];
	v18 =	vadd.f32 v62, v61;
	[tilespmem:s26+$0x170] =	vst v3  }
0x118: {  	v37 =	vld [tilespmem:s28+$0xC130];
	v36 =	vadd.f32 v32, v63;
	[tilespmem:s28+$0x100] =	vst v13  }
0x119: {  	v45 =	vld [tilespmem:s26+$0xC500];
	v38 =	vadd.f32 v25, v24;
	[tilespmem:s28+$0x110] =	vst v18  }
0x11a: {  	v47 =	vld [tilespmem:s26+$0x510];
	v40 =	vadd.f32 v27, v26;
	[tilespmem:s28+$0x120] =	vst v36  }
0x11b: {  	v48 =	vld [tilespmem:s26+$0x520];
	v42 =	vadd.f32 v29, v28;
	[tilespmem:s28+$0x140] =	vst v38  }
0x11c: {  	v10 =	vld [tilespmem:s26+$0xC530];
	v44 =	vadd.f32 v35, v34;
	[tilespmem:s28+$0x150] =	vst v40  }
0x11d: {  	v6 =	vld [tilespmem:s26+$0x540];
	v46 =	vadd.f32 v37, v33;
	[tilespmem:s28+$0x160] =	vst v42  }
0x11e: {  	v11 =	vld [tilespmem:s26+$0xC540];
	v4 =	vadd.f32 v45, v43;
	[tilespmem:s28+$0x170] =	vst v44  }
0x11f: {  	v3 =	vadd.f32 v9, v47;
	v9 =	vld [tilespmem:s26+$0x550];
	[tilespmem:s28+$0x130] =	vst v46  }
0x120: {  	[tilespmem:s26+$0x500] =	vst v4;
	v4 =	vadd.f32 v5, v48;
	v5 =	vld [tilespmem:s26+$0xC550]  }
0x121: {  	s28 =	sadd.s32 $0x1400, s22;
	[tilespmem:s26+$0x510] =	vst v3;
	v3 =	vadd.f32 v10, v8;
	v8 =	vld [tilespmem:s26+$0x560]  }
0x122: {  	s22 =	sor.u32 s21, s28;
	v10 =	vld [tilespmem:s26+$0xC570]  }
0x123: {  	v7 =	vld [tilespmem:s22+$0x170]  }
0x124: {  	[tilespmem:s26+$0x520] =	vst v4;
	v4 =	vld [tilespmem:s26+$0xC560]  }
0x125: {  	v13 =	vld [tilespmem:s22+$0xC170]  }
0x126: {  	v6 =	vadd.f32 v11, v6;
	[tilespmem:s26+$0x530] =	vst v3;
	v3 =	vld [tilespmem:s26+$0x570]  }
0x127: {  	v51 =	vld [tilespmem:s22+$0xC100]  }
0x128: {  	s29 =	sor.u32 s20, s23;
	v56 =	vld [tilespmem:s22+$0xC120];
	[tilespmem:s26+$0x540] =	vst v6;
	v5 =	vadd.f32 v5, v9  }
0x129: {  	v6 =	vld [tilespmem:s29+$0x100];
	v4 =	vadd.f32 v4, v8  }
0x12a: {  	v9 =	vld [tilespmem:s29+$0x110];
	[tilespmem:s26+$0x550] =	vst v5  }
0x12b: {  	v5 =	vadd.f32 v13, v7;
	v3 =	vadd.f32 v10, v3;
	v7 =	vld [tilespmem:s29+$0x120];
	[tilespmem:s26+$0x560] =	vst v4  }
0x12c: {  	v4 =	vld [tilespmem:s29+$0x130]  }
0x12d: {  	[tilespmem:s26+$0x570] =	vst v3;
	v3 =	vld [tilespmem:s22+$0x100]  }
0x12e: {  	[tilespmem:s22+$0x170] =	vst v5;
	v5 =	vld [tilespmem:s29+$0xC100]  }
0x12f: {  	v8 =	vld [tilespmem:s29+$0xC110]  }
0x130: {  	v10 =	vld [tilespmem:s29+$0xC120]  }
0x131: {  	v11 =	vld [tilespmem:s29+$0xC130]  }
0x132: {  	v49 =	vld [tilespmem:s29+$0x140]  }
0x133: {  	v50 =	vld [tilespmem:s29+$0xC140];
	v5 =	vadd.f32 v5, v6  }
0x134: {  	v6 =	vadd.f32 v8, v9;
	v8 =	vld [tilespmem:s29+$0x150]  }
0x135: {  	[tilespmem:s29+$0x100] =	vst v5;
	v5 =	vadd.f32 v10, v7;
	v7 =	vld [tilespmem:s29+$0xC150]  }
0x136: {  	v4 =	vadd.f32 v11, v4;
	[tilespmem:s29+$0x110] =	vst v6;
	v6 =	vld [tilespmem:s29+$0x160]  }
0x137: {  	[tilespmem:s29+$0x120] =	vst v5;
	v5 =	vld [tilespmem:s29+$0xC160]  }
0x138: {  	v9 =	vadd.f32 v50, v49;
	[tilespmem:s29+$0x130] =	vst v4;
	v4 =	vld [tilespmem:s29+$0x170]  }
0x139: {  	v10 =	vld [tilespmem:s29+$0xC170]  }
0x13a: {  	s30 =	sor.u32 s20, s24;
	v3 =	vadd.f32 v51, v3;
	v11 =	vld [tilespmem:s22+$0x110];
	[tilespmem:s29+$0x140] =	vst v9  }
0x13b: {  	v9 =	vld [tilespmem:s30+$0x110];
	v7 =	vadd.f32 v7, v8  }
0x13c: {  	[tilespmem:s22+$0x100] =	vst v3;
	v8 =	vld [tilespmem:s30+$0x100];
	v5 =	vadd.f32 v5, v6  }
0x13d: {  	[tilespmem:s29+$0x150] =	vst v7;
	v6 =	vld [tilespmem:s22+$0xC110]  }
0x13e: {  	v4 =	vadd.f32 v10, v4;
	v3 =	vld [tilespmem:s30+$0x120];
	[tilespmem:s29+$0x160] =	vst v5  }
0x13f: {  	v5 =	vld [tilespmem:s30+$0x130]  }
0x140: {  	[tilespmem:s29+$0x170] =	vst v4;
	v4 =	vld [tilespmem:s22+$0x120]  }
0x141: {  	v7 =	vld [tilespmem:s30+$0xC100]  }
0x142: {  	v10 =	vld [tilespmem:s30+$0xC110]  }
0x143: {  	v52 =	vld [tilespmem:s30+$0xC120]  }
0x144: {  	v53 =	vld [tilespmem:s30+$0xC130]  }
0x145: {  	v54 =	vld [tilespmem:s30+$0x140]  }
0x146: {  	v55 =	vld [tilespmem:s30+$0xC140];
	v7 =	vadd.f32 v7, v8  }
0x147: {  	v8 =	vadd.f32 v10, v9;
	v9 =	vld [tilespmem:s30+$0x150]  }
0x148: {  	v3 =	vadd.f32 v52, v3;
	[tilespmem:s30+$0x100] =	vst v7;
	v7 =	vld [tilespmem:s30+$0xC150]  }
0x149: {  	[tilespmem:s30+$0x110] =	vst v8;
	v8 =	vld [tilespmem:s30+$0x160]  }
0x14a: {  	v5 =	vadd.f32 v53, v5;
	[tilespmem:s30+$0x120] =	vst v3;
	v3 =	vld [tilespmem:s30+$0xC160]  }
0x14b: {  	v6 =	vadd.f32 v6, v11;
	v11 =	vld [tilespmem:s30+$0xC170];
	v10 =	vadd.f32 v55, v54  }
0x14c: {  	[tilespmem:s30+$0x130] =	vst v5;
	v5 =	vld [tilespmem:s30+$0x170]  }
0x14d: {  	s31 =	sor.u32 s20, s31;
	v4 =	vadd.f32 v56, v4;
	[tilespmem:s30+$0x140] =	vst v10  }
0x14e: {  	[tilespmem:s22+$0x110] =	vst v6;
	v6 =	vld [tilespmem:s31+$0x110];
	v7 =	vadd.f32 v7, v9  }
0x14f: {  	[tilespmem:s22+$0x120] =	vst v4;
	v9 =	vld [tilespmem:s31+$0x100];
	v3 =	vadd.f32 v3, v8  }
0x150: {  	[tilespmem:s30+$0x150] =	vst v7;
	v7 =	vld [tilespmem:s22+$0x130]  }
0x151: {  	v4 =	vld [tilespmem:s31+$0x120];
	[tilespmem:s30+$0x160] =	vst v3;
	v3 =	vadd.f32 v11, v5  }
0x152: {  	v5 =	vld [tilespmem:s31+$0x130]  }
0x153: {  	[tilespmem:s30+$0x170] =	vst v3;
	v3 =	vld [tilespmem:s22+$0xC130]  }
0x154: {  	v8 =	vld [tilespmem:s31+$0xC100]  }
0x155: {  	v10 =	vld [tilespmem:s31+$0xC110]  }
0x156: {  	v11 =	vld [tilespmem:s31+$0xC120]  }
0x157: {  	v57 =	vld [tilespmem:s31+$0xC130]  }
0x158: {  	v58 =	vld [tilespmem:s31+$0x140]  }
0x159: {  	v59 =	vld [tilespmem:s31+$0xC140];
	v8 =	vadd.f32 v8, v9  }
0x15a: {  	v6 =	vadd.f32 v10, v6;
	v9 =	vld [tilespmem:s31+$0x150]  }
0x15b: {  	v4 =	vadd.f32 v11, v4;
	[tilespmem:s31+$0x100] =	vst v8;
	v8 =	vld [tilespmem:s31+$0xC150]  }
0x15c: {  	[tilespmem:s31+$0x110] =	vst v6;
	v6 =	vld [tilespmem:s31+$0x160]  }
0x15d: {  	v5 =	vadd.f32 v57, v5;
	[tilespmem:s31+$0x120] =	vst v4;
	v4 =	vld [tilespmem:s31+$0xC160]  }
0x15e: {  	v3 =	vadd.f32 v3, v7;
	v7 =	vld [tilespmem:s31+$0xC170]  }
0x15f: {  	v10 =	vadd.f32 v59, v58;
	[tilespmem:s31+$0x130] =	vst v5;
	v5 =	vld [tilespmem:s31+$0x170];
	_ =	sdelay $0x1  }
0x160: {  	s24 =	sor.u32 s20, s28;
	v60 =	vld [tilespmem:s22+$0x140];
	[tilespmem:s31+$0x140] =	vst v10;
	v8 =	vadd.f32 v8, v9  }
0x161: {  	[tilespmem:s22+$0x130] =	vst v3;
	v10 =	vld [tilespmem:s24+$0x110];
	v3 =	vadd.f32 v4, v6  }
0x162: {  	v9 =	vld [tilespmem:s24+$0x100];
	[tilespmem:s31+$0x150] =	vst v8  }
0x163: {  	v6 =	vld [tilespmem:s24+$0x120];
	[tilespmem:s31+$0x160] =	vst v3;
	v3 =	vadd.f32 v7, v5  }
0x164: {  	v11 =	vld [tilespmem:s22+$0xC150]  }
0x165: {  	v8 =	vld [tilespmem:s24+$0x130];
	[tilespmem:s31+$0x170] =	vst v3  }
0x166: {  	v5 =	vld [tilespmem:s24+$0xC100]  }
0x167: {  	v4 =	vld [tilespmem:s22+$0xC140]  }
0x168: {  	v7 =	vld [tilespmem:s22+$0x150]  }
0x169: {  	v61 =	vld [tilespmem:s24+$0xC110]  }
0x16a: {  	v62 =	vld [tilespmem:s24+$0xC120]  }
0x16b: {  	v63 =	vld [tilespmem:s24+$0xC130];
	v9 =	vadd.f32 v5, v9  }
0x16c: {  	v15 =	vadd.f32 v4, v60;
	v3 =	vld [tilespmem:s24+$0x140]  }
0x16d: {  	v5 =	vld [tilespmem:s24+$0xC140];
	[tilespmem:s24+$0x100] =	vst v9;
	v9 =	vadd.f32 v11, v7  }
0x16e: {  	v4 =	vld [tilespmem:s24+$0x150];
	[tilespmem:s22+$0x140] =	vst v15;
	v10 =	vadd.f32 v61, v10  }
0x16f: {  	v7 =	vld [tilespmem:s24+$0xC150];
	[tilespmem:s22+$0x150] =	vst v9;
	v9 =	vadd.f32 v62, v6  }
0x170: {  	s20 =	simm.s32 $0x0;
	s21 =	simm.s32 $0x0;
	v8 =	vadd.f32 v63, v8;
	[tilespmem:s24+$0x110] =	vst v10;
	v6 =	vld [tilespmem:s24+$0x160]  }
.LBB2_2:
0x171: {  	s20 =	sadd.s32 $0x2, s20;
	[tilespmem:s24+$0x120] =	vst v9;
	v9 =	vld [tilespmem:s24+$0xC160]  }
0x172: {  	s21 =	sadd.s32 $0x100, s21;
	s0 =	sshrl.u32 s20, $0x3;
	p0 =	slt.u32 s20, $0x3E;
	[tilespmem:s24+$0x130] =	vst v8;
	v3 =	vadd.f32 v5, v3;
	v5 =	vld [tilespmem:s24+$0x170]  }
0x173: {  	s25 =	sand.u32 $0x300, s21;
	s28 =	smul.u32 $0x1800, s0;
	v8 =	vld [tilespmem:s24+$0xC170]  }
0x174: {  	s26 =	sor.u32 $0x80, s25;
	[tilespmem:s24+$0x140] =	vst v3;
	v3 =	vadd.f32 v7, v4;
	v4 =	vld [tilespmem:s22+$0x160]  }
0x175: {  	s23 =	sor.u32 s25, s28;
	s30 =	sor.u32 s28, s26;
	v7 =	vld [tilespmem:s22+$0xC160]  }
0x176: {  	v10 =	vld [tilespmem:s30+$0x100];
	[tilespmem:s24+$0x150] =	vst v3;
	v3 =	vadd.f32 v9, v6  }
0x177: {  	v6 =	vld [tilespmem:s30+$0xC100]  }
0x178: {  	v9 =	vld [tilespmem:s30+$0x110];
	[tilespmem:s24+$0x160] =	vst v3;
	v3 =	vadd.f32 v8, v5  }
0x179: {  	v5 =	vld [tilespmem:s30+$0xC110]  }
0x17a: {  	v8 =	vld [tilespmem:s30+$0x120];
	[tilespmem:s24+$0x170] =	vst v3;
	v3 =	vadd.f32 v7, v4  }
0x17b: {  	v4 =	vld [tilespmem:s30+$0xC120]  }
0x17c: {  	v7 =	vld [tilespmem:s30+$0x130];
	[tilespmem:s22+$0x160] =	vst v3  }
0x17d: {  	v3 =	vld [tilespmem:s30+$0xC130]  }
0x17e: {  	v11 =	vld [tilespmem:s30+$0x140]  }
0x17f: {  	v12 =	vld [tilespmem:s30+$0xC140]  }
0x180: {  	v13 =	vld [tilespmem:s30+$0x150]  }
0x181: {  	v14 =	vld [tilespmem:s30+$0xC150]  }
0x182: {  	v15 =	vld [tilespmem:s30+$0x160]  }
0x183: {  	v16 =	vld [tilespmem:s30+$0xC160]  }
0x184: {  	v17 =	vld [tilespmem:s30+$0x170]  }
0x185: {  	v18 =	vld [tilespmem:s30+$0xC170]  }
0x186: {  	v19 =	vld [tilespmem:s30+$0x500]  }
0x187: {  	v20 =	vld [tilespmem:s30+$0xC500]  }
0x188: {  	v21 =	vld [tilespmem:s30+$0x510]  }
0x189: {  	v22 =	vld [tilespmem:s30+$0xC510]  }
0x18a: {  	v23 =	vld [tilespmem:s30+$0x520]  }
0x18b: {  	v6 =	vadd.f32 v6, v10;
	v10 =	vld [tilespmem:s30+$0xC520]  }
0x18c: {  	v5 =	vadd.f32 v5, v9;
	v9 =	vld [tilespmem:s30+$0x530]  }
0x18d: {  	v4 =	vadd.f32 v4, v8;
	[tilespmem:s30+$0x100] =	vst v6;
	v6 =	vld [tilespmem:s30+$0xC530]  }
0x18e: {  	v3 =	vadd.f32 v3, v7;
	[tilespmem:s30+$0x110] =	vst v5;
	v5 =	vld [tilespmem:s30+$0x540]  }
0x18f: {  	[tilespmem:s30+$0x120] =	vst v4;
	v4 =	vadd.f32 v12, v11;
	v7 =	vld [tilespmem:s30+$0x550]  }
0x190: {  	[tilespmem:s30+$0x130] =	vst v3;
	v3 =	vadd.f32 v14, v13;
	v8 =	vld [tilespmem:s30+$0xC550]  }
0x191: {  	[tilespmem:s30+$0x140] =	vst v4;
	v4 =	vadd.f32 v16, v15;
	v11 =	vld [tilespmem:s30+$0x560]  }
0x192: {  	[tilespmem:s30+$0x150] =	vst v3;
	v3 =	vadd.f32 v18, v17;
	v12 =	vld [tilespmem:s30+$0xC560]  }
0x193: {  	[tilespmem:s30+$0x160] =	vst v4;
	v4 =	vadd.f32 v20, v19;
	v13 =	vld [tilespmem:s30+$0x570]  }
0x194: {  	[tilespmem:s30+$0x170] =	vst v3;
	v3 =	vadd.f32 v22, v21;
	v14 =	vld [tilespmem:s30+$0xC570]  }
0x195: {  	[tilespmem:s30+$0x500] =	vst v4;
	v4 =	vadd.f32 v10, v23;
	v10 =	vld [tilespmem:s30+$0xC540]  }
0x196: {  	v15 =	vld [tilespmem:s23+$0x100];
	[tilespmem:s30+$0x510] =	vst v3;
	v3 =	vadd.f32 v6, v9  }
0x197: {  	v6 =	vld [tilespmem:s23+$0xC100];
	[tilespmem:s30+$0x520] =	vst v4;
	v4 =	vadd.f32 v8, v7  }
0x198: {  	v7 =	vld [tilespmem:s23+$0x110];
	[tilespmem:s30+$0x530] =	vst v3;
	v3 =	vadd.f32 v12, v11  }
0x199: {  	v8 =	vld [tilespmem:s23+$0xC110];
	[tilespmem:s30+$0x550] =	vst v4;
	v4 =	vadd.f32 v14, v13  }
0x19a: {  	s0 =	sadd.s32 $0x800, s28;
	v9 =	vld [tilespmem:s23+$0x120];
	v5 =	vadd.f32 v10, v5;
	[tilespmem:s30+$0x560] =	vst v3  }
0x19b: {  	s29 =	sor.u32 s25, s0;
	s22 =	sor.u32 s26, s0;
	v3 =	vld [tilespmem:s23+$0xC120];
	[tilespmem:s30+$0x570] =	vst v4  }
0x19c: {  	v4 =	vadd.f32 v6, v15;
	[tilespmem:s30+$0x540] =	vst v5;
	v5 =	vld [tilespmem:s22+$0x100]  }
0x19d: {  	v6 =	vld [tilespmem:s22+$0xC100]  }
0x19e: {  	[tilespmem:s23+$0x100] =	vst v4;
	v4 =	vadd.f32 v8, v7;
	v7 =	vld [tilespmem:s22+$0x110]  }
0x19f: {  	v8 =	vld [tilespmem:s22+$0xC110]  }
0x1a0: {  	[tilespmem:s23+$0x110] =	vst v4;
	v3 =	vadd.f32 v3, v9;
	v4 =	vld [tilespmem:s22+$0x120]  }
0x1a1: {  	v9 =	vld [tilespmem:s22+$0xC120]  }
0x1a2: {  	[tilespmem:s23+$0x120] =	vst v3;
	v3 =	vld [tilespmem:s22+$0x130]  }
0x1a3: {  	v10 =	vld [tilespmem:s22+$0xC130]  }
0x1a4: {  	v11 =	vld [tilespmem:s22+$0x140]  }
0x1a5: {  	v12 =	vld [tilespmem:s22+$0x150]  }
0x1a6: {  	v13 =	vld [tilespmem:s22+$0xC150]  }
0x1a7: {  	v14 =	vld [tilespmem:s22+$0x160]  }
0x1a8: {  	v15 =	vld [tilespmem:s22+$0xC160]  }
0x1a9: {  	v5 =	vadd.f32 v6, v5;
	v6 =	vld [tilespmem:s22+$0x170]  }
0x1aa: {  	v7 =	vadd.f32 v8, v7;
	v8 =	vld [tilespmem:s22+$0xC170]  }
0x1ab: {  	v4 =	vadd.f32 v9, v4;
	[tilespmem:s22+$0x100] =	vst v5;
	v5 =	vld [tilespmem:s22+$0xC140]  }
0x1ac: {  	v3 =	vadd.f32 v10, v3;
	v9 =	vld [tilespmem:s23+$0x130];
	[tilespmem:s22+$0x110] =	vst v7  }
0x1ad: {  	v7 =	vld [tilespmem:s23+$0xC130];
	[tilespmem:s22+$0x120] =	vst v4;
	v4 =	vadd.f32 v13, v12  }
0x1ae: {  	v10 =	vld [tilespmem:s23+$0x140];
	[tilespmem:s22+$0x130] =	vst v3;
	v3 =	vadd.f32 v15, v14  }
0x1af: {  	v12 =	vld [tilespmem:s23+$0xC140];
	[tilespmem:s22+$0x150] =	vst v4;
	v4 =	vadd.f32 v8, v6  }
0x1b0: {  	s0 =	sadd.s32 $0xC00, s28;
	v6 =	vld [tilespmem:s23+$0x150];
	v5 =	vadd.f32 v5, v11;
	[tilespmem:s22+$0x160] =	vst v3  }
0x1b1: {  	s24 =	sor.u32 s26, s0;
	s30 =	sor.u32 s25, s0;
	v3 =	vld [tilespmem:s23+$0xC150];
	[tilespmem:s22+$0x170] =	vst v4  }
0x1b2: {  	v4 =	vadd.f32 v7, v9;
	[tilespmem:s22+$0x140] =	vst v5;
	v5 =	vld [tilespmem:s24+$0x100]  }
0x1b3: {  	v7 =	vld [tilespmem:s24+$0xC100]  }
0x1b4: {  	[tilespmem:s23+$0x130] =	vst v4;
	v4 =	vadd.f32 v12, v10;
	v8 =	vld [tilespmem:s24+$0x110]  }
0x1b5: {  	v9 =	vld [tilespmem:s24+$0xC110]  }
0x1b6: {  	[tilespmem:s23+$0x140] =	vst v4;
	v3 =	vadd.f32 v3, v6;
	v4 =	vld [tilespmem:s24+$0x120]  }
0x1b7: {  	v6 =	vld [tilespmem:s24+$0xC120]  }
0x1b8: {  	[tilespmem:s23+$0x150] =	vst v3;
	v3 =	vld [tilespmem:s24+$0x130]  }
0x1b9: {  	v10 =	vld [tilespmem:s24+$0xC130]  }
0x1ba: {  	v11 =	vld [tilespmem:s24+$0x140]  }
0x1bb: {  	v12 =	vld [tilespmem:s24+$0x150]  }
0x1bc: {  	v13 =	vld [tilespmem:s24+$0xC150]  }
0x1bd: {  	v14 =	vld [tilespmem:s24+$0x160]  }
0x1be: {  	v15 =	vld [tilespmem:s24+$0xC160]  }
0x1bf: {  	v5 =	vadd.f32 v7, v5;
	v7 =	vld [tilespmem:s24+$0x170]  }
0x1c0: {  	v8 =	vadd.f32 v9, v8;
	v9 =	vld [tilespmem:s24+$0xC170]  }
0x1c1: {  	v4 =	vadd.f32 v6, v4;
	[tilespmem:s24+$0x100] =	vst v5;
	v5 =	vld [tilespmem:s24+$0xC140]  }
0x1c2: {  	v3 =	vadd.f32 v10, v3;
	v6 =	vld [tilespmem:s23+$0x160];
	[tilespmem:s24+$0x110] =	vst v8  }
0x1c3: {  	v8 =	vld [tilespmem:s23+$0xC160];
	[tilespmem:s24+$0x120] =	vst v4;
	v4 =	vadd.f32 v13, v12  }
0x1c4: {  	v10 =	vld [tilespmem:s23+$0x170];
	[tilespmem:s24+$0x130] =	vst v3;
	v3 =	vadd.f32 v15, v14  }
0x1c5: {  	v12 =	vld [tilespmem:s23+$0xC170];
	[tilespmem:s24+$0x150] =	vst v4;
	v4 =	vadd.f32 v9, v7  }
0x1c6: {  	s0 =	sadd.s32 $0x1000, s28;
	v7 =	vld [tilespmem:s23+$0x500];
	v5 =	vadd.f32 v5, v11;
	[tilespmem:s24+$0x160] =	vst v3  }
0x1c7: {  	s31 =	sor.u32 s25, s0;
	s0 =	sor.u32 s26, s0;
	v3 =	vld [tilespmem:s23+$0xC500];
	[tilespmem:s24+$0x170] =	vst v4  }
0x1c8: {  	v4 =	vadd.f32 v8, v6;
	[tilespmem:s24+$0x140] =	vst v5;
	v5 =	vld [tilespmem:s0+$0x100]  }
0x1c9: {  	v6 =	vld [tilespmem:s0+$0xC100]  }
0x1ca: {  	[tilespmem:s23+$0x160] =	vst v4;
	v4 =	vadd.f32 v12, v10;
	v8 =	vld [tilespmem:s0+$0x110]  }
0x1cb: {  	v9 =	vld [tilespmem:s0+$0xC110]  }
0x1cc: {  	[tilespmem:s23+$0x170] =	vst v4;
	v3 =	vadd.f32 v3, v7;
	v4 =	vld [tilespmem:s0+$0x120]  }
0x1cd: {  	v7 =	vld [tilespmem:s0+$0xC120]  }
0x1ce: {  	[tilespmem:s23+$0x500] =	vst v3;
	v3 =	vld [tilespmem:s0+$0x130]  }
0x1cf: {  	v10 =	vld [tilespmem:s0+$0x140]  }
0x1d0: {  	v11 =	vld [tilespmem:s0+$0xC140]  }
0x1d1: {  	v12 =	vld [tilespmem:s0+$0x150]  }
0x1d2: {  	v13 =	vld [tilespmem:s0+$0xC150]  }
0x1d3: {  	v14 =	vld [tilespmem:s0+$0x160]  }
0x1d4: {  	v15 =	vld [tilespmem:s0+$0xC160]  }
0x1d5: {  	v5 =	vadd.f32 v6, v5;
	v6 =	vld [tilespmem:s0+$0x170]  }
0x1d6: {  	v8 =	vadd.f32 v9, v8;
	v9 =	vld [tilespmem:s0+$0xC170]  }
0x1d7: {  	v4 =	vadd.f32 v7, v4;
	[tilespmem:s0+$0x100] =	vst v5;
	v5 =	vld [tilespmem:s0+$0xC130]  }
0x1d8: {  	v7 =	vld [tilespmem:s23+$0x510];
	[tilespmem:s0+$0x110] =	vst v8;
	v8 =	vadd.f32 v11, v10  }
0x1d9: {  	v10 =	vld [tilespmem:s23+$0xC510];
	[tilespmem:s0+$0x120] =	vst v4;
	v4 =	vadd.f32 v13, v12  }
0x1da: {  	v11 =	vld [tilespmem:s23+$0x520];
	[tilespmem:s0+$0x140] =	vst v8;
	v8 =	vadd.f32 v15, v14  }
0x1db: {  	v12 =	vld [tilespmem:s23+$0xC520];
	[tilespmem:s0+$0x150] =	vst v4;
	v4 =	vadd.f32 v9, v6  }
0x1dc: {  	s22 =	sadd.s32 $0x1400, s28;
	v6 =	vld [tilespmem:s23+$0x530];
	v3 =	vadd.f32 v5, v3;
	[tilespmem:s0+$0x160] =	vst v8  }
0x1dd: {  	s24 =	sor.u32 s25, s22;
	s22 =	sor.u32 s26, s22;
	v5 =	vld [tilespmem:s23+$0xC530];
	[tilespmem:s0+$0x170] =	vst v4  }
0x1de: {  	v4 =	vadd.f32 v10, v7;
	[tilespmem:s0+$0x130] =	vst v3;
	v3 =	vld [tilespmem:s22+$0x170]  }
0x1df: {  	v7 =	vld [tilespmem:s22+$0xC170]  }
0x1e0: {  	[tilespmem:s23+$0x510] =	vst v4;
	v4 =	vadd.f32 v12, v11;
	v8 =	vld [tilespmem:s23+$0x540]  }
0x1e1: {  	v9 =	vld [tilespmem:s23+$0xC540]  }
0x1e2: {  	[tilespmem:s23+$0x520] =	vst v4;
	v4 =	vadd.f32 v5, v6;
	v5 =	vld [tilespmem:s23+$0x550]  }
0x1e3: {  	v6 =	vld [tilespmem:s23+$0xC550]  }
0x1e4: {  	[tilespmem:s23+$0x530] =	vst v4;
	v4 =	vld [tilespmem:s23+$0x560];
	v3 =	vadd.f32 v7, v3  }
0x1e5: {  	v7 =	vld [tilespmem:s23+$0xC560]  }
0x1e6: {  	v8 =	vadd.f32 v9, v8;
	v9 =	vld [tilespmem:s23+$0x570];
	[tilespmem:s22+$0x170] =	vst v3  }
0x1e7: {  	v3 =	vld [tilespmem:s23+$0xC570]  }
0x1e8: {  	[tilespmem:s23+$0x540] =	vst v8;
	v5 =	vadd.f32 v6, v5;
	v6 =	vld [tilespmem:s29+$0x100]  }
0x1e9: {  	v8 =	vld [tilespmem:s29+$0x110]  }
0x1ea: {  	[tilespmem:s23+$0x550] =	vst v5;
	v4 =	vadd.f32 v7, v4;
	v5 =	vld [tilespmem:s22+$0x100]  }
0x1eb: {  	v7 =	vld [tilespmem:s29+$0x120]  }
0x1ec: {  	[tilespmem:s23+$0x560] =	vst v4;
	v3 =	vadd.f32 v3, v9;
	v4 =	vld [tilespmem:s22+$0xC100]  }
0x1ed: {  	v9 =	vld [tilespmem:s29+$0x130]  }
0x1ee: {  	[tilespmem:s23+$0x570] =	vst v3;
	v3 =	vld [tilespmem:s22+$0x110]  }
0x1ef: {  	v10 =	vld [tilespmem:s29+$0xC100]  }
0x1f0: {  	v11 =	vld [tilespmem:s29+$0xC110]  }
0x1f1: {  	v12 =	vld [tilespmem:s29+$0xC120];
	v4 =	vadd.f32 v4, v5  }
0x1f2: {  	v5 =	vld [tilespmem:s29+$0xC130]  }
0x1f3: {  	v13 =	vld [tilespmem:s29+$0x140];
	[tilespmem:s22+$0x100] =	vst v4  }
0x1f4: {  	v4 =	vadd.f32 v10, v6;
	v6 =	vld [tilespmem:s29+$0xC140]  }
0x1f5: {  	v8 =	vadd.f32 v11, v8;
	v10 =	vld [tilespmem:s29+$0x150]  }
0x1f6: {  	[tilespmem:s29+$0x100] =	vst v4;
	v4 =	vadd.f32 v12, v7;
	v7 =	vld [tilespmem:s29+$0xC150]  }
0x1f7: {  	[tilespmem:s29+$0x110] =	vst v8;
	v5 =	vadd.f32 v5, v9;
	v8 =	vld [tilespmem:s29+$0x160]  }
0x1f8: {  	[tilespmem:s29+$0x120] =	vst v4;
	v4 =	vld [tilespmem:s29+$0xC160]  }
0x1f9: {  	[tilespmem:s29+$0x130] =	vst v5;
	v5 =	vadd.f32 v6, v13;
	v6 =	vld [tilespmem:s29+$0x170]  }
0x1fa: {  	v9 =	vld [tilespmem:s29+$0xC170]  }
0x1fb: {  	[tilespmem:s29+$0x140] =	vst v5;
	v5 =	vadd.f32 v7, v10;
	v7 =	vld [tilespmem:s30+$0x100]  }
0x1fc: {  	v10 =	vld [tilespmem:s30+$0x110]  }
0x1fd: {  	[tilespmem:s29+$0x150] =	vst v5;
	v4 =	vadd.f32 v4, v8;
	v5 =	vld [tilespmem:s22+$0xC110]  }
0x1fe: {  	v8 =	vld [tilespmem:s30+$0x120]  }
0x1ff: {  	[tilespmem:s29+$0x160] =	vst v4;
	v4 =	vadd.f32 v9, v6;
	v6 =	vld [tilespmem:s22+$0x120]  }
0x200: {  	v9 =	vld [tilespmem:s30+$0x130]  }
0x201: {  	[tilespmem:s29+$0x170] =	vst v4;
	v4 =	vld [tilespmem:s22+$0xC120]  }
0x202: {  	v11 =	vld [tilespmem:s30+$0xC100];
	v3 =	vadd.f32 v5, v3  }
0x203: {  	v5 =	vld [tilespmem:s30+$0xC110]  }
0x204: {  	v12 =	vld [tilespmem:s30+$0xC120];
	[tilespmem:s22+$0x110] =	vst v3  }
0x205: {  	v3 =	vld [tilespmem:s30+$0xC130]  }
0x206: {  	v13 =	vld [tilespmem:s30+$0x140];
	v4 =	vadd.f32 v4, v6  }
0x207: {  	v6 =	vadd.f32 v11, v7;
	v7 =	vld [tilespmem:s30+$0xC140]  }
0x208: {  	v5 =	vadd.f32 v5, v10;
	v10 =	vld [tilespmem:s30+$0x150];
	[tilespmem:s22+$0x120] =	vst v4  }
0x209: {  	[tilespmem:s30+$0x100] =	vst v6;
	v4 =	vadd.f32 v12, v8;
	v6 =	vld [tilespmem:s30+$0xC150]  }
0x20a: {  	[tilespmem:s30+$0x110] =	vst v5;
	v3 =	vadd.f32 v3, v9;
	v5 =	vld [tilespmem:s30+$0x160]  }
0x20b: {  	[tilespmem:s30+$0x120] =	vst v4;
	v4 =	vld [tilespmem:s30+$0xC160]  }
0x20c: {  	[tilespmem:s30+$0x130] =	vst v3;
	v3 =	vadd.f32 v7, v13;
	v7 =	vld [tilespmem:s30+$0x170]  }
0x20d: {  	v8 =	vld [tilespmem:s30+$0xC170]  }
0x20e: {  	[tilespmem:s30+$0x140] =	vst v3;
	v3 =	vadd.f32 v6, v10;
	v6 =	vld [tilespmem:s31+$0x100]  }
0x20f: {  	v9 =	vld [tilespmem:s31+$0x110]  }
0x210: {  	[tilespmem:s30+$0x150] =	vst v3;
	v3 =	vadd.f32 v4, v5;
	v4 =	vld [tilespmem:s22+$0x130]  }
0x211: {  	v5 =	vld [tilespmem:s31+$0x120]  }
0x212: {  	[tilespmem:s30+$0x160] =	vst v3;
	v3 =	vadd.f32 v8, v7;
	v7 =	vld [tilespmem:s22+$0xC130]  }
0x213: {  	v8 =	vld [tilespmem:s31+$0x130]  }
0x214: {  	[tilespmem:s30+$0x170] =	vst v3;
	v3 =	vld [tilespmem:s22+$0x140]  }
0x215: {  	v10 =	vld [tilespmem:s31+$0xC100]  }
0x216: {  	v11 =	vld [tilespmem:s31+$0xC110]  }
0x217: {  	v12 =	vld [tilespmem:s31+$0xC120];
	v4 =	vadd.f32 v7, v4  }
0x218: {  	v7 =	vld [tilespmem:s31+$0xC130]  }
0x219: {  	v13 =	vld [tilespmem:s31+$0x140];
	[tilespmem:s22+$0x130] =	vst v4  }
0x21a: {  	v4 =	vadd.f32 v10, v6;
	v6 =	vld [tilespmem:s31+$0xC140]  }
0x21b: {  	v9 =	vadd.f32 v11, v9;
	v10 =	vld [tilespmem:s31+$0x150]  }
0x21c: {  	[tilespmem:s31+$0x100] =	vst v4;
	v4 =	vadd.f32 v12, v5;
	v5 =	vld [tilespmem:s31+$0xC150]  }
0x21d: {  	[tilespmem:s31+$0x110] =	vst v9;
	v7 =	vadd.f32 v7, v8;
	v8 =	vld [tilespmem:s31+$0x160]  }
0x21e: {  	[tilespmem:s31+$0x120] =	vst v4;
	v4 =	vld [tilespmem:s31+$0xC160]  }
0x21f: {  	[tilespmem:s31+$0x130] =	vst v7;
	v6 =	vadd.f32 v6, v13;
	v7 =	vld [tilespmem:s31+$0x170]  }
0x220: {  	v9 =	vld [tilespmem:s31+$0xC170]  }
0x221: {  	[tilespmem:s31+$0x140] =	vst v6;
	v5 =	vadd.f32 v5, v10;
	v6 =	vld [tilespmem:s24+$0x100]  }
0x222: {  	v10 =	vld [tilespmem:s24+$0x110]  }
0x223: {  	[tilespmem:s31+$0x150] =	vst v5;
	v4 =	vadd.f32 v4, v8;
	v5 =	vld [tilespmem:s22+$0xC140]  }
0x224: {  	v8 =	vld [tilespmem:s24+$0x120]  }
0x225: {  	[tilespmem:s31+$0x160] =	vst v4;
	v4 =	vadd.f32 v9, v7;
	v7 =	vld [tilespmem:s22+$0x150]  }
0x226: {  	v11 =	vld [tilespmem:s24+$0x130]  }
0x227: {  	[tilespmem:s31+$0x170] =	vst v4;
	v4 =	vld [tilespmem:s22+$0xC150]  }
0x228: {  	v9 =	vld [tilespmem:s24+$0xC100];
	v3 =	vadd.f32 v5, v3  }
0x229: {  	v12 =	vld [tilespmem:s24+$0xC110]  }
0x22a: {  	v13 =	vld [tilespmem:s24+$0xC120];
	[tilespmem:s22+$0x140] =	vst v3  }
0x22b: {  	v14 =	vld [tilespmem:s24+$0xC130]  }
.Ltmp0:
0x22c: {  	v3 =	vld [tilespmem:s24+$0x140];
	v7 =	vadd.f32 v4, v7;
	(pc) =	sbr.rel @p0 .LBB2_2-.Ltmp0, $4  }
0x22d: {  	v6 =	vadd.f32 v9, v6;
	v5 =	vld [tilespmem:s24+$0xC140]  }
0x22e: {  	v10 =	vadd.f32 v12, v10;
	v4 =	vld [tilespmem:s24+$0x150];
	[tilespmem:s22+$0x150] =	vst v7  }
0x22f: {  	[tilespmem:s24+$0x100] =	vst v6;
	v9 =	vadd.f32 v13, v8;
	v7 =	vld [tilespmem:s24+$0xC150]  }
0x230: {  	[tilespmem:s24+$0x110] =	vst v10;
	v8 =	vadd.f32 v14, v11;
	v6 =	vld [tilespmem:s24+$0x160]  }
0x231: {  	v61 =	vld [tilespmem:s24+$0xC160]  }
0x232: {  	v62 =	vld [tilespmem:s24+$0x170]  }
0x233: {  	v10 =	vld [tilespmem:s24+$0xC170]  }
0x234: {  	v11 =	vld [tilespmem:s22+$0x160]  }
0x235: {  	v12 =	vld [tilespmem:s22+$0xC160]  }
0x236: {  	[tilespmem:s24+$0x120] =	vst v9;
	v3 =	vadd.f32 v5, v3  }
0x237: {  	[tilespmem:s24+$0x130] =	vst v8;
	v4 =	vadd.f32 v7, v4  }
0x238: {  	[tilespmem:s24+$0x140] =	vst v3;
	v3 =	vadd.f32 v61, v6  }
0x239: {  	[tilespmem:s24+$0x150] =	vst v4;
	v63 =	vadd.f32 v10, v62  }
0x23a: {  	s19 =	sadd.s32 $0x1, s19;
	[tilespmem:s24+$0x160] =	vst v3;
	v3 =	vadd.f32 v12, v11  }
0x23b: {  	p0 =	sne.s32 s19, s9;
	[tilespmem:s24+$0x170] =	vst v63  }
.Ltmp1:
0x23c: {  	[tilespmem:s22+$0x160] =	vst v3;
	(pc) =	sbr.rel @p0 .LBB2_1-.Ltmp1, $4  }
0x23d: {  	[hbm4b:s8+s2] =	stream.linear.scatter [tilespmem:s12], [sflag:$0x2], $0xC000, $0x38;
	[tilespmem:$0x18100] =	vst v63  }
0x23e: {  	_ =	swait.ge [sflag:s10], $0xC000  }
0x23f: {  	[sflag:s10] =	ssyncset.done $0x0  }
0x240: {  	[sflag:s10] =	ssyncadd.s32 $0xFFFF4000  }
0x241: {  	_ =	sfence.sel $0x180000  }
0x242: {  	[bflag:$0x0] =	sbarrier.arrive $0xFFFF  }
0x243: {  	_ =	strace $0x9000004A  }
0x244: {  	s0 =	stileid.u32;
	[bflag:$0x2] =	sbarrier.arrive $0xFFFF  }
0x245: {  	p0 =	sne.s32 s0, $0x0;
	s0 =	rddreg [dreg:$0x2]  }
0x246: {  	s0 =	sadd.s32 @!p0 $0x100000, s0  }
0x247: {  	[sflag:s0] =	ssyncadd.tile.s32 @!p0 $0x1;
	_ =	shalt  }
.Lfunc_end2:
_tile_overlayer_lowered:
.L_overlay_start_2:
0x248: {  	(tag) =	ssettag $0x2  }
0x249: {  	s0 =	rddreg [dreg:$0x0];
	s2 =	stileid.u32  }
0x24a: {  	s1 =	rddreg [dreg:$0x1];
	p0 =	sne.s32 s2, $0x0  }
0x24b: {  	s3 =	rddreg [dreg:$0x2];
	[bflag:$0x3] =	sbarrier.arrive $0xFFFF;
	s2 =	simm.s32 @!p0 $0x1C02  }
0x24c: {  	[timem:s3], [sflag:s2] =	dma.local @!p0 [hbm:s0], s1  }
0x24d: {  	s0 =	simm.s32 @!p0 $0x2  }
0x24e: {  	_ =	swait.ge @!p0 [sflag:s0], s1  }
0x24f: {  	s1 =	ssub.s32 @!p0 $0x0, s1;
	[sflag:s0] =	ssyncset.done @!p0 $0x0  }
0x250: {  	[sflag:s0] =	ssyncadd.s32 @!p0 s1  }
0x251: {  	[bflag:$0x3] =	sbarrier.arrive $0xFFFF  }
0x252: {  	_ =	shalt  }

</sc_bundles>
